<compile_context>
chip_gen: v7x
topology: tpu7x:2x2x1
jax: 0.10.2.dev20260603
libtpu: 0.0.44.dev20260713+nightly
codegen_flags: <defaults>
</compile_context>

<pallas_src>
import jax
import jax.numpy as jnp
from jax.experimental import pallas as pl
from jax.experimental.pallas import tpu as pltpu


def _chunk_loss(y, z, Y):
    zero = jnp.zeros_like(y[0])

    best = jnp.full_like(y[0], -7.0)
    f = zero
    for t in range(2, Y - 1):
        d = y[t] - y[t - 1]
        take = d < best
        best = jnp.where(take, d, best)
        f = jnp.where(take, jnp.float32(t), f)

    m = [f > t for t in range(Y - 2)]

    ty = [t * y[t] for t in range(1, Y)]
    Ty = y[0]
    for t in range(1, Y):
        Ty = Ty + y[t]
    Tty = ty[0]
    for t in range(2, Y):
        Tty = Tty + ty[t - 1]
    SyB = jnp.where(m[0], y[0], 0.0)
    for t in range(1, Y - 2):
        SyB = SyB + jnp.where(m[t], y[t], 0.0)
    SxyB = jnp.where(m[1], ty[0], 0.0)
    for t in range(2, Y - 2):
        SxyB = SxyB + jnp.where(m[t], ty[t - 1], 0.0)

    nB = jnp.maximum(f, 2.0)
    mxB = (nB - 1.0) * 0.5
    varB = nB * (nB * nB - 1.0) * (1.0 / 12.0)
    slopeB = (SxyB - mxB * SyB) / varB
    cB = jnp.clip(SyB / nB - slopeB * mxB, 0.0, 100.0)
    sB = jnp.clip(slopeB, 0.0, 2.0)

    nA = Y - f
    SyA = Ty - SyB
    SxyA = (Tty - SxyB) - f * SyA
    mxA = (nA - 1.0) * 0.5
    varA = nA * (nA * nA - 1.0) * (1.0 / 12.0)
    slopeA = (SxyA - mxA * SyA) / varA
    cA = jnp.clip(SyA / nA - slopeA * mxA, 0.0, 100.0)
    sA = jnp.clip(slopeA, 0.0, 2.0)
    cAg = cA - sA * f

    acc = zero
    for t in range(Y):
        if t == 0:
            r = jnp.where(m[0], cB, cAg) - z[0]
        elif t <= Y - 3:
            s = jnp.where(m[t], sB, sA)
            c = jnp.where(m[t], cB, cAg)
            r = s * t + c - z[t]
        else:
            r = sA * t + cAg - z[t]
        acc = acc + r * r
    return acc


def _make_body(Y, BH, W, inv_n):
    CR = 32

    def body(out_ref, acc_ref):
        i = pl.program_id(0)

        def chunk(k, acc):
            r = k * CR
            y = [out_ref[0, 0, t, pl.ds(r, CR), :] for t in range(Y)]
            z = [out_ref[0, 1, t, pl.ds(r, CR), :] for t in range(Y)]
            return acc + _chunk_loss(y, z, Y)

        acc = jax.lax.fori_loop(
            0, BH // CR, chunk, jnp.zeros((CR, W), jnp.float32)
        )
        partial = jnp.sum(acc) * inv_n

        @pl.when(i == 0)
        def _init():
            acc_ref[0, 0] = 0.0

        acc_ref[0, 0] += partial

    return body


def _loss_sum(out, inv_n, b_start, b_count):
    _, _, Y, H, W = out.shape
    BH = min(256, H)
    nH = H // BH
    n_steps = b_count * nH
    body = _make_body(Y, BH, W, inv_n)
    res = pl.pallas_call(
        body,
        grid=(n_steps,),
        in_specs=[
            pl.BlockSpec(
                (1, 2, Y, BH, W),
                lambda i: (b_start + i // nH, 0, 0, i % nH, 0),
            )
        ],
        out_specs=pl.BlockSpec((1, 1), lambda i: (0, 0),
                               memory_space=pltpu.SMEM),
        out_shape=jax.ShapeDtypeStruct((1, 1), jnp.float32),
    )(out)
    return res[0, 0]


def _sc_loss_sum(out, inv_n, b_count):
    import jax.experimental.pallas.tpu_sc as plsc

    _, _, Y, H, W = out.shape
    BHs, BWs = 8, 128
    mesh = plsc.VectorSubcoreMesh(core_axis_name="core",
                                  subcore_axis_name="subcore")

    @pl.kernel(
        out_type=jax.ShapeDtypeStruct((2, 16, 16), jnp.float32),
        mesh=mesh,
        scratch_types=[pltpu.VMEM((16,), jnp.float32)],
    )
    def sc_kernel(x_hbm, o_hbm, acc_ref):
        ci = jax.lax.axis_index("core")
        si = jax.lax.axis_index("subcore")
        acc_ref[...] = jnp.zeros((16,), jnp.float32)

        def body(x_vmem):
            @pl.loop(0, BHs)
            def _rows(r):
                def _cols(c, acc):
                    y = [x_vmem[0, 0, t, r, pl.ds(c, 16)] for t in range(Y)]
                    z = [x_vmem[0, 1, t, r, pl.ds(c, 16)] for t in range(Y)]
                    return acc + _chunk_loss(y, z, Y)

                acc = plsc.parallel_loop(
                    0, BWs, 16, unroll=1,
                    carry=jnp.zeros((16,), jnp.float32),
                )(_cols)
                acc_ref[...] += acc

        pltpu.emit_pipeline(
            body,
            grid=(b_count, H // BHs, W // BWs),
            in_specs=[
                pl.BlockSpec((1, 2, Y, BHs, BWs),
                             lambda b, i, j: (b, 0, 0, i, j))
            ],
            core_axis_name=("core", "subcore"),
            dimension_semantics=(pltpu.PARALLEL, pltpu.PARALLEL,
                                 pltpu.PARALLEL),
        )(x_hbm)
        pltpu.sync_copy(acc_ref, o_hbm.at[ci, si])

    return jnp.sum(sc_kernel(out)) * inv_n


def kernel(out, target):
    del target
    B, _, Y, H, W = out.shape
    inv_n = 1.0 / (B * Y * H * W)
    b_sc = 1 if B > 1 else 0
    if b_sc == 0:
        return _loss_sum(out, inv_n, 0, B)
    sc = _sc_loss_sum(out, inv_n, b_sc)
    tc = _loss_sum(out, inv_n, b_sc, B - b_sc)
    return tc + sc

# --- scband reference (transcript-rebuilt; emitter-appended) ---
"""Pipeline reference for scband-disturbance-regression-loss2-heads-41446434406841 (READ-ONLY COPY).

The authoritative reference and input builder live on the scoring server;
editing this copy changes nothing except your own understanding.
"""

import jax, jax.numpy as jnp
import numpy as np

SLOPE_MIN = 0.0
SLOPE_MAX = 2.0
DISTURBANCE_INDICATOR = 7.0
MAX_INTERCEPT_AFTER_DISTURBANCE = 100.0


def _fit_local(out0, max_intercept=100.0):
    B, Y, H, W = out0.shape
    if Y <= 1:
        return out0, jnp.zeros((B, 1, H, W), dtype=out0.dtype)
    o = jax.lax.stop_gradient(out0)  # torch.no_grad equivalent
    x = jnp.arange(Y, dtype=o.dtype)
    mean_x = x.mean()
    mean_y = o.mean(axis=-3, keepdims=True)
    cov_xy = ((x - mean_x).reshape(1, Y, 1, 1) * (o - mean_y)).sum(axis=-3, keepdims=True)
    var_x = ((x - mean_x) ** 2).sum()
    slope = cov_xy / var_x
    intercept = jnp.clip(mean_y - slope * mean_x, 0.0, max_intercept)
    year_index = jnp.arange(Y, dtype=slope.dtype).reshape(1, Y, 1, 1)
    fitted = jnp.clip(slope, SLOPE_MIN, SLOPE_MAX) * year_index + intercept
    return fitted, slope


def _disturbance_idx(out0):
    o = jax.lax.stop_gradient(out0)
    B, Y, H, W = o.shape
    diff = jnp.diff(o, axis=-3)
    diff = jnp.concatenate([-DISTURBANCE_INDICATOR * jnp.ones((B, 1, H, W), dtype=o.dtype), diff], axis=-3)
    # full_disturbance_window == False
    diff = diff.at[:, 1, :, :].set(0.0)
    diff = diff.at[:, -1, :, :].set(0.0)
    idx = jnp.argmin(diff, axis=-3)
    return idx, jnp.zeros_like(idx)


def _get_regression(out):
    out0 = out[:, 0]
    B, Y, H, W = out0.shape
    fitted_values = jnp.zeros_like(out0)
    slope_no_disturbance = jnp.zeros((B, H, W), dtype=out0.dtype)
    dist_idx, _ = _disturbance_idx(out0)
    slope_after_current = None
    for f in range(Y):
        mask = (dist_idx == f)  # (B,H,W) — 'where' scatter index in torch
        if f == 0:
            fitted_after, slope_after_current = _fit_local(out0, max_intercept=100.0)
        else:
            fitted_before, _ = _fit_local(out0[:, :f], max_intercept=100.0)
            fitted_after, _ = _fit_local(out0[:, f:], max_intercept=MAX_INTERCEPT_AFTER_DISTURBANCE)
        m = mask[:, None, :, :]
        if f > 0:
            fitted_values = fitted_values.at[:, :f].set(jnp.where(m, fitted_before, fitted_values[:, :f]))
        fitted_values = fitted_values.at[:, f:].set(jnp.where(m, fitted_after, fitted_values[:, f:]))
        slope_no_disturbance = jnp.where(mask, slope_after_current[:, 0], slope_no_disturbance)
    disturbance_mask = dist_idx > 0
    return fitted_values, disturbance_mask, slope_no_disturbance


def setup_inputs(seed: int = 0) -> dict:
    key = jax.random.key(seed)
    k1, k2 = jax.random.split(key)
    out = jax.random.normal(k1, (4, 2, 12, 512, 512), dtype=jnp.float32)
    target = jax.random.normal(k2, (4, 12, 512, 512), dtype=jnp.float32)
    return {"out": out, "target": target}


def reference(out, target):
    out1 = out[:, 1]
    fitted_values, disturbance_mask, slope_no_disturbance = _get_regression(out)
    # use_l2=True, disturbance_factor=1, no_disturbance_factor=1 -> factor branches skipped
    loss = (fitted_values - out1) ** 2
    loss = loss.mean(axis=-3)
    return loss.mean()

if __name__ == "__main__":
    import jax
    _d = setup_inputs()
    print(jax.jit(kernel)(*tuple(_d.values())))

</pallas_src>

<mosaic_0001>
#map = affine_map<(d0, d1) -> (0, 0, 0, 0, 0)>
#map1 = affine_map<(d0, d1) -> (0, 0, 0)>
module attributes {stable_mosaic.version = 14 : i64} {
  func.func @sc_kernel(%arg0: i32, %arg1: i32, %arg2: memref<4x2x12x512x512xf32, #tpu.memory_space<hbm>>, %arg3: memref<2x16x16xf32, #tpu.memory_space<hbm>>, %arg4: memref<16xf32, #tpu.memory_space<vmem>>) attributes {dimension_semantics = [#tpu.dimension_semantics<core_parallel>, #tpu.dimension_semantics<subcore_parallel>], iteration_bounds = array<i64: 2, 16>, scalar_prefetch = 0 : i64, scratch_operands = 1 : i64, tpu.core_type = #tpu.core_type<sc_vector_subcore>, window_params = [{transform_indices = #map}, {transform_indices = #map1}]} {
    %broadcast_in_dim3A = arith.constant 0.000000e+00 : f32
    %broadcast_in_dim3A_0 = vector.broadcast %broadcast_in_dim3A : f32 to vector<16xf32>
    %swap3A = arith.constant 0 : index
    %swap3A_1 = tpu.vector_load %arg4[%swap3A] {strides = array<i32>} : memref<16xf32, #tpu.memory_space<vmem>>, vector<16xf32>,
    %swap3A_2 = vector.shape_cast %swap3A_1 : vector<16xf32> to vector<16xf32>
    %swap3A_3 = vector.shape_cast %broadcast_in_dim3A_0 : vector<16xf32> to vector<16xf32>
    tpu.vector_store %arg4[%swap3A], %swap3A_3 {strides = array<i32>} : memref<16xf32, #tpu.memory_space<vmem>>, vector<16xf32>,
    %mul3A = arith.constant 1 : i32
    %mul3A_4 = arith.muli %arg1, %mul3A : i32
    %add3A = arith.constant 0 : i32
    %add3A_5 = arith.addi %add3A, %mul3A_4 : i32
    %mul3A_6 = arith.constant 16 : i32
    %mul3A_7 = arith.muli %arg0, %mul3A_6 : i32
    %add3A_8 = arith.addi %add3A_5, %mul3A_7 : i32
    %mul3A_9 = arith.constant 2 : i32
    %mul3A_10 = arith.muli %add3A_8, %mul3A_9 : i32
    "tpu.region"() ({
      %run_scoped3A = memref.alloca() : memref<2x1x2x12x8x128xf32, #tpu.memory_space<vmem>>
      %run_scoped3A_11 = tpu.sem_alloc : memref<2x!tpu.dma_semaphore, #tpu.memory_space<semaphore_mem>>
      %add3A_12 = arith.constant 0 : i32
      %add3A_13 = arith.addi %add3A_12, %mul3A_10 : i32
      %select_n3A = arith.constant true
      %select_n3A_14 = arith.constant 0 : i32
      %select_n3A_15 = arith.constant -1 : i32
      %select_n3A_16 = arith.select %select_n3A, %select_n3A_15, %select_n3A_14 : i32
      %eq3A = arith.constant -1 : i32
      %eq3A_17 = arith.cmpi eq, %select_n3A_16, %eq3A : i32
      %select_n3A_18 = arith.constant 3 : i32
      %select_n3A_19 = arith.select %eq3A_17, %select_n3A_18, %select_n3A_16 : i32
      %select_n3A_20 = arith.constant 0 : i32
      %select_n3A_21 = arith.constant -1 : i32
      %select_n3A_22 = arith.select %eq3A_17, %select_n3A_21, %select_n3A_20 : i32
      %eq3A_23 = arith.constant -1 : i32
      %eq3A_24 = arith.cmpi eq, %select_n3A_22, %eq3A_23 : i32
      %select_n3A_25 = arith.constant 1 : i32
      %select_n3A_26 = arith.select %eq3A_24, %select_n3A_25, %select_n3A_22 : i32
      %select_n3A_27 = arith.constant 0 : i32
      %select_n3A_28 = arith.constant -1 : i32
      %select_n3A_29 = arith.select %eq3A_24, %select_n3A_28, %select_n3A_27 : i32
      %eq3A_30 = arith.constant -1 : i32
      %eq3A_31 = arith.cmpi eq, %select_n3A_29, %eq3A_30 : i32
      %select_n3A_32 = arith.constant 0 : i32
      %select_n3A_33 = arith.select %eq3A_31, %select_n3A_32, %select_n3A_29 : i32
      %add3A_34 = arith.addi %select_n3A_26, %mul3A_10 : i32
      %add3A_35 = arith.constant 0 : i32
      %add3A_36 = arith.addi %select_n3A_19, %add3A_35 : i32
      %select_n3A_37 = arith.constant true
      %select_n3A_38 = arith.constant 0 : i32
      %select_n3A_39 = arith.constant 1 : i32
      %select_n3A_40 = arith.select %select_n3A_37, %select_n3A_39, %select_n3A_38 : i32
      %eq3A_41 = arith.constant 4 : i32
      %eq3A_42 = arith.cmpi eq, %select_n3A_40, %eq3A_41 : i32
      %select_n3A_43 = arith.constant 0 : i32
      %select_n3A_44 = arith.select %eq3A_42, %select_n3A_43, %select_n3A_40 : i32
      %select_n3A_45 = arith.constant 0 : i32
      %select_n3A_46 = arith.constant 1 : i32
      %select_n3A_47 = arith.select %eq3A_42, %select_n3A_46, %select_n3A_45 : i32
      %eq3A_48 = arith.constant 2 : i32
      %eq3A_49 = arith.cmpi eq, %select_n3A_47, %eq3A_48 : i32
      %select_n3A_50 = arith.constant 0 : i32
      %select_n3A_51 = arith.select %eq3A_49, %select_n3A_50, %select_n3A_47 : i32
      %select_n3A_52 = arith.constant 0 : i32
      %select_n3A_53 = arith.constant 1 : i32
      %select_n3A_54 = arith.select %eq3A_49, %select_n3A_53, %select_n3A_52 : i32
      %eq3A_55 = arith.constant 1 : i32
      %eq3A_56 = arith.cmpi eq, %select_n3A_54, %eq3A_55 : i32
      %select_n3A_57 = arith.constant 0 : i32
      %select_n3A_58 = arith.select %eq3A_56, %select_n3A_57, %select_n3A_54 : i32
      %add3A_59 = arith.addi %select_n3A_51, %mul3A_10 : i32
      %add3A_60 = arith.constant 0 : i32
      %add3A_61 = arith.addi %select_n3A_44, %add3A_60 : i32
      %add3A_62 = arith.constant 1 : i32
      %add3A_63 = arith.addi %select_n3A_44, %add3A_62 : i32
      %select_n3A_64 = arith.constant true
      %select_n3A_65 = arith.select %select_n3A_64, %add3A_63, %select_n3A_44 : i32
      %eq3A_66 = arith.constant 4 : i32
      %eq3A_67 = arith.cmpi eq, %select_n3A_65, %eq3A_66 : i32
      %select_n3A_68 = arith.constant 0 : i32
      %select_n3A_69 = arith.select %eq3A_67, %select_n3A_68, %select_n3A_65 : i32
      %add3A_70 = arith.constant 1 : i32
      %add3A_71 = arith.addi %select_n3A_51, %add3A_70 : i32
      %select_n3A_72 = arith.select %eq3A_67, %add3A_71, %select_n3A_51 : i32
      %eq3A_73 = arith.constant 2 : i32
      %eq3A_74 = arith.cmpi eq, %select_n3A_72, %eq3A_73 : i32
      %select_n3A_75 = arith.constant 0 : i32
      %select_n3A_76 = arith.select %eq3A_74, %select_n3A_75, %select_n3A_72 : i32
      %select_n3A_77 = arith.constant 0 : i32
      %select_n3A_78 = arith.constant 1 : i32
      %select_n3A_79 = arith.select %eq3A_74, %select_n3A_78, %select_n3A_77 : i32
      %eq3A_80 = arith.constant 1 : i32
      %eq3A_81 = arith.cmpi eq, %select_n3A_79, %eq3A_80 : i32
      %select_n3A_82 = arith.constant 0 : i32
      %select_n3A_83 = arith.select %eq3A_81, %select_n3A_82, %select_n3A_79 : i32
      %add3A_84 = arith.addi %select_n3A_76, %mul3A_10 : i32
      %add3A_85 = arith.constant 0 : i32
      %add3A_86 = arith.addi %select_n3A_69, %add3A_85 : i32
      "tpu.trace_start"() <{level = 10 : i32, message = "ep_initialize_0"}> : () -> ()
      %rem3A = arith.constant 0 : i32
      %rem3A_87 = arith.constant 2 : i32
      %rem3A_88 = arith.remui %rem3A, %rem3A_87 : i32
      %mul3A_89 = arith.constant 8 : i32
      %mul3A_90 = arith.muli %mul3A_89, %add3A_13 : i32
      %dma_start3A = arith.constant 0 : i32
      %dma_start3A_91 = arith.constant 0 : i32
      %dma_start3A_92 = arith.constant 0 : i32
      %dma_start3A_93 = arith.constant 0 : i32
      %dma_start3A_94 = arith.constant 0 : i32
      %dma_start3A_95 = tpu.memref_slice %run_scoped3A[%rem3A_88, %dma_start3A, %dma_start3A_91, %dma_start3A_92, %dma_start3A_93, %dma_start3A_94] : memref<2x1x2x12x8x128xf32, #tpu.memory_space<vmem>> -> memref<1x1x2x12x8x128xf32, #tpu.memory_space<vmem>>
      %dma_start3A_96 = tpu.memref_squeeze %dma_start3A_95 : memref<1x1x2x12x8x128xf32, #tpu.memory_space<vmem>> -> memref<1x2x12x8x128xf32, #tpu.memory_space<vmem>>
      %dma_start3A_97 = arith.constant 0 : i32
      %dma_start3A_98 = arith.constant 0 : i32
      %dma_start3A_99 = arith.constant 0 : i32
      %dma_start3A_100 = arith.constant 0 : i32
      %dma_start3A_101 = tpu.memref_slice %arg2[%dma_start3A_97, %dma_start3A_98, %dma_start3A_99, %mul3A_90, %dma_start3A_100] : memref<4x2x12x512x512xf32, #tpu.memory_space<hbm>> -> memref<1x2x12x8x128xf32, #tpu.memory_space<hbm>>
      %dma_start3A_102 = tpu.memref_slice %run_scoped3A_11[%rem3A_88] : memref<2x!tpu.dma_semaphore, #tpu.memory_space<semaphore_mem>> -> memref<1x!tpu.dma_semaphore, #tpu.memory_space<semaphore_mem>>
      %dma_start3A_103 = tpu.memref_squeeze %dma_start3A_102 : memref<1x!tpu.dma_semaphore, #tpu.memory_space<semaphore_mem>> -> memref<!tpu.dma_semaphore, #tpu.memory_space<semaphore_mem>>
      %dma_start3A_104 = arith.constant 0 : i32
      %dma_start3A_105 = arith.constant 0 : i32
      %dma_start3A_106 = arith.constant 0 : i32
      %dma_start3A_107 = arith.constant 0 : i32
      %dma_start3A_108 = arith.constant 0 : i32
      %dma_start3A_109 = tpu.memref_slice %run_scoped3A[%rem3A_88, %dma_start3A_104, %dma_start3A_105, %dma_start3A_106, %dma_start3A_107, %dma_start3A_108] : memref<2x1x2x12x8x128xf32, #tpu.memory_space<vmem>> -> memref<1x1x2x12x8x128xf32, #tpu.memory_space<vmem>>
      %dma_start3A_110 = tpu.memref_squeeze %dma_start3A_109 : memref<1x1x2x12x8x128xf32, #tpu.memory_space<vmem>> -> memref<1x2x12x8x128xf32, #tpu.memory_space<vmem>>
      %dma_start3A_111 = arith.constant 0 : i32
      %dma_start3A_112 = arith.constant 0 : i32
      %dma_start3A_113 = arith.constant 0 : i32
      %dma_start3A_114 = arith.constant 0 : i32
      %dma_start3A_115 = tpu.memref_slice %arg2[%dma_start3A_111, %dma_start3A_112, %dma_start3A_113, %mul3A_90, %dma_start3A_114] : memref<4x2x12x512x512xf32, #tpu.memory_space<hbm>> -> memref<1x2x12x8x128xf32, #tpu.memory_space<hbm>>
      tpu.enqueue_dma source(%dma_start3A_115 : memref<1x2x12x8x128xf32, #tpu.memory_space<hbm>>) target(%dma_start3A_110 : memref<1x2x12x8x128xf32, #tpu.memory_space<vmem>>) target_semaphore(%dma_start3A_103 : memref<!tpu.dma_semaphore, #tpu.memory_space<semaphore_mem>>)
      %add3A_116 = arith.constant 0 : i32
      %add3A_117 = arith.constant 1 : i32
      %add3A_118 = arith.addi %add3A_116, %add3A_117 : i32
      %select_n3A_119 = arith.constant true
      %select_n3A_120 = arith.constant 0 : i32
      %select_n3A_121 = arith.select %select_n3A_119, %add3A_118, %select_n3A_120 : i32
      "tpu.trace_stop"() : () -> ()
      %scan3A = arith.constant 0 : i32
      %scan3A_122 = arith.constant 0 : i32
      %scan3A_123 = arith.constant 0 : i32
      %scan3A_124 = arith.constant 0 : i32
      %scan3A_125 = arith.constant 0 : i32
      %scan3A_126 = arith.constant 8 : i32
      %scan3A_127 = arith.addi %scan3A_125, %scan3A_126 : i32
      %scan3A_128 = arith.constant 1 : i32
      %scan3A_129:5 = scf.for %scan3A_230 = %scan3A_125 to %scan3A_127 step %scan3A_128 iter_args(%scan3A_231 = %select_n3A_121, %scan3A_232 = %scan3A, %scan3A_233 = %scan3A_122, %scan3A_234 = %scan3A_123, %scan3A_235 = %scan3A_124) -> (i32, i32, i32, i32, i32)  : i32 {
        %eq3A_236 = arith.constant 0 : i32
        %eq3A_237 = arith.cmpi eq, %scan3A_230, %eq3A_236 : i32
        %eq3A_238 = arith.constant 7 : i32
        %eq3A_239 = arith.cmpi eq, %scan3A_230, %eq3A_238 : i32
        %add3A_240 = arith.addi %scan3A_234, %mul3A_10 : i32
        %add3A_241 = arith.constant 0 : i32
        %add3A_242 = arith.addi %scan3A_235, %add3A_241 : i32
        %sub3A_243 = arith.constant 1 : i32
        %sub3A_244 = arith.subi %scan3A_235, %sub3A_243 : i32
        %select_n3A_245 = arith.constant true
        %select_n3A_246 = arith.select %select_n3A_245, %sub3A_244, %scan3A_235 : i32
        %eq3A_247 = arith.constant -1 : i32
        %eq3A_248 = arith.cmpi eq, %select_n3A_246, %eq3A_247 : i32
        %select_n3A_249 = arith.constant 3 : i32
        %select_n3A_250 = arith.select %eq3A_248, %select_n3A_249, %select_n3A_246 : i32
        %sub3A_251 = arith.constant 1 : i32
        %sub3A_252 = arith.subi %scan3A_234, %sub3A_251 : i32
        %select_n3A_253 = arith.select %eq3A_248, %sub3A_252, %scan3A_234 : i32
        %eq3A_254 = arith.constant -1 : i32
        %eq3A_255 = arith.cmpi eq, %select_n3A_253, %eq3A_254 : i32
        %select_n3A_256 = arith.constant 1 : i32
        %select_n3A_257 = arith.select %eq3A_255, %select_n3A_256, %select_n3A_253 : i32
        %select_n3A_258 = arith.constant 0 : i32
        %select_n3A_259 = arith.constant -1 : i32
        %select_n3A_260 = arith.select %eq3A_255, %select_n3A_259, %select_n3A_258 : i32
        %eq3A_261 = arith.constant -1 : i32
        %eq3A_262 = arith.cmpi eq, %select_n3A_260, %eq3A_261 : i32
        %select_n3A_263 = arith.constant 0 : i32
        %select_n3A_264 = arith.select %eq3A_262, %select_n3A_263, %select_n3A_260 : i32
        %add3A_265 = arith.addi %select_n3A_257, %mul3A_10 : i32
        %add3A_266 = arith.constant 0 : i32
        %add3A_267 = arith.addi %select_n3A_250, %add3A_266 : i32
        %add3A_268 = arith.constant 1 : i32
        %add3A_269 = arith.addi %scan3A_235, %add3A_268 : i32
        %select_n3A_270 = arith.constant true
        %select_n3A_271 = arith.select %select_n3A_270, %add3A_269, %scan3A_235 : i32
        %eq3A_272 = arith.constant 4 : i32
        %eq3A_273 = arith.cmpi eq, %select_n3A_271, %eq3A_272 : i32
        %select_n3A_274 = arith.constant 0 : i32
        %select_n3A_275 = arith.select %eq3A_273, %select_n3A_274, %select_n3A_271 : i32
        %add3A_276 = arith.constant 1 : i32
        %add3A_277 = arith.addi %scan3A_234, %add3A_276 : i32
        %select_n3A_278 = arith.select %eq3A_273, %add3A_277, %scan3A_234 : i32
        %eq3A_279 = arith.constant 2 : i32
        %eq3A_280 = arith.cmpi eq, %select_n3A_278, %eq3A_279 : i32
        %select_n3A_281 = arith.constant 0 : i32
        %select_n3A_282 = arith.select %eq3A_280, %select_n3A_281, %select_n3A_278 : i32
        %select_n3A_283 = arith.constant 0 : i32
        %select_n3A_284 = arith.constant 1 : i32
        %select_n3A_285 = arith.select %eq3A_280, %select_n3A_284, %select_n3A_283 : i32
        %eq3A_286 = arith.constant 1 : i32
        %eq3A_287 = arith.cmpi eq, %select_n3A_285, %eq3A_286 : i32
        %select_n3A_288 = arith.constant 0 : i32
        %select_n3A_289 = arith.select %eq3A_287, %select_n3A_288, %select_n3A_285 : i32
        %add3A_290 = arith.addi %select_n3A_282, %mul3A_10 : i32
        %add3A_291 = arith.constant 0 : i32
        %add3A_292 = arith.addi %select_n3A_275, %add3A_291 : i32
        %add3A_293 = arith.constant 1 : i32
        %add3A_294 = arith.addi %select_n3A_275, %add3A_293 : i32
        %select_n3A_295 = arith.constant true
        %select_n3A_296 = arith.select %select_n3A_295, %add3A_294, %select_n3A_275 : i32
        %eq3A_297 = arith.constant 4 : i32
        %eq3A_298 = arith.cmpi eq, %select_n3A_296, %eq3A_297 : i32
        %select_n3A_299 = arith.constant 0 : i32
        %select_n3A_300 = arith.select %eq3A_298, %select_n3A_299, %select_n3A_296 : i32
        %add3A_301 = arith.constant 1 : i32
        %add3A_302 = arith.addi %select_n3A_282, %add3A_301 : i32
        %select_n3A_303 = arith.select %eq3A_298, %add3A_302, %select_n3A_282 : i32
        %eq3A_304 = arith.constant 2 : i32
        %eq3A_305 = arith.cmpi eq, %select_n3A_303, %eq3A_304 : i32
        %select_n3A_306 = arith.constant 0 : i32
        %select_n3A_307 = arith.select %eq3A_305, %select_n3A_306, %select_n3A_303 : i32
        %select_n3A_308 = arith.constant 0 : i32
        %select_n3A_309 = arith.constant 1 : i32
        %select_n3A_310 = arith.select %eq3A_305, %select_n3A_309, %select_n3A_308 : i32
        %eq3A_311 = arith.constant 1 : i32
        %eq3A_312 = arith.cmpi eq, %select_n3A_310, %eq3A_311 : i32
        %select_n3A_313 = arith.constant 0 : i32
        %select_n3A_314 = arith.select %eq3A_312, %select_n3A_313, %select_n3A_310 : i32
        %add3A_315 = arith.addi %select_n3A_307, %mul3A_10 : i32
        %add3A_316 = arith.constant 0 : i32
        %add3A_317 = arith.addi %select_n3A_300, %add3A_316 : i32
        %ne3A = arith.cmpi ne, %add3A_240, %add3A_290 : i32
        %ne3A_318 = arith.cmpi ne, %add3A_242, %add3A_292 : i32
        %or3A = arith.constant false
        %or3A_319 = arith.ori %or3A, %ne3A : i1
        %or3A_320 = arith.ori %or3A_319, %ne3A_318 : i1
        %ge3A = arith.constant 7 : i32
        %ge3A_321 = arith.cmpi sge, %scan3A_230, %ge3A : i32
        %not3A = arith.constant true
        %not3A_322 = arith.xori %ge3A_321, %not3A : i1
        %and3A = arith.andi %or3A_320, %not3A_322 : i1
        %convert_element_type3A = arith.extui %and3A : i1 to i32
        %cond3A = arith.constant 0 : i32
        %cond3A_323 = arith.cmpi ne, %convert_element_type3A, %cond3A : i32
        scf.if %cond3A_323 {
          "tpu.trace_start"() <{level = 10 : i32, message = "ep_copy_in"}> : () -> ()
          %rem3A_401 = arith.constant 2 : i32
          %rem3A_402 = arith.remui %scan3A_231, %rem3A_401 : i32
          %mul3A_403 = arith.constant 8 : i32
          %mul3A_404 = arith.muli %mul3A_403, %add3A_290 : i32
          %mul3A_405 = arith.constant 128 : i32
          %mul3A_406 = arith.muli %mul3A_405, %add3A_292 : i32
          %dma_start3A_407 = arith.constant 0 : i32
          %dma_start3A_408 = arith.constant 0 : i32
          %dma_start3A_409 = arith.constant 0 : i32
          %dma_start3A_410 = arith.constant 0 : i32
          %dma_start3A_411 = arith.constant 0 : i32
          %dma_start3A_412 = tpu.memref_slice %run_scoped3A[%rem3A_402, %dma_start3A_407, %dma_start3A_408, %dma_start3A_409, %dma_start3A_410, %dma_start3A_411] : memref<2x1x2x12x8x128xf32, #tpu.memory_space<vmem>> -> memref<1x1x2x12x8x128xf32, #tpu.memory_space<vmem>>
          %dma_start3A_413 = tpu.memref_squeeze %dma_start3A_412 : memref<1x1x2x12x8x128xf32, #tpu.memory_space<vmem>> -> memref<1x2x12x8x128xf32, #tpu.memory_space<vmem>>
          %dma_start3A_414 = arith.constant 0 : i32
          %dma_start3A_415 = arith.constant 0 : i32
          %dma_start3A_416 = arith.constant 0 : i32
          %dma_start3A_417 = tpu.memref_slice %arg2[%dma_start3A_414, %dma_start3A_415, %dma_start3A_416, %mul3A_404, %mul3A_406] : memref<4x2x12x512x512xf32, #tpu.memory_space<hbm>> -> memref<1x2x12x8x128xf32, #tpu.memory_space<hbm>>
          %dma_start3A_418 = tpu.memref_slice %run_scoped3A_11[%rem3A_402] : memref<2x!tpu.dma_semaphore, #tpu.memory_space<semaphore_mem>> -> memref<1x!tpu.dma_semaphore, #tpu.memory_space<semaphore_mem>>
          %dma_start3A_419 = tpu.memref_squeeze %dma_start3A_418 : memref<1x!tpu.dma_semaphore, #tpu.memory_space<semaphore_mem>> -> memref<!tpu.dma_semaphore, #tpu.memory_space<semaphore_mem>>
          %dma_start3A_420 = arith.constant 0 : i32
          %dma_start3A_421 = arith.constant 0 : i32
          %dma_start3A_422 = arith.constant 0 : i32
          %dma_start3A_423 = arith.constant 0 : i32
          %dma_start3A_424 = arith.constant 0 : i32
          %dma_start3A_425 = tpu.memref_slice %run_scoped3A[%rem3A_402, %dma_start3A_420, %dma_start3A_421, %dma_start3A_422, %dma_start3A_423, %dma_start3A_424] : memref<2x1x2x12x8x128xf32, #tpu.memory_space<vmem>> -> memref<1x1x2x12x8x128xf32, #tpu.memory_space<vmem>>
          %dma_start3A_426 = tpu.memref_squeeze %dma_start3A_425 : memref<1x1x2x12x8x128xf32, #tpu.memory_space<vmem>> -> memref<1x2x12x8x128xf32, #tpu.memory_space<vmem>>
          %dma_start3A_427 = arith.constant 0 : i32
          %dma_start3A_428 = arith.constant 0 : i32
          %dma_start3A_429 = arith.constant 0 : i32
          %dma_start3A_430 = tpu.memref_slice %arg2[%dma_start3A_427, %dma_start3A_428, %dma_start3A_429, %mul3A_404, %mul3A_406] : memref<4x2x12x512x512xf32, #tpu.memory_space<hbm>> -> memref<1x2x12x8x128xf32, #tpu.memory_space<hbm>>
          tpu.enqueue_dma source(%dma_start3A_430 : memref<1x2x12x8x128xf32, #tpu.memory_space<hbm>>) target(%dma_start3A_426 : memref<1x2x12x8x128xf32, #tpu.memory_space<vmem>>) target_semaphore(%dma_start3A_419 : memref<!tpu.dma_semaphore, #tpu.memory_space<semaphore_mem>>)
          "tpu.trace_stop"() : () -> ()
        } else {
        }
        %and3A_324 = arith.constant true
        %and3A_325 = arith.andi %and3A, %and3A_324 : i1
        %add3A_326 = arith.constant 1 : i32
        %add3A_327 = arith.addi %scan3A_231, %add3A_326 : i32
        %select_n3A_328 = arith.select %and3A_325, %add3A_327, %scan3A_231 : i32
        %ne3A_329 = arith.cmpi ne, %add3A_240, %add3A_265 : i32
        %ne3A_330 = arith.cmpi ne, %add3A_242, %add3A_267 : i32
        %or3A_331 = arith.constant false
        %or3A_332 = arith.ori %or3A_331, %ne3A_329 : i1
        %or3A_333 = arith.ori %or3A_332, %ne3A_330 : i1
        %or3A_334 = arith.ori %or3A_333, %eq3A_237 : i1
        %convert_element_type3A_335 = arith.extui %or3A_334 : i1 to i32
        %cond3A_336 = arith.constant 0 : i32
        %cond3A_337 = arith.cmpi ne, %convert_element_type3A_335, %cond3A_336 : i32
        scf.if %cond3A_337 {
          "tpu.trace_start"() <{level = 10 : i32, message = "ep_wait_in"}> : () -> ()
          %mul3A_401 = arith.constant 8 : i32
          %mul3A_402 = arith.muli %mul3A_401, %add3A_240 : i32
          %mul3A_403 = arith.constant 128 : i32
          %mul3A_404 = arith.muli %mul3A_403, %add3A_242 : i32
          %rem3A_405 = arith.constant 2 : i32
          %rem3A_406 = arith.remui %scan3A_232, %rem3A_405 : i32
          %dma_wait3A = arith.constant 0 : i32
          %dma_wait3A_407 = arith.constant 0 : i32
          %dma_wait3A_408 = arith.constant 0 : i32
          %dma_wait3A_409 = arith.constant 0 : i32
          %dma_wait3A_410 = arith.constant 0 : i32
          %dma_wait3A_411 = tpu.memref_slice %run_scoped3A[%rem3A_406, %dma_wait3A, %dma_wait3A_407, %dma_wait3A_408, %dma_wait3A_409, %dma_wait3A_410] : memref<2x1x2x12x8x128xf32, #tpu.memory_space<vmem>> -> memref<1x1x2x12x8x128xf32, #tpu.memory_space<vmem>>
          %dma_wait3A_412 = tpu.memref_squeeze %dma_wait3A_411 : memref<1x1x2x12x8x128xf32, #tpu.memory_space<vmem>> -> memref<1x2x12x8x128xf32, #tpu.memory_space<vmem>>
          %dma_wait3A_413 = arith.constant 0 : i32
          %dma_wait3A_414 = arith.constant 0 : i32
          %dma_wait3A_415 = arith.constant 0 : i32
          %dma_wait3A_416 = tpu.memref_slice %arg2[%dma_wait3A_413, %dma_wait3A_414, %dma_wait3A_415, %mul3A_402, %mul3A_404] : memref<4x2x12x512x512xf32, #tpu.memory_space<hbm>> -> memref<1x2x12x8x128xf32, #tpu.memory_space<hbm>>
          %dma_wait3A_417 = tpu.memref_slice %run_scoped3A_11[%rem3A_406] : memref<2x!tpu.dma_semaphore, #tpu.memory_space<semaphore_mem>> -> memref<1x!tpu.dma_semaphore, #tpu.memory_space<semaphore_mem>>
          %dma_wait3A_418 = tpu.memref_squeeze %dma_wait3A_417 : memref<1x!tpu.dma_semaphore, #tpu.memory_space<semaphore_mem>> -> memref<!tpu.dma_semaphore, #tpu.memory_space<semaphore_mem>>
          %dma_wait3A_419 = arith.constant 0 : i32
          %dma_wait3A_420 = arith.constant 0 : i32
          %dma_wait3A_421 = arith.constant 0 : i32
          %dma_wait3A_422 = arith.constant 0 : i32
          %dma_wait3A_423 = arith.constant 0 : i32
          %dma_wait3A_424 = tpu.memref_slice %run_scoped3A[%rem3A_406, %dma_wait3A_419, %dma_wait3A_420, %dma_wait3A_421, %dma_wait3A_422, %dma_wait3A_423] : memref<2x1x2x12x8x128xf32, #tpu.memory_space<vmem>> -> memref<1x1x2x12x8x128xf32, #tpu.memory_space<vmem>>
          %dma_wait3A_425 = tpu.memref_squeeze %dma_wait3A_424 : memref<1x1x2x12x8x128xf32, #tpu.memory_space<vmem>> -> memref<1x2x12x8x128xf32, #tpu.memory_space<vmem>>
          %dma_wait3A_426 = arith.constant 0 : i32
          %dma_wait3A_427 = arith.constant 0 : i32
          %dma_wait3A_428 = arith.constant 0 : i32
          %dma_wait3A_429 = tpu.memref_slice %arg2[%dma_wait3A_426, %dma_wait3A_427, %dma_wait3A_428, %mul3A_402, %mul3A_404] : memref<4x2x12x512x512xf32, #tpu.memory_space<hbm>> -> memref<1x2x12x8x128xf32, #tpu.memory_space<hbm>>
          tpu.wait_dma2 semaphore(%dma_wait3A_418 : memref<!tpu.dma_semaphore, #tpu.memory_space<semaphore_mem>>) src(%dma_wait3A_429 : memref<1x2x12x8x128xf32, #tpu.memory_space<hbm>>) dst(%dma_wait3A_425 : memref<1x2x12x8x128xf32, #tpu.memory_space<vmem>>)
          "tpu.trace_stop"() : () -> ()
        } else {
        }
        %rem3A_338 = arith.constant 2 : i32
        %rem3A_339 = arith.remui %scan3A_232, %rem3A_338 : i32
        "tpu.trace_start"() <{level = 10 : i32, message = "ep_run_kernel"}> : () -> ()
        %scan3A_340 = arith.constant 0 : i32
        %scan3A_341 = arith.constant 8 : i32
        %scan3A_342 = arith.addi %scan3A_340, %scan3A_341 : i32
        %scan3A_343 = arith.constant 1 : i32
        scf.for %scan3A_401 = %scan3A_340 to %scan3A_342 step %scan3A_343  : i32 {
          %mul3A_402 = arith.constant 1 : i32
          %mul3A_403 = arith.muli %scan3A_401, %mul3A_402 : i32
          %add3A_404 = arith.constant 0 : i32
          %add3A_405 = arith.addi %add3A_404, %mul3A_403 : i32
          %broadcast_in_dim3A_406 = arith.constant 0.000000e+00 : f32
          %broadcast_in_dim3A_407 = vector.broadcast %broadcast_in_dim3A_406 : f32 to vector<16xf32>
          %parallel_loop3A = arith.constant 0 : i32
          %parallel_loop3A_408 = arith.constant 128 : i32
          %parallel_loop3A_409 = arith.constant 16 : i32
          %parallel_loop3A_410 = scf.for %parallel_loop3A_418 = %parallel_loop3A to %parallel_loop3A_408 step %parallel_loop3A_409 iter_args(%parallel_loop3A_419 = %broadcast_in_dim3A_407) -> (vector<16xf32>)  : i32 {
            %parallel_loop3A_420 = arith.constant 0 : i32
            %parallel_loop3A_421 = arith.constant 0 : i32
            %parallel_loop3A_422 = arith.constant 0 : i32
            %parallel_loop3A_423 = arith.constant 0 : i32
            %parallel_loop3A_424 = arith.constant 0 : i32
            %parallel_loop3A_425 = arith.constant 0 : i32
            %parallel_loop3A_426 = arith.constant 0 : i32
            %parallel_loop3A_427 = arith.constant 0 : i32
            %parallel_loop3A_428 = tpu.memref_slice %run_scoped3A[%rem3A_339, %parallel_loop3A_423, %parallel_loop3A_424, %parallel_loop3A_425, %parallel_loop3A_426, %parallel_loop3A_427] : memref<2x1x2x12x8x128xf32, #tpu.memory_space<vmem>> -> memref<1x1x2x12x8x128xf32, #tpu.memory_space<vmem>>
            %parallel_loop3A_429 = tpu.memref_squeeze %parallel_loop3A_428 : memref<1x1x2x12x8x128xf32, #tpu.memory_space<vmem>> -> memref<1x2x12x8x128xf32, #tpu.memory_space<vmem>>
            %parallel_loop3A_430 = arith.index_cast %parallel_loop3A_420 : i32 to index
            %parallel_loop3A_431 = arith.index_cast %parallel_loop3A_421 : i32 to index
            %parallel_loop3A_432 = arith.index_cast %parallel_loop3A_422 : i32 to index
            %parallel_loop3A_433 = arith.index_cast %add3A_405 : i32 to index
            %parallel_loop3A_434 = arith.index_cast %parallel_loop3A_418 : i32 to index
            %parallel_loop3A_435 = tpu.vector_load %parallel_loop3A_429[%parallel_loop3A_430, %parallel_loop3A_431, %parallel_loop3A_432, %parallel_loop3A_433, %parallel_loop3A_434] {strides = array<i32>} : memref<1x2x12x8x128xf32, #tpu.memory_space<vmem>>, vector<1x1x1x1x16xf32>,
            %parallel_loop3A_436 = vector.shape_cast %parallel_loop3A_435 : vector<1x1x1x1x16xf32> to vector<16xf32>
            %parallel_loop3A_437 = arith.constant 0 : i32
            %parallel_loop3A_438 = arith.constant 0 : i32
            %parallel_loop3A_439 = arith.constant 1 : i32
            %parallel_loop3A_440 = arith.constant 0 : i32
            %parallel_loop3A_441 = arith.constant 0 : i32
            %parallel_loop3A_442 = arith.constant 0 : i32
            %parallel_loop3A_443 = arith.constant 0 : i32
            %parallel_loop3A_444 = arith.constant 0 : i32
            %parallel_loop3A_445 = tpu.memref_slice %run_scoped3A[%rem3A_339, %parallel_loop3A_440, %parallel_loop3A_441, %parallel_loop3A_442, %parallel_loop3A_443, %parallel_loop3A_444] : memref<2x1x2x12x8x128xf32, #tpu.memory_space<vmem>> -> memref<1x1x2x12x8x128xf32, #tpu.memory_space<vmem>>
            %parallel_loop3A_446 = tpu.memref_squeeze %parallel_loop3A_445 : memref<1x1x2x12x8x128xf32, #tpu.memory_space<vmem>> -> memref<1x2x12x8x128xf32, #tpu.memory_space<vmem>>
            %parallel_loop3A_447 = arith.index_cast %parallel_loop3A_437 : i32 to index
            %parallel_loop3A_448 = arith.index_cast %parallel_loop3A_438 : i32 to index
            %parallel_loop3A_449 = arith.index_cast %parallel_loop3A_439 : i32 to index
            %parallel_loop3A_450 = arith.index_cast %add3A_405 : i32 to index
            %parallel_loop3A_451 = arith.index_cast %parallel_loop3A_418 : i32 to index
            %parallel_loop3A_452 = tpu.vector_load %parallel_loop3A_446[%parallel_loop3A_447, %parallel_loop3A_448, %parallel_loop3A_449, %parallel_loop3A_450, %parallel_loop3A_451] {strides = array<i32>} : memref<1x2x12x8x128xf32, #tpu.memory_space<vmem>>, vector<1x1x1x1x16xf32>,
            %parallel_loop3A_453 = vector.shape_cast %parallel_loop3A_452 : vector<1x1x1x1x16xf32> to vector<16xf32>
            %parallel_loop3A_454 = arith.constant 0 : i32
            %parallel_loop3A_455 = arith.constant 0 : i32
            %parallel_loop3A_456 = arith.constant 2 : i32
            %parallel_loop3A_457 = arith.constant 0 : i32
            %parallel_loop3A_458 = arith.constant 0 : i32
            %parallel_loop3A_459 = arith.constant 0 : i32
            %parallel_loop3A_460 = arith.constant 0 : i32
            %parallel_loop3A_461 = arith.constant 0 : i32
            %parallel_loop3A_462 = tpu.memref_slice %run_scoped3A[%rem3A_339, %parallel_loop3A_457, %parallel_loop3A_458, %parallel_loop3A_459, %parallel_loop3A_460, %parallel_loop3A_461] : memref<2x1x2x12x8x128xf32, #tpu.memory_space<vmem>> -> memref<1x1x2x12x8x128xf32, #tpu.memory_space<vmem>>
            %parallel_loop3A_463 = tpu.memref_squeeze %parallel_loop3A_462 : memref<1x1x2x12x8x128xf32, #tpu.memory_space<vmem>> -> memref<1x2x12x8x128xf32, #tpu.memory_space<vmem>>
            %parallel_loop3A_464 = arith.index_cast %parallel_loop3A_454 : i32 to index
            %parallel_loop3A_465 = arith.index_cast %parallel_loop3A_455 : i32 to index
            %parallel_loop3A_466 = arith.index_cast %parallel_loop3A_456 : i32 to index
            %parallel_loop3A_467 = arith.index_cast %add3A_405 : i32 to index
            %parallel_loop3A_468 = arith.index_cast %parallel_loop3A_418 : i32 to index
            %parallel_loop3A_469 = tpu.vector_load %parallel_loop3A_463[%parallel_loop3A_464, %parallel_loop3A_465, %parallel_loop3A_466, %parallel_loop3A_467, %parallel_loop3A_468] {strides = array<i32>} : memref<1x2x12x8x128xf32, #tpu.memory_space<vmem>>, vector<1x1x1x1x16xf32>,
            %parallel_loop3A_470 = vector.shape_cast %parallel_loop3A_469 : vector<1x1x1x1x16xf32> to vector<16xf32>
            %parallel_loop3A_471 = arith.constant 0 : i32
            %parallel_loop3A_472 = arith.constant 0 : i32
            %parallel_loop3A_473 = arith.constant 3 : i32
            %parallel_loop3A_474 = arith.constant 0 : i32
            %parallel_loop3A_475 = arith.constant 0 : i32
            %parallel_loop3A_476 = arith.constant 0 : i32
            %parallel_loop3A_477 = arith.constant 0 : i32
            %parallel_loop3A_478 = arith.constant 0 : i32
            %parallel_loop3A_479 = tpu.memref_slice %run_scoped3A[%rem3A_339, %parallel_loop3A_474, %parallel_loop3A_475, %parallel_loop3A_476, %parallel_loop3A_477, %parallel_loop3A_478] : memref<2x1x2x12x8x128xf32, #tpu.memory_space<vmem>> -> memref<1x1x2x12x8x128xf32, #tpu.memory_space<vmem>>
            %parallel_loop3A_480 = tpu.memref_squeeze %parallel_loop3A_479 : memref<1x1x2x12x8x128xf32, #tpu.memory_space<vmem>> -> memref<1x2x12x8x128xf32, #tpu.memory_space<vmem>>
            %parallel_loop3A_481 = arith.index_cast %parallel_loop3A_471 : i32 to index
            %parallel_loop3A_482 = arith.index_cast %parallel_loop3A_472 : i32 to index
            %parallel_loop3A_483 = arith.index_cast %parallel_loop3A_473 : i32 to index
            %parallel_loop3A_484 = arith.index_cast %add3A_405 : i32 to index
            %parallel_loop3A_485 = arith.index_cast %parallel_loop3A_418 : i32 to index
            %parallel_loop3A_486 = tpu.vector_load %parallel_loop3A_480[%parallel_loop3A_481, %parallel_loop3A_482, %parallel_loop3A_483, %parallel_loop3A_484, %parallel_loop3A_485] {strides = array<i32>} : memref<1x2x12x8x128xf32, #tpu.memory_space<vmem>>, vector<1x1x1x1x16xf32>,
            %parallel_loop3A_487 = vector.shape_cast %parallel_loop3A_486 : vector<1x1x1x1x16xf32> to vector<16xf32>
            %parallel_loop3A_488 = arith.constant 0 : i32
            %parallel_loop3A_489 = arith.constant 0 : i32
            %parallel_loop3A_490 = arith.constant 4 : i32
            %parallel_loop3A_491 = arith.constant 0 : i32
            %parallel_loop3A_492 = arith.constant 0 : i32
            %parallel_loop3A_493 = arith.constant 0 : i32
            %parallel_loop3A_494 = arith.constant 0 : i32
            %parallel_loop3A_495 = arith.constant 0 : i32
            %parallel_loop3A_496 = tpu.memref_slice %run_scoped3A[%rem3A_339, %parallel_loop3A_491, %parallel_loop3A_492, %parallel_loop3A_493, %parallel_loop3A_494, %parallel_loop3A_495] : memref<2x1x2x12x8x128xf32, #tpu.memory_space<vmem>> -> memref<1x1x2x12x8x128xf32, #tpu.memory_space<vmem>>
            %parallel_loop3A_497 = tpu.memref_squeeze %parallel_loop3A_496 : memref<1x1x2x12x8x128xf32, #tpu.memory_space<vmem>> -> memref<1x2x12x8x128xf32, #tpu.memory_space<vmem>>
            %parallel_loop3A_498 = arith.index_cast %parallel_loop3A_488 : i32 to index
            %parallel_loop3A_499 = arith.index_cast %parallel_loop3A_489 : i32 to index
            %parallel_loop3A_500 = arith.index_cast %parallel_loop3A_490 : i32 to index
            %parallel_loop3A_501 = arith.index_cast %add3A_405 : i32 to index
            %parallel_loop3A_502 = arith.index_cast %parallel_loop3A_418 : i32 to index
            %parallel_loop3A_503 = tpu.vector_load %parallel_loop3A_497[%parallel_loop3A_498, %parallel_loop3A_499, %parallel_loop3A_500, %parallel_loop3A_501, %parallel_loop3A_502] {strides = array<i32>} : memref<1x2x12x8x128xf32, #tpu.memory_space<vmem>>, vector<1x1x1x1x16xf32>,
            %parallel_loop3A_504 = vector.shape_cast %parallel_loop3A_503 : vector<1x1x1x1x16xf32> to vector<16xf32>
            %parallel_loop3A_505 = arith.constant 0 : i32
            %parallel_loop3A_506 = arith.constant 0 : i32
            %parallel_loop3A_507 = arith.constant 5 : i32
            %parallel_loop3A_508 = arith.constant 0 : i32
            %parallel_loop3A_509 = arith.constant 0 : i32
            %parallel_loop3A_510 = arith.constant 0 : i32
            %parallel_loop3A_511 = arith.constant 0 : i32
            %parallel_loop3A_512 = arith.constant 0 : i32
            %parallel_loop3A_513 = tpu.memref_slice %run_scoped3A[%rem3A_339, %parallel_loop3A_508, %parallel_loop3A_509, %parallel_loop3A_510, %parallel_loop3A_511, %parallel_loop3A_512] : memref<2x1x2x12x8x128xf32, #tpu.memory_space<vmem>> -> memref<1x1x2x12x8x128xf32, #tpu.memory_space<vmem>>
            %parallel_loop3A_514 = tpu.memref_squeeze %parallel_loop3A_513 : memref<1x1x2x12x8x128xf32, #tpu.memory_space<vmem>> -> memref<1x2x12x8x128xf32, #tpu.memory_space<vmem>>
            %parallel_loop3A_515 = arith.index_cast %parallel_loop3A_505 : i32 to index
            %parallel_loop3A_516 = arith.index_cast %parallel_loop3A_506 : i32 to index
            %parallel_loop3A_517 = arith.index_cast %parallel_loop3A_507 : i32 to index
            %parallel_loop3A_518 = arith.index_cast %add3A_405 : i32 to index
            %parallel_loop3A_519 = arith.index_cast %parallel_loop3A_418 : i32 to index
            %parallel_loop3A_520 = tpu.vector_load %parallel_loop3A_514[%parallel_loop3A_515, %parallel_loop3A_516, %parallel_loop3A_517, %parallel_loop3A_518, %parallel_loop3A_519] {strides = array<i32>} : memref<1x2x12x8x128xf32, #tpu.memory_space<vmem>>, vector<1x1x1x1x16xf32>,
            %parallel_loop3A_521 = vector.shape_cast %parallel_loop3A_520 : vector<1x1x1x1x16xf32> to vector<16xf32>
            %parallel_loop3A_522 = arith.constant 0 : i32
            %parallel_loop3A_523 = arith.constant 0 : i32
            %parallel_loop3A_524 = arith.constant 6 : i32
            %parallel_loop3A_525 = arith.constant 0 : i32
            %parallel_loop3A_526 = arith.constant 0 : i32
            %parallel_loop3A_527 = arith.constant 0 : i32
            %parallel_loop3A_528 = arith.constant 0 : i32
            %parallel_loop3A_529 = arith.constant 0 : i32
            %parallel_loop3A_530 = tpu.memref_slice %run_scoped3A[%rem3A_339, %parallel_loop3A_525, %parallel_loop3A_526, %parallel_loop3A_527, %parallel_loop3A_528, %parallel_loop3A_529] : memref<2x1x2x12x8x128xf32, #tpu.memory_space<vmem>> -> memref<1x1x2x12x8x128xf32, #tpu.memory_space<vmem>>
            %parallel_loop3A_531 = tpu.memref_squeeze %parallel_loop3A_530 : memref<1x1x2x12x8x128xf32, #tpu.memory_space<vmem>> -> memref<1x2x12x8x128xf32, #tpu.memory_space<vmem>>
            %parallel_loop3A_532 = arith.index_cast %parallel_loop3A_522 : i32 to index
            %parallel_loop3A_533 = arith.index_cast %parallel_loop3A_523 : i32 to index
            %parallel_loop3A_534 = arith.index_cast %parallel_loop3A_524 : i32 to index
            %parallel_loop3A_535 = arith.index_cast %add3A_405 : i32 to index
            %parallel_loop3A_536 = arith.index_cast %parallel_loop3A_418 : i32 to index
            %parallel_loop3A_537 = tpu.vector_load %parallel_loop3A_531[%parallel_loop3A_532, %parallel_loop3A_533, %parallel_loop3A_534, %parallel_loop3A_535, %parallel_loop3A_536] {strides = array<i32>} : memref<1x2x12x8x128xf32, #tpu.memory_space<vmem>>, vector<1x1x1x1x16xf32>,
            %parallel_loop3A_538 = vector.shape_cast %parallel_loop3A_537 : vector<1x1x1x1x16xf32> to vector<16xf32>
            %parallel_loop3A_539 = arith.constant 0 : i32
            %parallel_loop3A_540 = arith.constant 0 : i32
            %parallel_loop3A_541 = arith.constant 7 : i32
            %parallel_loop3A_542 = arith.constant 0 : i32
            %parallel_loop3A_543 = arith.constant 0 : i32
            %parallel_loop3A_544 = arith.constant 0 : i32
            %parallel_loop3A_545 = arith.constant 0 : i32
            %parallel_loop3A_546 = arith.constant 0 : i32
            %parallel_loop3A_547 = tpu.memref_slice %run_scoped3A[%rem3A_339, %parallel_loop3A_542, %parallel_loop3A_543, %parallel_loop3A_544, %parallel_loop3A_545, %parallel_loop3A_546] : memref<2x1x2x12x8x128xf32, #tpu.memory_space<vmem>> -> memref<1x1x2x12x8x128xf32, #tpu.memory_space<vmem>>
            %parallel_loop3A_548 = tpu.memref_squeeze %parallel_loop3A_547 : memref<1x1x2x12x8x128xf32, #tpu.memory_space<vmem>> -> memref<1x2x12x8x128xf32, #tpu.memory_space<vmem>>
            %parallel_loop3A_549 = arith.index_cast %parallel_loop3A_539 : i32 to index
            %parallel_loop3A_550 = arith.index_cast %parallel_loop3A_540 : i32 to index
            %parallel_loop3A_551 = arith.index_cast %parallel_loop3A_541 : i32 to index
            %parallel_loop3A_552 = arith.index_cast %add3A_405 : i32 to index
            %parallel_loop3A_553 = arith.index_cast %parallel_loop3A_418 : i32 to index
            %parallel_loop3A_554 = tpu.vector_load %parallel_loop3A_548[%parallel_loop3A_549, %parallel_loop3A_550, %parallel_loop3A_551, %parallel_loop3A_552, %parallel_loop3A_553] {strides = array<i32>} : memref<1x2x12x8x128xf32, #tpu.memory_space<vmem>>, vector<1x1x1x1x16xf32>,
            %parallel_loop3A_555 = vector.shape_cast %parallel_loop3A_554 : vector<1x1x1x1x16xf32> to vector<16xf32>
            %parallel_loop3A_556 = arith.constant 0 : i32
            %parallel_loop3A_557 = arith.constant 0 : i32
            %parallel_loop3A_558 = arith.constant 8 : i32
            %parallel_loop3A_559 = arith.constant 0 : i32
            %parallel_loop3A_560 = arith.constant 0 : i32
            %parallel_loop3A_561 = arith.constant 0 : i32
            %parallel_loop3A_562 = arith.constant 0 : i32
            %parallel_loop3A_563 = arith.constant 0 : i32
            %parallel_loop3A_564 = tpu.memref_slice %run_scoped3A[%rem3A_339, %parallel_loop3A_559, %parallel_loop3A_560, %parallel_loop3A_561, %parallel_loop3A_562, %parallel_loop3A_563] : memref<2x1x2x12x8x128xf32, #tpu.memory_space<vmem>> -> memref<1x1x2x12x8x128xf32, #tpu.memory_space<vmem>>
            %parallel_loop3A_565 = tpu.memref_squeeze %parallel_loop3A_564 : memref<1x1x2x12x8x128xf32, #tpu.memory_space<vmem>> -> memref<1x2x12x8x128xf32, #tpu.memory_space<vmem>>
            %parallel_loop3A_566 = arith.index_cast %parallel_loop3A_556 : i32 to index
            %parallel_loop3A_567 = arith.index_cast %parallel_loop3A_557 : i32 to index
            %parallel_loop3A_568 = arith.index_cast %parallel_loop3A_558 : i32 to index
            %parallel_loop3A_569 = arith.index_cast %add3A_405 : i32 to index
            %parallel_loop3A_570 = arith.index_cast %parallel_loop3A_418 : i32 to index
            %parallel_loop3A_571 = tpu.vector_load %parallel_loop3A_565[%parallel_loop3A_566, %parallel_loop3A_567, %parallel_loop3A_568, %parallel_loop3A_569, %parallel_loop3A_570] {strides = array<i32>} : memref<1x2x12x8x128xf32, #tpu.memory_space<vmem>>, vector<1x1x1x1x16xf32>,
            %parallel_loop3A_572 = vector.shape_cast %parallel_loop3A_571 : vector<1x1x1x1x16xf32> to vector<16xf32>
            %parallel_loop3A_573 = arith.constant 0 : i32
            %parallel_loop3A_574 = arith.constant 0 : i32
            %parallel_loop3A_575 = arith.constant 9 : i32
            %parallel_loop3A_576 = arith.constant 0 : i32
            %parallel_loop3A_577 = arith.constant 0 : i32
            %parallel_loop3A_578 = arith.constant 0 : i32
            %parallel_loop3A_579 = arith.constant 0 : i32
            %parallel_loop3A_580 = arith.constant 0 : i32
            %parallel_loop3A_581 = tpu.memref_slice %run_scoped3A[%rem3A_339, %parallel_loop3A_576, %parallel_loop3A_577, %parallel_loop3A_578, %parallel_loop3A_579, %parallel_loop3A_580] : memref<2x1x2x12x8x128xf32, #tpu.memory_space<vmem>> -> memref<1x1x2x12x8x128xf32, #tpu.memory_space<vmem>>
            %parallel_loop3A_582 = tpu.memref_squeeze %parallel_loop3A_581 : memref<1x1x2x12x8x128xf32, #tpu.memory_space<vmem>> -> memref<1x2x12x8x128xf32, #tpu.memory_space<vmem>>
            %parallel_loop3A_583 = arith.index_cast %parallel_loop3A_573 : i32 to index
            %parallel_loop3A_584 = arith.index_cast %parallel_loop3A_574 : i32 to index
            %parallel_loop3A_585 = arith.index_cast %parallel_loop3A_575 : i32 to index
            %parallel_loop3A_586 = arith.index_cast %add3A_405 : i32 to index
            %parallel_loop3A_587 = arith.index_cast %parallel_loop3A_418 : i32 to index
            %parallel_loop3A_588 = tpu.vector_load %parallel_loop3A_582[%parallel_loop3A_583, %parallel_loop3A_584, %parallel_loop3A_585, %parallel_loop3A_586, %parallel_loop3A_587] {strides = array<i32>} : memref<1x2x12x8x128xf32, #tpu.memory_space<vmem>>, vector<1x1x1x1x16xf32>,
            %parallel_loop3A_589 = vector.shape_cast %parallel_loop3A_588 : vector<1x1x1x1x16xf32> to vector<16xf32>
            %parallel_loop3A_590 = arith.constant 0 : i32
            %parallel_loop3A_591 = arith.constant 0 : i32
            %parallel_loop3A_592 = arith.constant 10 : i32
            %parallel_loop3A_593 = arith.constant 0 : i32
            %parallel_loop3A_594 = arith.constant 0 : i32
            %parallel_loop3A_595 = arith.constant 0 : i32
            %parallel_loop3A_596 = arith.constant 0 : i32
            %parallel_loop3A_597 = arith.constant 0 : i32
            %parallel_loop3A_598 = tpu.memref_slice %run_scoped3A[%rem3A_339, %parallel_loop3A_593, %parallel_loop3A_594, %parallel_loop3A_595, %parallel_loop3A_596, %parallel_loop3A_597] : memref<2x1x2x12x8x128xf32, #tpu.memory_space<vmem>> -> memref<1x1x2x12x8x128xf32, #tpu.memory_space<vmem>>
            %parallel_loop3A_599 = tpu.memref_squeeze %parallel_loop3A_598 : memref<1x1x2x12x8x128xf32, #tpu.memory_space<vmem>> -> memref<1x2x12x8x128xf32, #tpu.memory_space<vmem>>
            %parallel_loop3A_600 = arith.index_cast %parallel_loop3A_590 : i32 to index
            %parallel_loop3A_601 = arith.index_cast %parallel_loop3A_591 : i32 to index
            %parallel_loop3A_602 = arith.index_cast %parallel_loop3A_592 : i32 to index
            %parallel_loop3A_603 = arith.index_cast %add3A_405 : i32 to index
            %parallel_loop3A_604 = arith.index_cast %parallel_loop3A_418 : i32 to index
            %parallel_loop3A_605 = tpu.vector_load %parallel_loop3A_599[%parallel_loop3A_600, %parallel_loop3A_601, %parallel_loop3A_602, %parallel_loop3A_603, %parallel_loop3A_604] {strides = array<i32>} : memref<1x2x12x8x128xf32, #tpu.memory_space<vmem>>, vector<1x1x1x1x16xf32>,
            %parallel_loop3A_606 = vector.shape_cast %parallel_loop3A_605 : vector<1x1x1x1x16xf32> to vector<16xf32>
            %parallel_loop3A_607 = arith.constant 0 : i32
            %parallel_loop3A_608 = arith.constant 0 : i32
            %parallel_loop3A_609 = arith.constant 11 : i32
            %parallel_loop3A_610 = arith.constant 0 : i32
            %parallel_loop3A_611 = arith.constant 0 : i32
            %parallel_loop3A_612 = arith.constant 0 : i32
            %parallel_loop3A_613 = arith.constant 0 : i32
            %parallel_loop3A_614 = arith.constant 0 : i32
            %parallel_loop3A_615 = tpu.memref_slice %run_scoped3A[%rem3A_339, %parallel_loop3A_610, %parallel_loop3A_611, %parallel_loop3A_612, %parallel_loop3A_613, %parallel_loop3A_614] : memref<2x1x2x12x8x128xf32, #tpu.memory_space<vmem>> -> memref<1x1x2x12x8x128xf32, #tpu.memory_space<vmem>>
            %parallel_loop3A_616 = tpu.memref_squeeze %parallel_loop3A_615 : memref<1x1x2x12x8x128xf32, #tpu.memory_space<vmem>> -> memref<1x2x12x8x128xf32, #tpu.memory_space<vmem>>
            %parallel_loop3A_617 = arith.index_cast %parallel_loop3A_607 : i32 to index
            %parallel_loop3A_618 = arith.index_cast %parallel_loop3A_608 : i32 to index
            %parallel_loop3A_619 = arith.index_cast %parallel_loop3A_609 : i32 to index
            %parallel_loop3A_620 = arith.index_cast %add3A_405 : i32 to index
            %parallel_loop3A_621 = arith.index_cast %parallel_loop3A_418 : i32 to index
            %parallel_loop3A_622 = tpu.vector_load %parallel_loop3A_616[%parallel_loop3A_617, %parallel_loop3A_618, %parallel_loop3A_619, %parallel_loop3A_620, %parallel_loop3A_621] {strides = array<i32>} : memref<1x2x12x8x128xf32, #tpu.memory_space<vmem>>, vector<1x1x1x1x16xf32>,
            %parallel_loop3A_623 = vector.shape_cast %parallel_loop3A_622 : vector<1x1x1x1x16xf32> to vector<16xf32>
            %parallel_loop3A_624 = arith.constant 0 : i32
            %parallel_loop3A_625 = arith.constant 1 : i32
            %parallel_loop3A_626 = arith.constant 0 : i32
            %parallel_loop3A_627 = arith.constant 0 : i32
            %parallel_loop3A_628 = arith.constant 0 : i32
            %parallel_loop3A_629 = arith.constant 0 : i32
            %parallel_loop3A_630 = arith.constant 0 : i32
            %parallel_loop3A_631 = arith.constant 0 : i32
            %parallel_loop3A_632 = tpu.memref_slice %run_scoped3A[%rem3A_339, %parallel_loop3A_627, %parallel_loop3A_628, %parallel_loop3A_629, %parallel_loop3A_630, %parallel_loop3A_631] : memref<2x1x2x12x8x128xf32, #tpu.memory_space<vmem>> -> memref<1x1x2x12x8x128xf32, #tpu.memory_space<vmem>>
            %parallel_loop3A_633 = tpu.memref_squeeze %parallel_loop3A_632 : memref<1x1x2x12x8x128xf32, #tpu.memory_space<vmem>> -> memref<1x2x12x8x128xf32, #tpu.memory_space<vmem>>
            %parallel_loop3A_634 = arith.index_cast %parallel_loop3A_624 : i32 to index
            %parallel_loop3A_635 = arith.index_cast %parallel_loop3A_625 : i32 to index
            %parallel_loop3A_636 = arith.index_cast %parallel_loop3A_626 : i32 to index
            %parallel_loop3A_637 = arith.index_cast %add3A_405 : i32 to index
            %parallel_loop3A_638 = arith.index_cast %parallel_loop3A_418 : i32 to index
            %parallel_loop3A_639 = tpu.vector_load %parallel_loop3A_633[%parallel_loop3A_634, %parallel_loop3A_635, %parallel_loop3A_636, %parallel_loop3A_637, %parallel_loop3A_638] {strides = array<i32>} : memref<1x2x12x8x128xf32, #tpu.memory_space<vmem>>, vector<1x1x1x1x16xf32>,
            %parallel_loop3A_640 = vector.shape_cast %parallel_loop3A_639 : vector<1x1x1x1x16xf32> to vector<16xf32>
            %parallel_loop3A_641 = arith.constant 0 : i32
            %parallel_loop3A_642 = arith.constant 1 : i32
            %parallel_loop3A_643 = arith.constant 1 : i32
            %parallel_loop3A_644 = arith.constant 0 : i32
            %parallel_loop3A_645 = arith.constant 0 : i32
            %parallel_loop3A_646 = arith.constant 0 : i32
            %parallel_loop3A_647 = arith.constant 0 : i32
            %parallel_loop3A_648 = arith.constant 0 : i32
            %parallel_loop3A_649 = tpu.memref_slice %run_scoped3A[%rem3A_339, %parallel_loop3A_644, %parallel_loop3A_645, %parallel_loop3A_646, %parallel_loop3A_647, %parallel_loop3A_648] : memref<2x1x2x12x8x128xf32, #tpu.memory_space<vmem>> -> memref<1x1x2x12x8x128xf32, #tpu.memory_space<vmem>>
            %parallel_loop3A_650 = tpu.memref_squeeze %parallel_loop3A_649 : memref<1x1x2x12x8x128xf32, #tpu.memory_space<vmem>> -> memref<1x2x12x8x128xf32, #tpu.memory_space<vmem>>
            %parallel_loop3A_651 = arith.index_cast %parallel_loop3A_641 : i32 to index
            %parallel_loop3A_652 = arith.index_cast %parallel_loop3A_642 : i32 to index
            %parallel_loop3A_653 = arith.index_cast %parallel_loop3A_643 : i32 to index
            %parallel_loop3A_654 = arith.index_cast %add3A_405 : i32 to index
            %parallel_loop3A_655 = arith.index_cast %parallel_loop3A_418 : i32 to index
            %parallel_loop3A_656 = tpu.vector_load %parallel_loop3A_650[%parallel_loop3A_651, %parallel_loop3A_652, %parallel_loop3A_653, %parallel_loop3A_654, %parallel_loop3A_655] {strides = array<i32>} : memref<1x2x12x8x128xf32, #tpu.memory_space<vmem>>, vector<1x1x1x1x16xf32>,
            %parallel_loop3A_657 = vector.shape_cast %parallel_loop3A_656 : vector<1x1x1x1x16xf32> to vector<16xf32>
            %parallel_loop3A_658 = arith.constant 0 : i32
            %parallel_loop3A_659 = arith.constant 1 : i32
            %parallel_loop3A_660 = arith.constant 2 : i32
            %parallel_loop3A_661 = arith.constant 0 : i32
            %parallel_loop3A_662 = arith.constant 0 : i32
            %parallel_loop3A_663 = arith.constant 0 : i32
            %parallel_loop3A_664 = arith.constant 0 : i32
            %parallel_loop3A_665 = arith.constant 0 : i32
            %parallel_loop3A_666 = tpu.memref_slice %run_scoped3A[%rem3A_339, %parallel_loop3A_661, %parallel_loop3A_662, %parallel_loop3A_663, %parallel_loop3A_664, %parallel_loop3A_665] : memref<2x1x2x12x8x128xf32, #tpu.memory_space<vmem>> -> memref<1x1x2x12x8x128xf32, #tpu.memory_space<vmem>>
            %parallel_loop3A_667 = tpu.memref_squeeze %parallel_loop3A_666 : memref<1x1x2x12x8x128xf32, #tpu.memory_space<vmem>> -> memref<1x2x12x8x128xf32, #tpu.memory_space<vmem>>
            %parallel_loop3A_668 = arith.index_cast %parallel_loop3A_658 : i32 to index
            %parallel_loop3A_669 = arith.index_cast %parallel_loop3A_659 : i32 to index
            %parallel_loop3A_670 = arith.index_cast %parallel_loop3A_660 : i32 to index
            %parallel_loop3A_671 = arith.index_cast %add3A_405 : i32 to index
            %parallel_loop3A_672 = arith.index_cast %parallel_loop3A_418 : i32 to index
            %parallel_loop3A_673 = tpu.vector_load %parallel_loop3A_667[%parallel_loop3A_668, %parallel_loop3A_669, %parallel_loop3A_670, %parallel_loop3A_671, %parallel_loop3A_672] {strides = array<i32>} : memref<1x2x12x8x128xf32, #tpu.memory_space<vmem>>, vector<1x1x1x1x16xf32>,
            %parallel_loop3A_674 = vector.shape_cast %parallel_loop3A_673 : vector<1x1x1x1x16xf32> to vector<16xf32>
            %parallel_loop3A_675 = arith.constant 0 : i32
            %parallel_loop3A_676 = arith.constant 1 : i32
            %parallel_loop3A_677 = arith.constant 3 : i32
            %parallel_loop3A_678 = arith.constant 0 : i32
            %parallel_loop3A_679 = arith.constant 0 : i32
            %parallel_loop3A_680 = arith.constant 0 : i32
            %parallel_loop3A_681 = arith.constant 0 : i32
            %parallel_loop3A_682 = arith.constant 0 : i32
            %parallel_loop3A_683 = tpu.memref_slice %run_scoped3A[%rem3A_339, %parallel_loop3A_678, %parallel_loop3A_679, %parallel_loop3A_680, %parallel_loop3A_681, %parallel_loop3A_682] : memref<2x1x2x12x8x128xf32, #tpu.memory_space<vmem>> -> memref<1x1x2x12x8x128xf32, #tpu.memory_space<vmem>>
            %parallel_loop3A_684 = tpu.memref_squeeze %parallel_loop3A_683 : memref<1x1x2x12x8x128xf32, #tpu.memory_space<vmem>> -> memref<1x2x12x8x128xf32, #tpu.memory_space<vmem>>
            %parallel_loop3A_685 = arith.index_cast %parallel_loop3A_675 : i32 to index
            %parallel_loop3A_686 = arith.index_cast %parallel_loop3A_676 : i32 to index
            %parallel_loop3A_687 = arith.index_cast %parallel_loop3A_677 : i32 to index
            %parallel_loop3A_688 = arith.index_cast %add3A_405 : i32 to index
            %parallel_loop3A_689 = arith.index_cast %parallel_loop3A_418 : i32 to index
            %parallel_loop3A_690 = tpu.vector_load %parallel_loop3A_684[%parallel_loop3A_685, %parallel_loop3A_686, %parallel_loop3A_687, %parallel_loop3A_688, %parallel_loop3A_689] {strides = array<i32>} : memref<1x2x12x8x128xf32, #tpu.memory_space<vmem>>, vector<1x1x1x1x16xf32>,
            %parallel_loop3A_691 = vector.shape_cast %parallel_loop3A_690 : vector<1x1x1x1x16xf32> to vector<16xf32>
            %parallel_loop3A_692 = arith.constant 0 : i32
            %parallel_loop3A_693 = arith.constant 1 : i32
            %parallel_loop3A_694 = arith.constant 4 : i32
            %parallel_loop3A_695 = arith.constant 0 : i32
            %parallel_loop3A_696 = arith.constant 0 : i32
            %parallel_loop3A_697 = arith.constant 0 : i32
            %parallel_loop3A_698 = arith.constant 0 : i32
            %parallel_loop3A_699 = arith.constant 0 : i32
            %parallel_loop3A_700 = tpu.memref_slice %run_scoped3A[%rem3A_339, %parallel_loop3A_695, %parallel_loop3A_696, %parallel_loop3A_697, %parallel_loop3A_698, %parallel_loop3A_699] : memref<2x1x2x12x8x128xf32, #tpu.memory_space<vmem>> -> memref<1x1x2x12x8x128xf32, #tpu.memory_space<vmem>>
            %parallel_loop3A_701 = tpu.memref_squeeze %parallel_loop3A_700 : memref<1x1x2x12x8x128xf32, #tpu.memory_space<vmem>> -> memref<1x2x12x8x128xf32, #tpu.memory_space<vmem>>
            %parallel_loop3A_702 = arith.index_cast %parallel_loop3A_692 : i32 to index
            %parallel_loop3A_703 = arith.index_cast %parallel_loop3A_693 : i32 to index
            %parallel_loop3A_704 = arith.index_cast %parallel_loop3A_694 : i32 to index
            %parallel_loop3A_705 = arith.index_cast %add3A_405 : i32 to index
            %parallel_loop3A_706 = arith.index_cast %parallel_loop3A_418 : i32 to index
            %parallel_loop3A_707 = tpu.vector_load %parallel_loop3A_701[%parallel_loop3A_702, %parallel_loop3A_703, %parallel_loop3A_704, %parallel_loop3A_705, %parallel_loop3A_706] {strides = array<i32>} : memref<1x2x12x8x128xf32, #tpu.memory_space<vmem>>, vector<1x1x1x1x16xf32>,
            %parallel_loop3A_708 = vector.shape_cast %parallel_loop3A_707 : vector<1x1x1x1x16xf32> to vector<16xf32>
            %parallel_loop3A_709 = arith.constant 0 : i32
            %parallel_loop3A_710 = arith.constant 1 : i32
            %parallel_loop3A_711 = arith.constant 5 : i32
            %parallel_loop3A_712 = arith.constant 0 : i32
            %parallel_loop3A_713 = arith.constant 0 : i32
            %parallel_loop3A_714 = arith.constant 0 : i32
            %parallel_loop3A_715 = arith.constant 0 : i32
            %parallel_loop3A_716 = arith.constant 0 : i32
            %parallel_loop3A_717 = tpu.memref_slice %run_scoped3A[%rem3A_339, %parallel_loop3A_712, %parallel_loop3A_713, %parallel_loop3A_714, %parallel_loop3A_715, %parallel_loop3A_716] : memref<2x1x2x12x8x128xf32, #tpu.memory_space<vmem>> -> memref<1x1x2x12x8x128xf32, #tpu.memory_space<vmem>>
            %parallel_loop3A_718 = tpu.memref_squeeze %parallel_loop3A_717 : memref<1x1x2x12x8x128xf32, #tpu.memory_space<vmem>> -> memref<1x2x12x8x128xf32, #tpu.memory_space<vmem>>
            %parallel_loop3A_719 = arith.index_cast %parallel_loop3A_709 : i32 to index
            %parallel_loop3A_720 = arith.index_cast %parallel_loop3A_710 : i32 to index
            %parallel_loop3A_721 = arith.index_cast %parallel_loop3A_711 : i32 to index
            %parallel_loop3A_722 = arith.index_cast %add3A_405 : i32 to index
            %parallel_loop3A_723 = arith.index_cast %parallel_loop3A_418 : i32 to index
            %parallel_loop3A_724 = tpu.vector_load %parallel_loop3A_718[%parallel_loop3A_719, %parallel_loop3A_720, %parallel_loop3A_721, %parallel_loop3A_722, %parallel_loop3A_723] {strides = array<i32>} : memref<1x2x12x8x128xf32, #tpu.memory_space<vmem>>, vector<1x1x1x1x16xf32>,
            %parallel_loop3A_725 = vector.shape_cast %parallel_loop3A_724 : vector<1x1x1x1x16xf32> to vector<16xf32>
            %parallel_loop3A_726 = arith.constant 0 : i32
            %parallel_loop3A_727 = arith.constant 1 : i32
            %parallel_loop3A_728 = arith.constant 6 : i32
            %parallel_loop3A_729 = arith.constant 0 : i32
            %parallel_loop3A_730 = arith.constant 0 : i32
            %parallel_loop3A_731 = arith.constant 0 : i32
            %parallel_loop3A_732 = arith.constant 0 : i32
            %parallel_loop3A_733 = arith.constant 0 : i32
            %parallel_loop3A_734 = tpu.memref_slice %run_scoped3A[%rem3A_339, %parallel_loop3A_729, %parallel_loop3A_730, %parallel_loop3A_731, %parallel_loop3A_732, %parallel_loop3A_733] : memref<2x1x2x12x8x128xf32, #tpu.memory_space<vmem>> -> memref<1x1x2x12x8x128xf32, #tpu.memory_space<vmem>>
            %parallel_loop3A_735 = tpu.memref_squeeze %parallel_loop3A_734 : memref<1x1x2x12x8x128xf32, #tpu.memory_space<vmem>> -> memref<1x2x12x8x128xf32, #tpu.memory_space<vmem>>
            %parallel_loop3A_736 = arith.index_cast %parallel_loop3A_726 : i32 to index
            %parallel_loop3A_737 = arith.index_cast %parallel_loop3A_727 : i32 to index
            %parallel_loop3A_738 = arith.index_cast %parallel_loop3A_728 : i32 to index
            %parallel_loop3A_739 = arith.index_cast %add3A_405 : i32 to index
            %parallel_loop3A_740 = arith.index_cast %parallel_loop3A_418 : i32 to index
            %parallel_loop3A_741 = tpu.vector_load %parallel_loop3A_735[%parallel_loop3A_736, %parallel_loop3A_737, %parallel_loop3A_738, %parallel_loop3A_739, %parallel_loop3A_740] {strides = array<i32>} : memref<1x2x12x8x128xf32, #tpu.memory_space<vmem>>, vector<1x1x1x1x16xf32>,
            %parallel_loop3A_742 = vector.shape_cast %parallel_loop3A_741 : vector<1x1x1x1x16xf32> to vector<16xf32>
            %parallel_loop3A_743 = arith.constant 0 : i32
            %parallel_loop3A_744 = arith.constant 1 : i32
            %parallel_loop3A_745 = arith.constant 7 : i32
            %parallel_loop3A_746 = arith.constant 0 : i32
            %parallel_loop3A_747 = arith.constant 0 : i32
            %parallel_loop3A_748 = arith.constant 0 : i32
            %parallel_loop3A_749 = arith.constant 0 : i32
            %parallel_loop3A_750 = arith.constant 0 : i32
            %parallel_loop3A_751 = tpu.memref_slice %run_scoped3A[%rem3A_339, %parallel_loop3A_746, %parallel_loop3A_747, %parallel_loop3A_748, %parallel_loop3A_749, %parallel_loop3A_750] : memref<2x1x2x12x8x128xf32, #tpu.memory_space<vmem>> -> memref<1x1x2x12x8x128xf32, #tpu.memory_space<vmem>>
            %parallel_loop3A_752 = tpu.memref_squeeze %parallel_loop3A_751 : memref<1x1x2x12x8x128xf32, #tpu.memory_space<vmem>> -> memref<1x2x12x8x128xf32, #tpu.memory_space<vmem>>
            %parallel_loop3A_753 = arith.index_cast %parallel_loop3A_743 : i32 to index
            %parallel_loop3A_754 = arith.index_cast %parallel_loop3A_744 : i32 to index
            %parallel_loop3A_755 = arith.index_cast %parallel_loop3A_745 : i32 to index
            %parallel_loop3A_756 = arith.index_cast %add3A_405 : i32 to index
            %parallel_loop3A_757 = arith.index_cast %parallel_loop3A_418 : i32 to index
            %parallel_loop3A_758 = tpu.vector_load %parallel_loop3A_752[%parallel_loop3A_753, %parallel_loop3A_754, %parallel_loop3A_755, %parallel_loop3A_756, %parallel_loop3A_757] {strides = array<i32>} : memref<1x2x12x8x128xf32, #tpu.memory_space<vmem>>, vector<1x1x1x1x16xf32>,
            %parallel_loop3A_759 = vector.shape_cast %parallel_loop3A_758 : vector<1x1x1x1x16xf32> to vector<16xf32>
            %parallel_loop3A_760 = arith.constant 0 : i32
            %parallel_loop3A_761 = arith.constant 1 : i32
            %parallel_loop3A_762 = arith.constant 8 : i32
            %parallel_loop3A_763 = arith.constant 0 : i32
            %parallel_loop3A_764 = arith.constant 0 : i32
            %parallel_loop3A_765 = arith.constant 0 : i32
            %parallel_loop3A_766 = arith.constant 0 : i32
            %parallel_loop3A_767 = arith.constant 0 : i32
            %parallel_loop3A_768 = tpu.memref_slice %run_scoped3A[%rem3A_339, %parallel_loop3A_763, %parallel_loop3A_764, %parallel_loop3A_765, %parallel_loop3A_766, %parallel_loop3A_767] : memref<2x1x2x12x8x128xf32, #tpu.memory_space<vmem>> -> memref<1x1x2x12x8x128xf32, #tpu.memory_space<vmem>>
            %parallel_loop3A_769 = tpu.memref_squeeze %parallel_loop3A_768 : memref<1x1x2x12x8x128xf32, #tpu.memory_space<vmem>> -> memref<1x2x12x8x128xf32, #tpu.memory_space<vmem>>
            %parallel_loop3A_770 = arith.index_cast %parallel_loop3A_760 : i32 to index
            %parallel_loop3A_771 = arith.index_cast %parallel_loop3A_761 : i32 to index
            %parallel_loop3A_772 = arith.index_cast %parallel_loop3A_762 : i32 to index
            %parallel_loop3A_773 = arith.index_cast %add3A_405 : i32 to index
            %parallel_loop3A_774 = arith.index_cast %parallel_loop3A_418 : i32 to index
            %parallel_loop3A_775 = tpu.vector_load %parallel_loop3A_769[%parallel_loop3A_770, %parallel_loop3A_771, %parallel_loop3A_772, %parallel_loop3A_773, %parallel_loop3A_774] {strides = array<i32>} : memref<1x2x12x8x128xf32, #tpu.memory_space<vmem>>, vector<1x1x1x1x16xf32>,
            %parallel_loop3A_776 = vector.shape_cast %parallel_loop3A_775 : vector<1x1x1x1x16xf32> to vector<16xf32>
            %parallel_loop3A_777 = arith.constant 0 : i32
            %parallel_loop3A_778 = arith.constant 1 : i32
            %parallel_loop3A_779 = arith.constant 9 : i32
            %parallel_loop3A_780 = arith.constant 0 : i32
            %parallel_loop3A_781 = arith.constant 0 : i32
            %parallel_loop3A_782 = arith.constant 0 : i32
            %parallel_loop3A_783 = arith.constant 0 : i32
            %parallel_loop3A_784 = arith.constant 0 : i32
            %parallel_loop3A_785 = tpu.memref_slice %run_scoped3A[%rem3A_339, %parallel_loop3A_780, %parallel_loop3A_781, %parallel_loop3A_782, %parallel_loop3A_783, %parallel_loop3A_784] : memref<2x1x2x12x8x128xf32, #tpu.memory_space<vmem>> -> memref<1x1x2x12x8x128xf32, #tpu.memory_space<vmem>>
            %parallel_loop3A_786 = tpu.memref_squeeze %parallel_loop3A_785 : memref<1x1x2x12x8x128xf32, #tpu.memory_space<vmem>> -> memref<1x2x12x8x128xf32, #tpu.memory_space<vmem>>
            %parallel_loop3A_787 = arith.index_cast %parallel_loop3A_777 : i32 to index
            %parallel_loop3A_788 = arith.index_cast %parallel_loop3A_778 : i32 to index
            %parallel_loop3A_789 = arith.index_cast %parallel_loop3A_779 : i32 to index
            %parallel_loop3A_790 = arith.index_cast %add3A_405 : i32 to index
            %parallel_loop3A_791 = arith.index_cast %parallel_loop3A_418 : i32 to index
            %parallel_loop3A_792 = tpu.vector_load %parallel_loop3A_786[%parallel_loop3A_787, %parallel_loop3A_788, %parallel_loop3A_789, %parallel_loop3A_790, %parallel_loop3A_791] {strides = array<i32>} : memref<1x2x12x8x128xf32, #tpu.memory_space<vmem>>, vector<1x1x1x1x16xf32>,
            %parallel_loop3A_793 = vector.shape_cast %parallel_loop3A_792 : vector<1x1x1x1x16xf32> to vector<16xf32>
            %parallel_loop3A_794 = arith.constant 0 : i32
            %parallel_loop3A_795 = arith.constant 1 : i32
            %parallel_loop3A_796 = arith.constant 10 : i32
            %parallel_loop3A_797 = arith.constant 0 : i32
            %parallel_loop3A_798 = arith.constant 0 : i32
            %parallel_loop3A_799 = arith.constant 0 : i32
            %parallel_loop3A_800 = arith.constant 0 : i32
            %parallel_loop3A_801 = arith.constant 0 : i32
            %parallel_loop3A_802 = tpu.memref_slice %run_scoped3A[%rem3A_339, %parallel_loop3A_797, %parallel_loop3A_798, %parallel_loop3A_799, %parallel_loop3A_800, %parallel_loop3A_801] : memref<2x1x2x12x8x128xf32, #tpu.memory_space<vmem>> -> memref<1x1x2x12x8x128xf32, #tpu.memory_space<vmem>>
            %parallel_loop3A_803 = tpu.memref_squeeze %parallel_loop3A_802 : memref<1x1x2x12x8x128xf32, #tpu.memory_space<vmem>> -> memref<1x2x12x8x128xf32, #tpu.memory_space<vmem>>
            %parallel_loop3A_804 = arith.index_cast %parallel_loop3A_794 : i32 to index
            %parallel_loop3A_805 = arith.index_cast %parallel_loop3A_795 : i32 to index
            %parallel_loop3A_806 = arith.index_cast %parallel_loop3A_796 : i32 to index
            %parallel_loop3A_807 = arith.index_cast %add3A_405 : i32 to index
            %parallel_loop3A_808 = arith.index_cast %parallel_loop3A_418 : i32 to index
            %parallel_loop3A_809 = tpu.vector_load %parallel_loop3A_803[%parallel_loop3A_804, %parallel_loop3A_805, %parallel_loop3A_806, %parallel_loop3A_807, %parallel_loop3A_808] {strides = array<i32>} : memref<1x2x12x8x128xf32, #tpu.memory_space<vmem>>, vector<1x1x1x1x16xf32>,
            %parallel_loop3A_810 = vector.shape_cast %parallel_loop3A_809 : vector<1x1x1x1x16xf32> to vector<16xf32>
            %parallel_loop3A_811 = arith.constant 0 : i32
            %parallel_loop3A_812 = arith.constant 1 : i32
            %parallel_loop3A_813 = arith.constant 11 : i32
            %parallel_loop3A_814 = arith.constant 0 : i32
            %parallel_loop3A_815 = arith.constant 0 : i32
            %parallel_loop3A_816 = arith.constant 0 : i32
            %parallel_loop3A_817 = arith.constant 0 : i32
            %parallel_loop3A_818 = arith.constant 0 : i32
            %parallel_loop3A_819 = tpu.memref_slice %run_scoped3A[%rem3A_339, %parallel_loop3A_814, %parallel_loop3A_815, %parallel_loop3A_816, %parallel_loop3A_817, %parallel_loop3A_818] : memref<2x1x2x12x8x128xf32, #tpu.memory_space<vmem>> -> memref<1x1x2x12x8x128xf32, #tpu.memory_space<vmem>>
            %parallel_loop3A_820 = tpu.memref_squeeze %parallel_loop3A_819 : memref<1x1x2x12x8x128xf32, #tpu.memory_space<vmem>> -> memref<1x2x12x8x128xf32, #tpu.memory_space<vmem>>
            %parallel_loop3A_821 = arith.index_cast %parallel_loop3A_811 : i32 to index
            %parallel_loop3A_822 = arith.index_cast %parallel_loop3A_812 : i32 to index
            %parallel_loop3A_823 = arith.index_cast %parallel_loop3A_813 : i32 to index
            %parallel_loop3A_824 = arith.index_cast %add3A_405 : i32 to index
            %parallel_loop3A_825 = arith.index_cast %parallel_loop3A_418 : i32 to index
            %parallel_loop3A_826 = tpu.vector_load %parallel_loop3A_820[%parallel_loop3A_821, %parallel_loop3A_822, %parallel_loop3A_823, %parallel_loop3A_824, %parallel_loop3A_825] {strides = array<i32>} : memref<1x2x12x8x128xf32, #tpu.memory_space<vmem>>, vector<1x1x1x1x16xf32>,
            %parallel_loop3A_827 = vector.shape_cast %parallel_loop3A_826 : vector<1x1x1x1x16xf32> to vector<16xf32>
            %parallel_loop3A_828 = arith.constant 0.000000e+00 : f32
            %parallel_loop3A_829 = vector.broadcast %parallel_loop3A_828 : f32 to vector<16xf32>
            %parallel_loop3A_830 = arith.constant -7.000000e+00 : f32
            %parallel_loop3A_831 = vector.broadcast %parallel_loop3A_830 : f32 to vector<16xf32>
            %parallel_loop3A_832 = arith.subf %parallel_loop3A_470, %parallel_loop3A_453 : vector<16xf32>
            %parallel_loop3A_833 = arith.cmpf olt, %parallel_loop3A_832, %parallel_loop3A_831 : vector<16xf32>
            %parallel_loop3A_834 = arith.select %parallel_loop3A_833, %parallel_loop3A_832, %parallel_loop3A_831 : vector<16xi1>, vector<16xf32>
            %parallel_loop3A_835 = arith.constant 2.000000e+00 : f32
            %parallel_loop3A_836 = vector.broadcast %parallel_loop3A_835 : f32 to vector<16xf32>
            %parallel_loop3A_837 = arith.select %parallel_loop3A_833, %parallel_loop3A_836, %parallel_loop3A_829 : vector<16xi1>, vector<16xf32>
            %parallel_loop3A_838 = arith.subf %parallel_loop3A_487, %parallel_loop3A_470 : vector<16xf32>
            %parallel_loop3A_839 = arith.cmpf olt, %parallel_loop3A_838, %parallel_loop3A_834 : vector<16xf32>
            %parallel_loop3A_840 = arith.select %parallel_loop3A_839, %parallel_loop3A_838, %parallel_loop3A_834 : vector<16xi1>, vector<16xf32>
            %parallel_loop3A_841 = arith.constant 3.000000e+00 : f32
            %parallel_loop3A_842 = vector.broadcast %parallel_loop3A_841 : f32 to vector<16xf32>
            %parallel_loop3A_843 = arith.select %parallel_loop3A_839, %parallel_loop3A_842, %parallel_loop3A_837 : vector<16xi1>, vector<16xf32>
            %parallel_loop3A_844 = arith.subf %parallel_loop3A_504, %parallel_loop3A_487 : vector<16xf32>
            %parallel_loop3A_845 = arith.cmpf olt, %parallel_loop3A_844, %parallel_loop3A_840 : vector<16xf32>
            %parallel_loop3A_846 = arith.select %parallel_loop3A_845, %parallel_loop3A_844, %parallel_loop3A_840 : vector<16xi1>, vector<16xf32>
            %parallel_loop3A_847 = arith.constant 4.000000e+00 : f32
            %parallel_loop3A_848 = vector.broadcast %parallel_loop3A_847 : f32 to vector<16xf32>
            %parallel_loop3A_849 = arith.select %parallel_loop3A_845, %parallel_loop3A_848, %parallel_loop3A_843 : vector<16xi1>, vector<16xf32>
            %parallel_loop3A_850 = arith.subf %parallel_loop3A_521, %parallel_loop3A_504 : vector<16xf32>
            %parallel_loop3A_851 = arith.cmpf olt, %parallel_loop3A_850, %parallel_loop3A_846 : vector<16xf32>
            %parallel_loop3A_852 = arith.select %parallel_loop3A_851, %parallel_loop3A_850, %parallel_loop3A_846 : vector<16xi1>, vector<16xf32>
            %parallel_loop3A_853 = arith.constant 5.000000e+00 : f32
            %parallel_loop3A_854 = vector.broadcast %parallel_loop3A_853 : f32 to vector<16xf32>
            %parallel_loop3A_855 = arith.select %parallel_loop3A_851, %parallel_loop3A_854, %parallel_loop3A_849 : vector<16xi1>, vector<16xf32>
            %parallel_loop3A_856 = arith.subf %parallel_loop3A_538, %parallel_loop3A_521 : vector<16xf32>
            %parallel_loop3A_857 = arith.cmpf olt, %parallel_loop3A_856, %parallel_loop3A_852 : vector<16xf32>
            %parallel_loop3A_858 = arith.select %parallel_loop3A_857, %parallel_loop3A_856, %parallel_loop3A_852 : vector<16xi1>, vector<16xf32>
            %parallel_loop3A_859 = arith.constant 6.000000e+00 : f32
            %parallel_loop3A_860 = vector.broadcast %parallel_loop3A_859 : f32 to vector<16xf32>
            %parallel_loop3A_861 = arith.select %parallel_loop3A_857, %parallel_loop3A_860, %parallel_loop3A_855 : vector<16xi1>, vector<16xf32>
            %parallel_loop3A_862 = arith.subf %parallel_loop3A_555, %parallel_loop3A_538 : vector<16xf32>
            %parallel_loop3A_863 = arith.cmpf olt, %parallel_loop3A_862, %parallel_loop3A_858 : vector<16xf32>
            %parallel_loop3A_864 = arith.select %parallel_loop3A_863, %parallel_loop3A_862, %parallel_loop3A_858 : vector<16xi1>, vector<16xf32>
            %parallel_loop3A_865 = arith.constant 7.000000e+00 : f32
            %parallel_loop3A_866 = vector.broadcast %parallel_loop3A_865 : f32 to vector<16xf32>
            %parallel_loop3A_867 = arith.select %parallel_loop3A_863, %parallel_loop3A_866, %parallel_loop3A_861 : vector<16xi1>, vector<16xf32>
            %parallel_loop3A_868 = arith.subf %parallel_loop3A_572, %parallel_loop3A_555 : vector<16xf32>
            %parallel_loop3A_869 = arith.cmpf olt, %parallel_loop3A_868, %parallel_loop3A_864 : vector<16xf32>
            %parallel_loop3A_870 = arith.select %parallel_loop3A_869, %parallel_loop3A_868, %parallel_loop3A_864 : vector<16xi1>, vector<16xf32>
            %parallel_loop3A_871 = arith.constant 8.000000e+00 : f32
            %parallel_loop3A_872 = vector.broadcast %parallel_loop3A_871 : f32 to vector<16xf32>
            %parallel_loop3A_873 = arith.select %parallel_loop3A_869, %parallel_loop3A_872, %parallel_loop3A_867 : vector<16xi1>, vector<16xf32>
            %parallel_loop3A_874 = arith.subf %parallel_loop3A_589, %parallel_loop3A_572 : vector<16xf32>
            %parallel_loop3A_875 = arith.cmpf olt, %parallel_loop3A_874, %parallel_loop3A_870 : vector<16xf32>
            %parallel_loop3A_876 = arith.select %parallel_loop3A_875, %parallel_loop3A_874, %parallel_loop3A_870 : vector<16xi1>, vector<16xf32>
            %parallel_loop3A_877 = arith.constant 9.000000e+00 : f32
            %parallel_loop3A_878 = vector.broadcast %parallel_loop3A_877 : f32 to vector<16xf32>
            %parallel_loop3A_879 = arith.select %parallel_loop3A_875, %parallel_loop3A_878, %parallel_loop3A_873 : vector<16xi1>, vector<16xf32>
            %parallel_loop3A_880 = arith.subf %parallel_loop3A_606, %parallel_loop3A_589 : vector<16xf32>
            %parallel_loop3A_881 = arith.cmpf olt, %parallel_loop3A_880, %parallel_loop3A_876 : vector<16xf32>
            %parallel_loop3A_882 = arith.select %parallel_loop3A_881, %parallel_loop3A_880, %parallel_loop3A_876 : vector<16xi1>, vector<16xf32>
            %parallel_loop3A_883 = arith.constant 1.000000e+01 : f32
            %parallel_loop3A_884 = vector.broadcast %parallel_loop3A_883 : f32 to vector<16xf32>
            %parallel_loop3A_885 = arith.select %parallel_loop3A_881, %parallel_loop3A_884, %parallel_loop3A_879 : vector<16xi1>, vector<16xf32>
            %parallel_loop3A_886 = arith.constant 0.000000e+00 : f32
            %parallel_loop3A_887 = vector.broadcast %parallel_loop3A_886 : f32 to vector<16xf32>
            %parallel_loop3A_888 = arith.cmpf ogt, %parallel_loop3A_885, %parallel_loop3A_887 : vector<16xf32>
            %parallel_loop3A_889 = arith.constant 1.000000e+00 : f32
            %parallel_loop3A_890 = vector.broadcast %parallel_loop3A_889 : f32 to vector<16xf32>
            %parallel_loop3A_891 = arith.cmpf ogt, %parallel_loop3A_885, %parallel_loop3A_890 : vector<16xf32>
            %parallel_loop3A_892 = arith.constant 2.000000e+00 : f32
            %parallel_loop3A_893 = vector.broadcast %parallel_loop3A_892 : f32 to vector<16xf32>
            %parallel_loop3A_894 = arith.cmpf ogt, %parallel_loop3A_885, %parallel_loop3A_893 : vector<16xf32>
            %parallel_loop3A_895 = arith.constant 3.000000e+00 : f32
            %parallel_loop3A_896 = vector.broadcast %parallel_loop3A_895 : f32 to vector<16xf32>
            %parallel_loop3A_897 = arith.cmpf ogt, %parallel_loop3A_885, %parallel_loop3A_896 : vector<16xf32>
            %parallel_loop3A_898 = arith.constant 4.000000e+00 : f32
            %parallel_loop3A_899 = vector.broadcast %parallel_loop3A_898 : f32 to vector<16xf32>
            %parallel_loop3A_900 = arith.cmpf ogt, %parallel_loop3A_885, %parallel_loop3A_899 : vector<16xf32>
            %parallel_loop3A_901 = arith.constant 5.000000e+00 : f32
            %parallel_loop3A_902 = vector.broadcast %parallel_loop3A_901 : f32 to vector<16xf32>
            %parallel_loop3A_903 = arith.cmpf ogt, %parallel_loop3A_885, %parallel_loop3A_902 : vector<16xf32>
            %parallel_loop3A_904 = arith.constant 6.000000e+00 : f32
            %parallel_loop3A_905 = vector.broadcast %parallel_loop3A_904 : f32 to vector<16xf32>
            %parallel_loop3A_906 = arith.cmpf ogt, %parallel_loop3A_885, %parallel_loop3A_905 : vector<16xf32>
            %parallel_loop3A_907 = arith.constant 7.000000e+00 : f32
            %parallel_loop3A_908 = vector.broadcast %parallel_loop3A_907 : f32 to vector<16xf32>
            %parallel_loop3A_909 = arith.cmpf ogt, %parallel_loop3A_885, %parallel_loop3A_908 : vector<16xf32>
            %parallel_loop3A_910 = arith.constant 8.000000e+00 : f32
            %parallel_loop3A_911 = vector.broadcast %parallel_loop3A_910 : f32 to vector<16xf32>
            %parallel_loop3A_912 = arith.cmpf ogt, %parallel_loop3A_885, %parallel_loop3A_911 : vector<16xf32>
            %parallel_loop3A_913 = arith.constant 9.000000e+00 : f32
            %parallel_loop3A_914 = vector.broadcast %parallel_loop3A_913 : f32 to vector<16xf32>
            %parallel_loop3A_915 = arith.cmpf ogt, %parallel_loop3A_885, %parallel_loop3A_914 : vector<16xf32>
            %parallel_loop3A_916 = arith.constant 1.000000e+00 : f32
            %parallel_loop3A_917 = vector.broadcast %parallel_loop3A_916 : f32 to vector<16xf32>
            %parallel_loop3A_918 = arith.mulf %parallel_loop3A_917, %parallel_loop3A_453 : vector<16xf32>
            %parallel_loop3A_919 = arith.constant 2.000000e+00 : f32
            %parallel_loop3A_920 = vector.broadcast %parallel_loop3A_919 : f32 to vector<16xf32>
            %parallel_loop3A_921 = arith.mulf %parallel_loop3A_920, %parallel_loop3A_470 : vector<16xf32>
            %parallel_loop3A_922 = arith.constant 3.000000e+00 : f32
            %parallel_loop3A_923 = vector.broadcast %parallel_loop3A_922 : f32 to vector<16xf32>
            %parallel_loop3A_924 = arith.mulf %parallel_loop3A_923, %parallel_loop3A_487 : vector<16xf32>
            %parallel_loop3A_925 = arith.constant 4.000000e+00 : f32
            %parallel_loop3A_926 = vector.broadcast %parallel_loop3A_925 : f32 to vector<16xf32>
            %parallel_loop3A_927 = arith.mulf %parallel_loop3A_926, %parallel_loop3A_504 : vector<16xf32>
            %parallel_loop3A_928 = arith.constant 5.000000e+00 : f32
            %parallel_loop3A_929 = vector.broadcast %parallel_loop3A_928 : f32 to vector<16xf32>
            %parallel_loop3A_930 = arith.mulf %parallel_loop3A_929, %parallel_loop3A_521 : vector<16xf32>
            %parallel_loop3A_931 = arith.constant 6.000000e+00 : f32
            %parallel_loop3A_932 = vector.broadcast %parallel_loop3A_931 : f32 to vector<16xf32>
            %parallel_loop3A_933 = arith.mulf %parallel_loop3A_932, %parallel_loop3A_538 : vector<16xf32>
            %parallel_loop3A_934 = arith.constant 7.000000e+00 : f32
            %parallel_loop3A_935 = vector.broadcast %parallel_loop3A_934 : f32 to vector<16xf32>
            %parallel_loop3A_936 = arith.mulf %parallel_loop3A_935, %parallel_loop3A_555 : vector<16xf32>
            %parallel_loop3A_937 = arith.constant 8.000000e+00 : f32
            %parallel_loop3A_938 = vector.broadcast %parallel_loop3A_937 : f32 to vector<16xf32>
            %parallel_loop3A_939 = arith.mulf %parallel_loop3A_938, %parallel_loop3A_572 : vector<16xf32>
            %parallel_loop3A_940 = arith.constant 9.000000e+00 : f32
            %parallel_loop3A_941 = vector.broadcast %parallel_loop3A_940 : f32 to vector<16xf32>
            %parallel_loop3A_942 = arith.mulf %parallel_loop3A_941, %parallel_loop3A_589 : vector<16xf32>
            %parallel_loop3A_943 = arith.constant 1.000000e+01 : f32
            %parallel_loop3A_944 = vector.broadcast %parallel_loop3A_943 : f32 to vector<16xf32>
            %parallel_loop3A_945 = arith.mulf %parallel_loop3A_944, %parallel_loop3A_606 : vector<16xf32>
            %parallel_loop3A_946 = arith.constant 1.100000e+01 : f32
            %parallel_loop3A_947 = vector.broadcast %parallel_loop3A_946 : f32 to vector<16xf32>
            %parallel_loop3A_948 = arith.mulf %parallel_loop3A_947, %parallel_loop3A_623 : vector<16xf32>
            %parallel_loop3A_949 = arith.addf %parallel_loop3A_436, %parallel_loop3A_453 : vector<16xf32>
            %parallel_loop3A_950 = arith.addf %parallel_loop3A_949, %parallel_loop3A_470 : vector<16xf32>
            %parallel_loop3A_951 = arith.addf %parallel_loop3A_950, %parallel_loop3A_487 : vector<16xf32>
            %parallel_loop3A_952 = arith.addf %parallel_loop3A_951, %parallel_loop3A_504 : vector<16xf32>
            %parallel_loop3A_953 = arith.addf %parallel_loop3A_952, %parallel_loop3A_521 : vector<16xf32>
            %parallel_loop3A_954 = arith.addf %parallel_loop3A_953, %parallel_loop3A_538 : vector<16xf32>
            %parallel_loop3A_955 = arith.addf %parallel_loop3A_954, %parallel_loop3A_555 : vector<16xf32>
            %parallel_loop3A_956 = arith.addf %parallel_loop3A_955, %parallel_loop3A_572 : vector<16xf32>
            %parallel_loop3A_957 = arith.addf %parallel_loop3A_956, %parallel_loop3A_589 : vector<16xf32>
            %parallel_loop3A_958 = arith.addf %parallel_loop3A_957, %parallel_loop3A_606 : vector<16xf32>
            %parallel_loop3A_959 = arith.addf %parallel_loop3A_958, %parallel_loop3A_623 : vector<16xf32>
            %parallel_loop3A_960 = arith.addf %parallel_loop3A_918, %parallel_loop3A_921 : vector<16xf32>
            %parallel_loop3A_961 = arith.addf %parallel_loop3A_960, %parallel_loop3A_924 : vector<16xf32>
            %parallel_loop3A_962 = arith.addf %parallel_loop3A_961, %parallel_loop3A_927 : vector<16xf32>
            %parallel_loop3A_963 = arith.addf %parallel_loop3A_962, %parallel_loop3A_930 : vector<16xf32>
            %parallel_loop3A_964 = arith.addf %parallel_loop3A_963, %parallel_loop3A_933 : vector<16xf32>
            %parallel_loop3A_965 = arith.addf %parallel_loop3A_964, %parallel_loop3A_936 : vector<16xf32>
            %parallel_loop3A_966 = arith.addf %parallel_loop3A_965, %parallel_loop3A_939 : vector<16xf32>
            %parallel_loop3A_967 = arith.addf %parallel_loop3A_966, %parallel_loop3A_942 : vector<16xf32>
            %parallel_loop3A_968 = arith.addf %parallel_loop3A_967, %parallel_loop3A_945 : vector<16xf32>
            %parallel_loop3A_969 = arith.addf %parallel_loop3A_968, %parallel_loop3A_948 : vector<16xf32>
            %parallel_loop3A_970 = arith.constant 0.000000e+00 : f32
            %parallel_loop3A_971 = vector.broadcast %parallel_loop3A_970 : f32 to vector<16xf32>
            %parallel_loop3A_972 = arith.select %parallel_loop3A_888, %parallel_loop3A_436, %parallel_loop3A_971 : vector<16xi1>, vector<16xf32>
            %parallel_loop3A_973 = arith.constant 0.000000e+00 : f32
            %parallel_loop3A_974 = vector.broadcast %parallel_loop3A_973 : f32 to vector<16xf32>
            %parallel_loop3A_975 = arith.select %parallel_loop3A_891, %parallel_loop3A_453, %parallel_loop3A_974 : vector<16xi1>, vector<16xf32>
            %parallel_loop3A_976 = arith.addf %parallel_loop3A_972, %parallel_loop3A_975 : vector<16xf32>
            %parallel_loop3A_977 = arith.constant 0.000000e+00 : f32
            %parallel_loop3A_978 = vector.broadcast %parallel_loop3A_977 : f32 to vector<16xf32>
            %parallel_loop3A_979 = arith.select %parallel_loop3A_894, %parallel_loop3A_470, %parallel_loop3A_978 : vector<16xi1>, vector<16xf32>
            %parallel_loop3A_980 = arith.addf %parallel_loop3A_976, %parallel_loop3A_979 : vector<16xf32>
            %parallel_loop3A_981 = arith.constant 0.000000e+00 : f32
            %parallel_loop3A_982 = vector.broadcast %parallel_loop3A_981 : f32 to vector<16xf32>
            %parallel_loop3A_983 = arith.select %parallel_loop3A_897, %parallel_loop3A_487, %parallel_loop3A_982 : vector<16xi1>, vector<16xf32>
            %parallel_loop3A_984 = arith.addf %parallel_loop3A_980, %parallel_loop3A_983 : vector<16xf32>
            %parallel_loop3A_985 = arith.constant 0.000000e+00 : f32
            %parallel_loop3A_986 = vector.broadcast %parallel_loop3A_985 : f32 to vector<16xf32>
            %parallel_loop3A_987 = arith.select %parallel_loop3A_900, %parallel_loop3A_504, %parallel_loop3A_986 : vector<16xi1>, vector<16xf32>
            %parallel_loop3A_988 = arith.addf %parallel_loop3A_984, %parallel_loop3A_987 : vector<16xf32>
            %parallel_loop3A_989 = arith.constant 0.000000e+00 : f32
            %parallel_loop3A_990 = vector.broadcast %parallel_loop3A_989 : f32 to vector<16xf32>
            %parallel_loop3A_991 = arith.select %parallel_loop3A_903, %parallel_loop3A_521, %parallel_loop3A_990 : vector<16xi1>, vector<16xf32>
            %parallel_loop3A_992 = arith.addf %parallel_loop3A_988, %parallel_loop3A_991 : vector<16xf32>
            %parallel_loop3A_993 = arith.constant 0.000000e+00 : f32
            %parallel_loop3A_994 = vector.broadcast %parallel_loop3A_993 : f32 to vector<16xf32>
            %parallel_loop3A_995 = arith.select %parallel_loop3A_906, %parallel_loop3A_538, %parallel_loop3A_994 : vector<16xi1>, vector<16xf32>
            %parallel_loop3A_996 = arith.addf %parallel_loop3A_992, %parallel_loop3A_995 : vector<16xf32>
            %parallel_loop3A_997 = arith.constant 0.000000e+00 : f32
            %parallel_loop3A_998 = vector.broadcast %parallel_loop3A_997 : f32 to vector<16xf32>
            %parallel_loop3A_999 = arith.select %parallel_loop3A_909, %parallel_loop3A_555, %parallel_loop3A_998 : vector<16xi1>, vector<16xf32>
            %parallel_loop3A_1000 = arith.addf %parallel_loop3A_996, %parallel_loop3A_999 : vector<16xf32>
            %parallel_loop3A_1001 = arith.constant 0.000000e+00 : f32
            %parallel_loop3A_1002 = vector.broadcast %parallel_loop3A_1001 : f32 to vector<16xf32>
            %parallel_loop3A_1003 = arith.select %parallel_loop3A_912, %parallel_loop3A_572, %parallel_loop3A_1002 : vector<16xi1>, vector<16xf32>
            %parallel_loop3A_1004 = arith.addf %parallel_loop3A_1000, %parallel_loop3A_1003 : vector<16xf32>
            %parallel_loop3A_1005 = arith.constant 0.000000e+00 : f32
            %parallel_loop3A_1006 = vector.broadcast %parallel_loop3A_1005 : f32 to vector<16xf32>
            %parallel_loop3A_1007 = arith.select %parallel_loop3A_915, %parallel_loop3A_589, %parallel_loop3A_1006 : vector<16xi1>, vector<16xf32>
            %parallel_loop3A_1008 = arith.addf %parallel_loop3A_1004, %parallel_loop3A_1007 : vector<16xf32>
            %parallel_loop3A_1009 = arith.constant 0.000000e+00 : f32
            %parallel_loop3A_1010 = vector.broadcast %parallel_loop3A_1009 : f32 to vector<16xf32>
            %parallel_loop3A_1011 = arith.select %parallel_loop3A_891, %parallel_loop3A_918, %parallel_loop3A_1010 : vector<16xi1>, vector<16xf32>
            %parallel_loop3A_1012 = arith.constant 0.000000e+00 : f32
            %parallel_loop3A_1013 = vector.broadcast %parallel_loop3A_1012 : f32 to vector<16xf32>
            %parallel_loop3A_1014 = arith.select %parallel_loop3A_894, %parallel_loop3A_921, %parallel_loop3A_1013 : vector<16xi1>, vector<16xf32>
            %parallel_loop3A_1015 = arith.addf %parallel_loop3A_1011, %parallel_loop3A_1014 : vector<16xf32>
            %parallel_loop3A_1016 = arith.constant 0.000000e+00 : f32
            %parallel_loop3A_1017 = vector.broadcast %parallel_loop3A_1016 : f32 to vector<16xf32>
            %parallel_loop3A_1018 = arith.select %parallel_loop3A_897, %parallel_loop3A_924, %parallel_loop3A_1017 : vector<16xi1>, vector<16xf32>
            %parallel_loop3A_1019 = arith.addf %parallel_loop3A_1015, %parallel_loop3A_1018 : vector<16xf32>
            %parallel_loop3A_1020 = arith.constant 0.000000e+00 : f32
            %parallel_loop3A_1021 = vector.broadcast %parallel_loop3A_1020 : f32 to vector<16xf32>
            %parallel_loop3A_1022 = arith.select %parallel_loop3A_900, %parallel_loop3A_927, %parallel_loop3A_1021 : vector<16xi1>, vector<16xf32>
            %parallel_loop3A_1023 = arith.addf %parallel_loop3A_1019, %parallel_loop3A_1022 : vector<16xf32>
            %parallel_loop3A_1024 = arith.constant 0.000000e+00 : f32
            %parallel_loop3A_1025 = vector.broadcast %parallel_loop3A_1024 : f32 to vector<16xf32>
            %parallel_loop3A_1026 = arith.select %parallel_loop3A_903, %parallel_loop3A_930, %parallel_loop3A_1025 : vector<16xi1>, vector<16xf32>
            %parallel_loop3A_1027 = arith.addf %parallel_loop3A_1023, %parallel_loop3A_1026 : vector<16xf32>
            %parallel_loop3A_1028 = arith.constant 0.000000e+00 : f32
            %parallel_loop3A_1029 = vector.broadcast %parallel_loop3A_1028 : f32 to vector<16xf32>
            %parallel_loop3A_1030 = arith.select %parallel_loop3A_906, %parallel_loop3A_933, %parallel_loop3A_1029 : vector<16xi1>, vector<16xf32>
            %parallel_loop3A_1031 = arith.addf %parallel_loop3A_1027, %parallel_loop3A_1030 : vector<16xf32>
            %parallel_loop3A_1032 = arith.constant 0.000000e+00 : f32
            %parallel_loop3A_1033 = vector.broadcast %parallel_loop3A_1032 : f32 to vector<16xf32>
            %parallel_loop3A_1034 = arith.select %parallel_loop3A_909, %parallel_loop3A_936, %parallel_loop3A_1033 : vector<16xi1>, vector<16xf32>
            %parallel_loop3A_1035 = arith.addf %parallel_loop3A_1031, %parallel_loop3A_1034 : vector<16xf32>
            %parallel_loop3A_1036 = arith.constant 0.000000e+00 : f32
            %parallel_loop3A_1037 = vector.broadcast %parallel_loop3A_1036 : f32 to vector<16xf32>
            %parallel_loop3A_1038 = arith.select %parallel_loop3A_912, %parallel_loop3A_939, %parallel_loop3A_1037 : vector<16xi1>, vector<16xf32>
            %parallel_loop3A_1039 = arith.addf %parallel_loop3A_1035, %parallel_loop3A_1038 : vector<16xf32>
            %parallel_loop3A_1040 = arith.constant 0.000000e+00 : f32
            %parallel_loop3A_1041 = vector.broadcast %parallel_loop3A_1040 : f32 to vector<16xf32>
            %parallel_loop3A_1042 = arith.select %parallel_loop3A_915, %parallel_loop3A_942, %parallel_loop3A_1041 : vector<16xi1>, vector<16xf32>
            %parallel_loop3A_1043 = arith.addf %parallel_loop3A_1039, %parallel_loop3A_1042 : vector<16xf32>
            %parallel_loop3A_1044 = arith.constant 2.000000e+00 : f32
            %parallel_loop3A_1045 = vector.broadcast %parallel_loop3A_1044 : f32 to vector<16xf32>
            %parallel_loop3A_1046 = arith.maximumf %parallel_loop3A_885, %parallel_loop3A_1045 : vector<16xf32>
            %parallel_loop3A_1047 = arith.constant 1.000000e+00 : f32
            %parallel_loop3A_1048 = vector.broadcast %parallel_loop3A_1047 : f32 to vector<16xf32>
            %parallel_loop3A_1049 = arith.subf %parallel_loop3A_1046, %parallel_loop3A_1048 : vector<16xf32>
            %parallel_loop3A_1050 = arith.constant 5.000000e-01 : f32
            %parallel_loop3A_1051 = vector.broadcast %parallel_loop3A_1050 : f32 to vector<16xf32>
            %parallel_loop3A_1052 = arith.mulf %parallel_loop3A_1049, %parallel_loop3A_1051 : vector<16xf32>
            %parallel_loop3A_1053 = arith.mulf %parallel_loop3A_1046, %parallel_loop3A_1046 : vector<16xf32>
            %parallel_loop3A_1054 = arith.constant 1.000000e+00 : f32
            %parallel_loop3A_1055 = vector.broadcast %parallel_loop3A_1054 : f32 to vector<16xf32>
            %parallel_loop3A_1056 = arith.subf %parallel_loop3A_1053, %parallel_loop3A_1055 : vector<16xf32>
            %parallel_loop3A_1057 = arith.mulf %parallel_loop3A_1046, %parallel_loop3A_1056 : vector<16xf32>
            %parallel_loop3A_1058 = arith.constant 0.0833333358 : f32
            %parallel_loop3A_1059 = vector.broadcast %parallel_loop3A_1058 : f32 to vector<16xf32>
            %parallel_loop3A_1060 = arith.mulf %parallel_loop3A_1057, %parallel_loop3A_1059 : vector<16xf32>
            %parallel_loop3A_1061 = arith.mulf %parallel_loop3A_1052, %parallel_loop3A_1008 : vector<16xf32>
            %parallel_loop3A_1062 = arith.subf %parallel_loop3A_1043, %parallel_loop3A_1061 : vector<16xf32>
            %parallel_loop3A_1063 = arith.divf %parallel_loop3A_1062, %parallel_loop3A_1060 : vector<16xf32>
            %parallel_loop3A_1064 = arith.divf %parallel_loop3A_1008, %parallel_loop3A_1046 : vector<16xf32>
            %parallel_loop3A_1065 = arith.mulf %parallel_loop3A_1063, %parallel_loop3A_1052 : vector<16xf32>
            %parallel_loop3A_1066 = arith.subf %parallel_loop3A_1064, %parallel_loop3A_1065 : vector<16xf32>
            %parallel_loop3A_1067 = arith.constant 0.000000e+00 : f32
            %parallel_loop3A_1068 = arith.constant 1.000000e+02 : f32
            %parallel_loop3A_1069 = vector.broadcast %parallel_loop3A_1067 : f32 to vector<16xf32>
            %parallel_loop3A_1070 = arith.maximumf %parallel_loop3A_1069, %parallel_loop3A_1066 : vector<16xf32>
            %parallel_loop3A_1071 = vector.broadcast %parallel_loop3A_1068 : f32 to vector<16xf32>
            %parallel_loop3A_1072 = arith.minimumf %parallel_loop3A_1071, %parallel_loop3A_1070 : vector<16xf32>
            %parallel_loop3A_1073 = arith.constant 0.000000e+00 : f32
            %parallel_loop3A_1074 = arith.constant 2.000000e+00 : f32
            %parallel_loop3A_1075 = vector.broadcast %parallel_loop3A_1073 : f32 to vector<16xf32>
            %parallel_loop3A_1076 = arith.maximumf %parallel_loop3A_1075, %parallel_loop3A_1063 : vector<16xf32>
            %parallel_loop3A_1077 = vector.broadcast %parallel_loop3A_1074 : f32 to vector<16xf32>
            %parallel_loop3A_1078 = arith.minimumf %parallel_loop3A_1077, %parallel_loop3A_1076 : vector<16xf32>
            %parallel_loop3A_1079 = arith.constant 1.200000e+01 : f32
            %parallel_loop3A_1080 = vector.broadcast %parallel_loop3A_1079 : f32 to vector<16xf32>
            %parallel_loop3A_1081 = arith.subf %parallel_loop3A_1080, %parallel_loop3A_885 : vector<16xf32>
            %parallel_loop3A_1082 = arith.subf %parallel_loop3A_959, %parallel_loop3A_1008 : vector<16xf32>
            %parallel_loop3A_1083 = arith.subf %parallel_loop3A_969, %parallel_loop3A_1043 : vector<16xf32>
            %parallel_loop3A_1084 = arith.mulf %parallel_loop3A_885, %parallel_loop3A_1082 : vector<16xf32>
            %parallel_loop3A_1085 = arith.subf %parallel_loop3A_1083, %parallel_loop3A_1084 : vector<16xf32>
            %parallel_loop3A_1086 = arith.constant 1.000000e+00 : f32
            %parallel_loop3A_1087 = vector.broadcast %parallel_loop3A_1086 : f32 to vector<16xf32>
            %parallel_loop3A_1088 = arith.subf %parallel_loop3A_1081, %parallel_loop3A_1087 : vector<16xf32>
            %parallel_loop3A_1089 = arith.constant 5.000000e-01 : f32
            %parallel_loop3A_1090 = vector.broadcast %parallel_loop3A_1089 : f32 to vector<16xf32>
            %parallel_loop3A_1091 = arith.mulf %parallel_loop3A_1088, %parallel_loop3A_1090 : vector<16xf32>
            %parallel_loop3A_1092 = arith.mulf %parallel_loop3A_1081, %parallel_loop3A_1081 : vector<16xf32>
            %parallel_loop3A_1093 = arith.constant 1.000000e+00 : f32
            %parallel_loop3A_1094 = vector.broadcast %parallel_loop3A_1093 : f32 to vector<16xf32>
            %parallel_loop3A_1095 = arith.subf %parallel_loop3A_1092, %parallel_loop3A_1094 : vector<16xf32>
            %parallel_loop3A_1096 = arith.mulf %parallel_loop3A_1081, %parallel_loop3A_1095 : vector<16xf32>
            %parallel_loop3A_1097 = arith.constant 0.0833333358 : f32
            %parallel_loop3A_1098 = vector.broadcast %parallel_loop3A_1097 : f32 to vector<16xf32>
            %parallel_loop3A_1099 = arith.mulf %parallel_loop3A_1096, %parallel_loop3A_1098 : vector<16xf32>
            %parallel_loop3A_1100 = arith.mulf %parallel_loop3A_1091, %parallel_loop3A_1082 : vector<16xf32>
            %parallel_loop3A_1101 = arith.subf %parallel_loop3A_1085, %parallel_loop3A_1100 : vector<16xf32>
            %parallel_loop3A_1102 = arith.divf %parallel_loop3A_1101, %parallel_loop3A_1099 : vector<16xf32>
            %parallel_loop3A_1103 = arith.divf %parallel_loop3A_1082, %parallel_loop3A_1081 : vector<16xf32>
            %parallel_loop3A_1104 = arith.mulf %parallel_loop3A_1102, %parallel_loop3A_1091 : vector<16xf32>
            %parallel_loop3A_1105 = arith.subf %parallel_loop3A_1103, %parallel_loop3A_1104 : vector<16xf32>
            %parallel_loop3A_1106 = arith.constant 0.000000e+00 : f32
            %parallel_loop3A_1107 = arith.constant 1.000000e+02 : f32
            %parallel_loop3A_1108 = vector.broadcast %parallel_loop3A_1106 : f32 to vector<16xf32>
            %parallel_loop3A_1109 = arith.maximumf %parallel_loop3A_1108, %parallel_loop3A_1105 : vector<16xf32>
            %parallel_loop3A_1110 = vector.broadcast %parallel_loop3A_1107 : f32 to vector<16xf32>
            %parallel_loop3A_1111 = arith.minimumf %parallel_loop3A_1110, %parallel_loop3A_1109 : vector<16xf32>
            %parallel_loop3A_1112 = arith.constant 0.000000e+00 : f32
            %parallel_loop3A_1113 = arith.constant 2.000000e+00 : f32
            %parallel_loop3A_1114 = vector.broadcast %parallel_loop3A_1112 : f32 to vector<16xf32>
            %parallel_loop3A_1115 = arith.maximumf %parallel_loop3A_1114, %parallel_loop3A_1102 : vector<16xf32>
            %parallel_loop3A_1116 = vector.broadcast %parallel_loop3A_1113 : f32 to vector<16xf32>
            %parallel_loop3A_1117 = arith.minimumf %parallel_loop3A_1116, %parallel_loop3A_1115 : vector<16xf32>
            %parallel_loop3A_1118 = arith.mulf %parallel_loop3A_1117, %parallel_loop3A_885 : vector<16xf32>
            %parallel_loop3A_1119 = arith.subf %parallel_loop3A_1111, %parallel_loop3A_1118 : vector<16xf32>
            %parallel_loop3A_1120 = arith.select %parallel_loop3A_888, %parallel_loop3A_1072, %parallel_loop3A_1119 : vector<16xi1>, vector<16xf32>
            %parallel_loop3A_1121 = arith.subf %parallel_loop3A_1120, %parallel_loop3A_640 : vector<16xf32>
            %parallel_loop3A_1122 = arith.mulf %parallel_loop3A_1121, %parallel_loop3A_1121 : vector<16xf32>
            %parallel_loop3A_1123 = arith.addf %parallel_loop3A_829, %parallel_loop3A_1122 : vector<16xf32>
            %parallel_loop3A_1124 = arith.select %parallel_loop3A_891, %parallel_loop3A_1078, %parallel_loop3A_1117 : vector<16xi1>, vector<16xf32>
            %parallel_loop3A_1125 = arith.select %parallel_loop3A_891, %parallel_loop3A_1072, %parallel_loop3A_1119 : vector<16xi1>, vector<16xf32>
            %parallel_loop3A_1126 = arith.constant 1.000000e+00 : f32
            %parallel_loop3A_1127 = vector.broadcast %parallel_loop3A_1126 : f32 to vector<16xf32>
            %parallel_loop3A_1128 = arith.mulf %parallel_loop3A_1124, %parallel_loop3A_1127 : vector<16xf32>
            %parallel_loop3A_1129 = arith.addf %parallel_loop3A_1128, %parallel_loop3A_1125 : vector<16xf32>
            %parallel_loop3A_1130 = arith.subf %parallel_loop3A_1129, %parallel_loop3A_657 : vector<16xf32>
            %parallel_loop3A_1131 = arith.mulf %parallel_loop3A_1130, %parallel_loop3A_1130 : vector<16xf32>
            %parallel_loop3A_1132 = arith.addf %parallel_loop3A_1123, %parallel_loop3A_1131 : vector<16xf32>
            %parallel_loop3A_1133 = arith.select %parallel_loop3A_894, %parallel_loop3A_1078, %parallel_loop3A_1117 : vector<16xi1>, vector<16xf32>
            %parallel_loop3A_1134 = arith.select %parallel_loop3A_894, %parallel_loop3A_1072, %parallel_loop3A_1119 : vector<16xi1>, vector<16xf32>
            %parallel_loop3A_1135 = arith.constant 2.000000e+00 : f32
            %parallel_loop3A_1136 = vector.broadcast %parallel_loop3A_1135 : f32 to vector<16xf32>
            %parallel_loop3A_1137 = arith.mulf %parallel_loop3A_1133, %parallel_loop3A_1136 : vector<16xf32>
            %parallel_loop3A_1138 = arith.addf %parallel_loop3A_1137, %parallel_loop3A_1134 : vector<16xf32>
            %parallel_loop3A_1139 = arith.subf %parallel_loop3A_1138, %parallel_loop3A_674 : vector<16xf32>
            %parallel_loop3A_1140 = arith.mulf %parallel_loop3A_1139, %parallel_loop3A_1139 : vector<16xf32>
            %parallel_loop3A_1141 = arith.addf %parallel_loop3A_1132, %parallel_loop3A_1140 : vector<16xf32>
            %parallel_loop3A_1142 = arith.select %parallel_loop3A_897, %parallel_loop3A_1078, %parallel_loop3A_1117 : vector<16xi1>, vector<16xf32>
            %parallel_loop3A_1143 = arith.select %parallel_loop3A_897, %parallel_loop3A_1072, %parallel_loop3A_1119 : vector<16xi1>, vector<16xf32>
            %parallel_loop3A_1144 = arith.constant 3.000000e+00 : f32
            %parallel_loop3A_1145 = vector.broadcast %parallel_loop3A_1144 : f32 to vector<16xf32>
            %parallel_loop3A_1146 = arith.mulf %parallel_loop3A_1142, %parallel_loop3A_1145 : vector<16xf32>
            %parallel_loop3A_1147 = arith.addf %parallel_loop3A_1146, %parallel_loop3A_1143 : vector<16xf32>
            %parallel_loop3A_1148 = arith.subf %parallel_loop3A_1147, %parallel_loop3A_691 : vector<16xf32>
            %parallel_loop3A_1149 = arith.mulf %parallel_loop3A_1148, %parallel_loop3A_1148 : vector<16xf32>
            %parallel_loop3A_1150 = arith.addf %parallel_loop3A_1141, %parallel_loop3A_1149 : vector<16xf32>
            %parallel_loop3A_1151 = arith.select %parallel_loop3A_900, %parallel_loop3A_1078, %parallel_loop3A_1117 : vector<16xi1>, vector<16xf32>
            %parallel_loop3A_1152 = arith.select %parallel_loop3A_900, %parallel_loop3A_1072, %parallel_loop3A_1119 : vector<16xi1>, vector<16xf32>
            %parallel_loop3A_1153 = arith.constant 4.000000e+00 : f32
            %parallel_loop3A_1154 = vector.broadcast %parallel_loop3A_1153 : f32 to vector<16xf32>
            %parallel_loop3A_1155 = arith.mulf %parallel_loop3A_1151, %parallel_loop3A_1154 : vector<16xf32>
            %parallel_loop3A_1156 = arith.addf %parallel_loop3A_1155, %parallel_loop3A_1152 : vector<16xf32>
            %parallel_loop3A_1157 = arith.subf %parallel_loop3A_1156, %parallel_loop3A_708 : vector<16xf32>
            %parallel_loop3A_1158 = arith.mulf %parallel_loop3A_1157, %parallel_loop3A_1157 : vector<16xf32>
            %parallel_loop3A_1159 = arith.addf %parallel_loop3A_1150, %parallel_loop3A_1158 : vector<16xf32>
            %parallel_loop3A_1160 = arith.select %parallel_loop3A_903, %parallel_loop3A_1078, %parallel_loop3A_1117 : vector<16xi1>, vector<16xf32>
            %parallel_loop3A_1161 = arith.select %parallel_loop3A_903, %parallel_loop3A_1072, %parallel_loop3A_1119 : vector<16xi1>, vector<16xf32>
            %parallel_loop3A_1162 = arith.constant 5.000000e+00 : f32
            %parallel_loop3A_1163 = vector.broadcast %parallel_loop3A_1162 : f32 to vector<16xf32>
            %parallel_loop3A_1164 = arith.mulf %parallel_loop3A_1160, %parallel_loop3A_1163 : vector<16xf32>
            %parallel_loop3A_1165 = arith.addf %parallel_loop3A_1164, %parallel_loop3A_1161 : vector<16xf32>
            %parallel_loop3A_1166 = arith.subf %parallel_loop3A_1165, %parallel_loop3A_725 : vector<16xf32>
            %parallel_loop3A_1167 = arith.mulf %parallel_loop3A_1166, %parallel_loop3A_1166 : vector<16xf32>
            %parallel_loop3A_1168 = arith.addf %parallel_loop3A_1159, %parallel_loop3A_1167 : vector<16xf32>
            %parallel_loop3A_1169 = arith.select %parallel_loop3A_906, %parallel_loop3A_1078, %parallel_loop3A_1117 : vector<16xi1>, vector<16xf32>
            %parallel_loop3A_1170 = arith.select %parallel_loop3A_906, %parallel_loop3A_1072, %parallel_loop3A_1119 : vector<16xi1>, vector<16xf32>
            %parallel_loop3A_1171 = arith.constant 6.000000e+00 : f32
            %parallel_loop3A_1172 = vector.broadcast %parallel_loop3A_1171 : f32 to vector<16xf32>
            %parallel_loop3A_1173 = arith.mulf %parallel_loop3A_1169, %parallel_loop3A_1172 : vector<16xf32>
            %parallel_loop3A_1174 = arith.addf %parallel_loop3A_1173, %parallel_loop3A_1170 : vector<16xf32>
            %parallel_loop3A_1175 = arith.subf %parallel_loop3A_1174, %parallel_loop3A_742 : vector<16xf32>
            %parallel_loop3A_1176 = arith.mulf %parallel_loop3A_1175, %parallel_loop3A_1175 : vector<16xf32>
            %parallel_loop3A_1177 = arith.addf %parallel_loop3A_1168, %parallel_loop3A_1176 : vector<16xf32>
            %parallel_loop3A_1178 = arith.select %parallel_loop3A_909, %parallel_loop3A_1078, %parallel_loop3A_1117 : vector<16xi1>, vector<16xf32>
            %parallel_loop3A_1179 = arith.select %parallel_loop3A_909, %parallel_loop3A_1072, %parallel_loop3A_1119 : vector<16xi1>, vector<16xf32>
            %parallel_loop3A_1180 = arith.constant 7.000000e+00 : f32
            %parallel_loop3A_1181 = vector.broadcast %parallel_loop3A_1180 : f32 to vector<16xf32>
            %parallel_loop3A_1182 = arith.mulf %parallel_loop3A_1178, %parallel_loop3A_1181 : vector<16xf32>
            %parallel_loop3A_1183 = arith.addf %parallel_loop3A_1182, %parallel_loop3A_1179 : vector<16xf32>
            %parallel_loop3A_1184 = arith.subf %parallel_loop3A_1183, %parallel_loop3A_759 : vector<16xf32>
            %parallel_loop3A_1185 = arith.mulf %parallel_loop3A_1184, %parallel_loop3A_1184 : vector<16xf32>
            %parallel_loop3A_1186 = arith.addf %parallel_loop3A_1177, %parallel_loop3A_1185 : vector<16xf32>
            %parallel_loop3A_1187 = arith.select %parallel_loop3A_912, %parallel_loop3A_1078, %parallel_loop3A_1117 : vector<16xi1>, vector<16xf32>
            %parallel_loop3A_1188 = arith.select %parallel_loop3A_912, %parallel_loop3A_1072, %parallel_loop3A_1119 : vector<16xi1>, vector<16xf32>
            %parallel_loop3A_1189 = arith.constant 8.000000e+00 : f32
            %parallel_loop3A_1190 = vector.broadcast %parallel_loop3A_1189 : f32 to vector<16xf32>
            %parallel_loop3A_1191 = arith.mulf %parallel_loop3A_1187, %parallel_loop3A_1190 : vector<16xf32>
            %parallel_loop3A_1192 = arith.addf %parallel_loop3A_1191, %parallel_loop3A_1188 : vector<16xf32>
            %parallel_loop3A_1193 = arith.subf %parallel_loop3A_1192, %parallel_loop3A_776 : vector<16xf32>
            %parallel_loop3A_1194 = arith.mulf %parallel_loop3A_1193, %parallel_loop3A_1193 : vector<16xf32>
            %parallel_loop3A_1195 = arith.addf %parallel_loop3A_1186, %parallel_loop3A_1194 : vector<16xf32>
            %parallel_loop3A_1196 = arith.select %parallel_loop3A_915, %parallel_loop3A_1078, %parallel_loop3A_1117 : vector<16xi1>, vector<16xf32>
            %parallel_loop3A_1197 = arith.select %parallel_loop3A_915, %parallel_loop3A_1072, %parallel_loop3A_1119 : vector<16xi1>, vector<16xf32>
            %parallel_loop3A_1198 = arith.constant 9.000000e+00 : f32
            %parallel_loop3A_1199 = vector.broadcast %parallel_loop3A_1198 : f32 to vector<16xf32>
            %parallel_loop3A_1200 = arith.mulf %parallel_loop3A_1196, %parallel_loop3A_1199 : vector<16xf32>
            %parallel_loop3A_1201 = arith.addf %parallel_loop3A_1200, %parallel_loop3A_1197 : vector<16xf32>
            %parallel_loop3A_1202 = arith.subf %parallel_loop3A_1201, %parallel_loop3A_793 : vector<16xf32>
            %parallel_loop3A_1203 = arith.mulf %parallel_loop3A_1202, %parallel_loop3A_1202 : vector<16xf32>
            %parallel_loop3A_1204 = arith.addf %parallel_loop3A_1195, %parallel_loop3A_1203 : vector<16xf32>
            %parallel_loop3A_1205 = arith.constant 1.000000e+01 : f32
            %parallel_loop3A_1206 = vector.broadcast %parallel_loop3A_1205 : f32 to vector<16xf32>
            %parallel_loop3A_1207 = arith.mulf %parallel_loop3A_1117, %parallel_loop3A_1206 : vector<16xf32>
            %parallel_loop3A_1208 = arith.addf %parallel_loop3A_1207, %parallel_loop3A_1119 : vector<16xf32>
            %parallel_loop3A_1209 = arith.subf %parallel_loop3A_1208, %parallel_loop3A_810 : vector<16xf32>
            %parallel_loop3A_1210 = arith.mulf %parallel_loop3A_1209, %parallel_loop3A_1209 : vector<16xf32>
            %parallel_loop3A_1211 = arith.addf %parallel_loop3A_1204, %parallel_loop3A_1210 : vector<16xf32>
            %parallel_loop3A_1212 = arith.constant 1.100000e+01 : f32
            %parallel_loop3A_1213 = vector.broadcast %parallel_loop3A_1212 : f32 to vector<16xf32>
            %parallel_loop3A_1214 = arith.mulf %parallel_loop3A_1117, %parallel_loop3A_1213 : vector<16xf32>
            %parallel_loop3A_1215 = arith.addf %parallel_loop3A_1214, %parallel_loop3A_1119 : vector<16xf32>
            %parallel_loop3A_1216 = arith.subf %parallel_loop3A_1215, %parallel_loop3A_827 : vector<16xf32>
            %parallel_loop3A_1217 = arith.mulf %parallel_loop3A_1216, %parallel_loop3A_1216 : vector<16xf32>
            %parallel_loop3A_1218 = arith.addf %parallel_loop3A_1211, %parallel_loop3A_1217 : vector<16xf32>
            %parallel_loop3A_1219 = arith.addf %parallel_loop3A_419, %parallel_loop3A_1218 : vector<16xf32>
            scf.yield %parallel_loop3A_1219 : vector<16xf32>
          } {sc.loop_unroll_factor = 1 : i64, sc.parallel_access}
          %get3A = arith.constant 0 : index
          %get3A_411 = tpu.vector_load %arg4[%get3A] {strides = array<i32>} : memref<16xf32, #tpu.memory_space<vmem>>, vector<16xf32>,
          %get3A_412 = vector.shape_cast %get3A_411 : vector<16xf32> to vector<16xf32>
          %add3A_413 = arith.addf %get3A_412, %parallel_loop3A_410 : vector<16xf32>
          %swap3A_414 = arith.constant 0 : index
          %swap3A_415 = tpu.vector_load %arg4[%swap3A_414] {strides = array<i32>} : memref<16xf32, #tpu.memory_space<vmem>>, vector<16xf32>,
          %swap3A_416 = vector.shape_cast %swap3A_415 : vector<16xf32> to vector<16xf32>
          %swap3A_417 = vector.shape_cast %add3A_413 : vector<16xf32> to vector<16xf32>
          tpu.vector_store %arg4[%swap3A_414], %swap3A_417 {strides = array<i32>} : memref<16xf32, #tpu.memory_space<vmem>>, vector<16xf32>,
        }
        %scan3A_344 = arith.constant 8 : i32
        "tpu.trace_stop"() : () -> ()
        %ne3A_345 = arith.cmpi ne, %add3A_240, %add3A_290 : i32
        %ne3A_346 = arith.cmpi ne, %add3A_242, %add3A_292 : i32
        %or3A_347 = arith.constant false
        %or3A_348 = arith.ori %or3A_347, %ne3A_345 : i1
        %or3A_349 = arith.ori %or3A_348, %ne3A_346 : i1
        %or3A_350 = arith.ori %or3A_349, %eq3A_239 : i1
        %convert_element_type3A_351 = arith.extui %or3A_350 : i1 to i32
        %cond3A_352 = arith.constant 0 : i32
        %cond3A_353 = arith.cmpi ne, %convert_element_type3A_351, %cond3A_352 : i32
        scf.if %cond3A_353 {
        } else {
        }
        %and3A_354 = arith.constant false
        %and3A_355 = arith.andi %or3A_350, %and3A_354 : i1
        %ne3A_356 = arith.cmpi ne, %add3A_240, %add3A_265 : i32
        %ne3A_357 = arith.cmpi ne, %add3A_242, %add3A_267 : i32
        %or3A_358 = arith.constant false
        %or3A_359 = arith.ori %or3A_358, %ne3A_356 : i1
        %or3A_360 = arith.ori %or3A_359, %ne3A_357 : i1
        %not3A_361 = arith.constant true
        %not3A_362 = arith.xori %eq3A_237, %not3A_361 : i1
        %and3A_363 = arith.andi %or3A_360, %not3A_362 : i1
        %convert_element_type3A_364 = arith.extui %and3A_363 : i1 to i32
        %cond3A_365 = arith.constant 0 : i32
        %cond3A_366 = arith.cmpi ne, %convert_element_type3A_364, %cond3A_365 : i32
        scf.if %cond3A_366 {
        } else {
        }
        %and3A_367 = arith.constant false
        %and3A_368 = arith.andi %and3A_363, %and3A_367 : i1
        %ne3A_369 = arith.cmpi ne, %add3A_240, %add3A_290 : i32
        %ne3A_370 = arith.cmpi ne, %add3A_242, %add3A_292 : i32
        %or3A_371 = arith.constant false
        %or3A_372 = arith.ori %or3A_371, %ne3A_369 : i1
        %or3A_373 = arith.ori %or3A_372, %ne3A_370 : i1
        %or3A_374 = arith.ori %or3A_373, %eq3A_239 : i1
        %add3A_375 = arith.constant 1 : i32
        %add3A_376 = arith.addi %scan3A_232, %add3A_375 : i32
        %select_n3A_377 = arith.select %or3A_374, %add3A_376, %scan3A_232 : i32
        %add3A_378 = arith.constant 1 : i32
        %add3A_379 = arith.addi %scan3A_235, %add3A_378 : i32
        %select_n3A_380 = arith.constant true
        %select_n3A_381 = arith.select %select_n3A_380, %add3A_379, %scan3A_235 : i32
        %eq3A_382 = arith.constant 4 : i32
        %eq3A_383 = arith.cmpi eq, %select_n3A_381, %eq3A_382 : i32
        %select_n3A_384 = arith.constant 0 : i32
        %select_n3A_385 = arith.select %eq3A_383, %select_n3A_384, %select_n3A_381 : i32
        %add3A_386 = arith.constant 1 : i32
        %add3A_387 = arith.addi %scan3A_234, %add3A_386 : i32
        %select_n3A_388 = arith.select %eq3A_383, %add3A_387, %scan3A_234 : i32
        %eq3A_389 = arith.constant 2 : i32
        %eq3A_390 = arith.cmpi eq, %select_n3A_388, %eq3A_389 : i32
        %select_n3A_391 = arith.constant 0 : i32
        %select_n3A_392 = arith.select %eq3A_390, %select_n3A_391, %select_n3A_388 : i32
        %select_n3A_393 = arith.constant 0 : i32
        %select_n3A_394 = arith.constant 1 : i32
        %select_n3A_395 = arith.select %eq3A_390, %select_n3A_394, %select_n3A_393 : i32
        %eq3A_396 = arith.constant 1 : i32
        %eq3A_397 = arith.cmpi eq, %select_n3A_395, %eq3A_396 : i32
        %select_n3A_398 = arith.constant 0 : i32
        %select_n3A_399 = arith.select %eq3A_397, %select_n3A_398, %select_n3A_395 : i32
        %scan3A_400 = arith.constant 0 : i32
        scf.yield %select_n3A_328, %select_n3A_377, %scan3A_400, %select_n3A_392, %select_n3A_385 : i32, i32, i32, i32, i32
      }
      %scan3A_130 = arith.constant 8 : i32
      %sub3A = arith.constant 1 : i32
      %sub3A_131 = arith.subi %scan3A_129#4, %sub3A : i32
      %select_n3A_132 = arith.constant true
      %select_n3A_133 = arith.select %select_n3A_132, %sub3A_131, %scan3A_129#4 : i32
      %eq3A_134 = arith.constant -1 : i32
      %eq3A_135 = arith.cmpi eq, %select_n3A_133, %eq3A_134 : i32
      %select_n3A_136 = arith.constant 3 : i32
      %select_n3A_137 = arith.select %eq3A_135, %select_n3A_136, %select_n3A_133 : i32
      %sub3A_138 = arith.constant 1 : i32
      %sub3A_139 = arith.subi %scan3A_129#3, %sub3A_138 : i32
      %select_n3A_140 = arith.select %eq3A_135, %sub3A_139, %scan3A_129#3 : i32
      %eq3A_141 = arith.constant -1 : i32
      %eq3A_142 = arith.cmpi eq, %select_n3A_140, %eq3A_141 : i32
      %select_n3A_143 = arith.constant 1 : i32
      %select_n3A_144 = arith.select %eq3A_142, %select_n3A_143, %select_n3A_140 : i32
      %sub3A_145 = arith.constant 1 : i32
      %sub3A_146 = arith.subi %scan3A_129#2, %sub3A_145 : i32
      %select_n3A_147 = arith.select %eq3A_142, %sub3A_146, %scan3A_129#2 : i32
      %eq3A_148 = arith.constant -1 : i32
      %eq3A_149 = arith.cmpi eq, %select_n3A_147, %eq3A_148 : i32
      %select_n3A_150 = arith.constant 0 : i32
      %select_n3A_151 = arith.select %eq3A_149, %select_n3A_150, %select_n3A_147 : i32
      %add3A_152 = arith.addi %select_n3A_144, %mul3A_10 : i32
      %add3A_153 = arith.constant 0 : i32
      %add3A_154 = arith.addi %select_n3A_137, %add3A_153 : i32
      %sub3A_155 = arith.constant 1 : i32
      %sub3A_156 = arith.subi %select_n3A_137, %sub3A_155 : i32
      %select_n3A_157 = arith.constant true
      %select_n3A_158 = arith.select %select_n3A_157, %sub3A_156, %select_n3A_137 : i32
      %eq3A_159 = arith.constant -1 : i32
      %eq3A_160 = arith.cmpi eq, %select_n3A_158, %eq3A_159 : i32
      %select_n3A_161 = arith.constant 3 : i32
      %select_n3A_162 = arith.select %eq3A_160, %select_n3A_161, %select_n3A_158 : i32
      %sub3A_163 = arith.constant 1 : i32
      %sub3A_164 = arith.subi %select_n3A_144, %sub3A_163 : i32
      %select_n3A_165 = arith.select %eq3A_160, %sub3A_164, %select_n3A_144 : i32
      %eq3A_166 = arith.constant -1 : i32
      %eq3A_167 = arith.cmpi eq, %select_n3A_165, %eq3A_166 : i32
      %select_n3A_168 = arith.constant 1 : i32
      %select_n3A_169 = arith.select %eq3A_167, %select_n3A_168, %select_n3A_165 : i32
      %select_n3A_170 = arith.constant 0 : i32
      %select_n3A_171 = arith.constant -1 : i32
      %select_n3A_172 = arith.select %eq3A_167, %select_n3A_171, %select_n3A_170 : i32
      %eq3A_173 = arith.constant -1 : i32
      %eq3A_174 = arith.cmpi eq, %select_n3A_172, %eq3A_173 : i32
      %select_n3A_175 = arith.constant 0 : i32
      %select_n3A_176 = arith.select %eq3A_174, %select_n3A_175, %select_n3A_172 : i32
      %add3A_177 = arith.addi %select_n3A_169, %mul3A_10 : i32
      %add3A_178 = arith.constant 0 : i32
      %add3A_179 = arith.addi %select_n3A_162, %add3A_178 : i32
      %add3A_180 = arith.constant 1 : i32
      %add3A_181 = arith.addi %select_n3A_137, %add3A_180 : i32
      %select_n3A_182 = arith.constant true
      %select_n3A_183 = arith.select %select_n3A_182, %add3A_181, %select_n3A_137 : i32
      %eq3A_184 = arith.constant 4 : i32
      %eq3A_185 = arith.cmpi eq, %select_n3A_183, %eq3A_184 : i32
      %select_n3A_186 = arith.constant 0 : i32
      %select_n3A_187 = arith.select %eq3A_185, %select_n3A_186, %select_n3A_183 : i32
      %add3A_188 = arith.constant 1 : i32
      %add3A_189 = arith.addi %select_n3A_144, %add3A_188 : i32
      %select_n3A_190 = arith.select %eq3A_185, %add3A_189, %select_n3A_144 : i32
      %eq3A_191 = arith.constant 2 : i32
      %eq3A_192 = arith.cmpi eq, %select_n3A_190, %eq3A_191 : i32
      %select_n3A_193 = arith.constant 0 : i32
      %select_n3A_194 = arith.select %eq3A_192, %select_n3A_193, %select_n3A_190 : i32
      %select_n3A_195 = arith.constant 0 : i32
      %select_n3A_196 = arith.constant 1 : i32
      %select_n3A_197 = arith.select %eq3A_192, %select_n3A_196, %select_n3A_195 : i32
      %eq3A_198 = arith.constant 1 : i32
      %eq3A_199 = arith.cmpi eq, %select_n3A_197, %eq3A_198 : i32
      %select_n3A_200 = arith.constant 0 : i32
      %select_n3A_201 = arith.select %eq3A_199, %select_n3A_200, %select_n3A_197 : i32
      %add3A_202 = arith.addi %select_n3A_194, %mul3A_10 : i32
      %add3A_203 = arith.constant 0 : i32
      %add3A_204 = arith.addi %select_n3A_187, %add3A_203 : i32
      %add3A_205 = arith.constant 1 : i32
      %add3A_206 = arith.addi %select_n3A_187, %add3A_205 : i32
      %select_n3A_207 = arith.constant true
      %select_n3A_208 = arith.select %select_n3A_207, %add3A_206, %select_n3A_187 : i32
      %eq3A_209 = arith.constant 4 : i32
      %eq3A_210 = arith.cmpi eq, %select_n3A_208, %eq3A_209 : i32
      %select_n3A_211 = arith.constant 0 : i32
      %select_n3A_212 = arith.select %eq3A_210, %select_n3A_211, %select_n3A_208 : i32
      %add3A_213 = arith.constant 1 : i32
      %add3A_214 = arith.addi %select_n3A_194, %add3A_213 : i32
      %select_n3A_215 = arith.select %eq3A_210, %add3A_214, %select_n3A_194 : i32
      %eq3A_216 = arith.constant 2 : i32
      %eq3A_217 = arith.cmpi eq, %select_n3A_215, %eq3A_216 : i32
      %select_n3A_218 = arith.constant 0 : i32
      %select_n3A_219 = arith.select %eq3A_217, %select_n3A_218, %select_n3A_215 : i32
      %select_n3A_220 = arith.constant 0 : i32
      %select_n3A_221 = arith.constant 1 : i32
      %select_n3A_222 = arith.select %eq3A_217, %select_n3A_221, %select_n3A_220 : i32
      %eq3A_223 = arith.constant 1 : i32
      %eq3A_224 = arith.cmpi eq, %select_n3A_222, %eq3A_223 : i32
      %select_n3A_225 = arith.constant 0 : i32
      %select_n3A_226 = arith.select %eq3A_224, %select_n3A_225, %select_n3A_222 : i32
      %add3A_227 = arith.addi %select_n3A_219, %mul3A_10 : i32
      %add3A_228 = arith.constant 0 : i32
      %add3A_229 = arith.addi %select_n3A_212, %add3A_228 : i32
      tpu.yield
    }) : () -> ()
    "tpu.region"() ({
      %run_scoped3A = tpu.sem_alloc : memref<!tpu.dma_semaphore, #tpu.memory_space<semaphore_mem>>
      %dma_start3A = arith.constant 0 : i32
      %dma_start3A_11 = tpu.memref_slice %arg3[%arg0, %arg1, %dma_start3A] : memref<2x16x16xf32, #tpu.memory_space<hbm>> -> memref<1x1x16xf32, #tpu.memory_space<hbm>>
      %dma_start3A_12 = tpu.memref_squeeze %dma_start3A_11 : memref<1x1x16xf32, #tpu.memory_space<hbm>> -> memref<16xf32, #tpu.memory_space<hbm>>
      %dma_start3A_13 = arith.constant 0 : i32
      %dma_start3A_14 = tpu.memref_slice %arg3[%arg0, %arg1, %dma_start3A_13] : memref<2x16x16xf32, #tpu.memory_space<hbm>> -> memref<1x1x16xf32, #tpu.memory_space<hbm>>
      %dma_start3A_15 = tpu.memref_squeeze %dma_start3A_14 : memref<1x1x16xf32, #tpu.memory_space<hbm>> -> memref<16xf32, #tpu.memory_space<hbm>>
      tpu.enqueue_dma source(%arg4 : memref<16xf32, #tpu.memory_space<vmem>>) target(%dma_start3A_15 : memref<16xf32, #tpu.memory_space<hbm>>) target_semaphore(%run_scoped3A : memref<!tpu.dma_semaphore, #tpu.memory_space<semaphore_mem>>)
      %dma_wait3A = arith.constant 0 : i32
      %dma_wait3A_16 = tpu.memref_slice %arg3[%arg0, %arg1, %dma_wait3A] : memref<2x16x16xf32, #tpu.memory_space<hbm>> -> memref<1x1x16xf32, #tpu.memory_space<hbm>>
      %dma_wait3A_17 = tpu.memref_squeeze %dma_wait3A_16 : memref<1x1x16xf32, #tpu.memory_space<hbm>> -> memref<16xf32, #tpu.memory_space<hbm>>
      %dma_wait3A_18 = arith.constant 0 : i32
      %dma_wait3A_19 = tpu.memref_slice %arg3[%arg0, %arg1, %dma_wait3A_18] : memref<2x16x16xf32, #tpu.memory_space<hbm>> -> memref<1x1x16xf32, #tpu.memory_space<hbm>>
      %dma_wait3A_20 = tpu.memref_squeeze %dma_wait3A_19 : memref<1x1x16xf32, #tpu.memory_space<hbm>> -> memref<16xf32, #tpu.memory_space<hbm>>
      tpu.wait_dma2 semaphore(%run_scoped3A : memref<!tpu.dma_semaphore, #tpu.memory_space<semaphore_mem>>) src(%arg4 : memref<16xf32, #tpu.memory_space<vmem>>) dst(%dma_wait3A_20 : memref<16xf32, #tpu.memory_space<hbm>>)
      tpu.yield
    }) : () -> ()
    return
  }
}

module attributes {stable_mosaic.version = 14 : i64} {
  func.func @body(%arg0: i32, %arg1: memref<1x2x12x256x512xf32, #tpu.memory_space<vmem>>, %arg2: memref<1x1xf32, #tpu.memory_space<smem>>) attributes {dimension_semantics = [#tpu.dimension_semantics<arbitrary>], iteration_bounds = array<i64: 6>, scalar_prefetch = 0 : i64, scratch_operands = 0 : i64, tpu.core_type = #tpu.core_type<tc>, window_params = [{transform_indices = @transform_0, window_bounds = array<i64: 1, 2, 12, 256, 512>}, {transform_indices = @transform_1, window_bounds = array<i64: 1, 1>}]} {
    %broadcast_in_dim3A = arith.constant 0.000000e+00 : f32
    %broadcast_in_dim3A_0 = vector.broadcast %broadcast_in_dim3A : f32 to vector<32x512xf32>
    %scan3A = arith.constant 0 : i32
    %scan3A_1 = arith.constant 8 : i32
    %scan3A_2 = arith.addi %scan3A, %scan3A_1 : i32
    %scan3A_3 = arith.constant 1 : i32
    %scan3A_4 = scf.for %scan3A_17 = %scan3A to %scan3A_2 step %scan3A_3 iter_args(%scan3A_18 = %broadcast_in_dim3A_0) -> (vector<32x512xf32>)  : i32 {
      %mul3A_19 = arith.constant 32 : i32
      %mul3A_20 = arith.muli %scan3A_17, %mul3A_19 : i32
      %get3A_21 = arith.constant 0 : index
      %get3A_22 = arith.constant 0 : index
      %get3A_23 = arith.constant 0 : index
      %get3A_24 = arith.index_cast %mul3A_20 : i32 to index
      %get3A_25 = arith.constant 0 : index
      %get3A_26 = vector.load %arg1[%get3A_21, %get3A_22, %get3A_23, %get3A_24, %get3A_25] : memref<1x2x12x256x512xf32, #tpu.memory_space<vmem>>, vector<1x1x1x32x512xf32>
      %get3A_27 = vector.shape_cast %get3A_26 : vector<1x1x1x32x512xf32> to vector<32x512xf32>
      %get3A_28 = arith.constant 0 : index
      %get3A_29 = arith.constant 0 : index
      %get3A_30 = arith.constant 1 : index
      %get3A_31 = arith.index_cast %mul3A_20 : i32 to index
      %get3A_32 = arith.constant 0 : index
      %get3A_33 = vector.load %arg1[%get3A_28, %get3A_29, %get3A_30, %get3A_31, %get3A_32] : memref<1x2x12x256x512xf32, #tpu.memory_space<vmem>>, vector<1x1x1x32x512xf32>
      %get3A_34 = vector.shape_cast %get3A_33 : vector<1x1x1x32x512xf32> to vector<32x512xf32>
      %get3A_35 = arith.constant 0 : index
      %get3A_36 = arith.constant 0 : index
      %get3A_37 = arith.constant 2 : index
      %get3A_38 = arith.index_cast %mul3A_20 : i32 to index
      %get3A_39 = arith.constant 0 : index
      %get3A_40 = vector.load %arg1[%get3A_35, %get3A_36, %get3A_37, %get3A_38, %get3A_39] : memref<1x2x12x256x512xf32, #tpu.memory_space<vmem>>, vector<1x1x1x32x512xf32>
      %get3A_41 = vector.shape_cast %get3A_40 : vector<1x1x1x32x512xf32> to vector<32x512xf32>
      %get3A_42 = arith.constant 0 : index
      %get3A_43 = arith.constant 0 : index
      %get3A_44 = arith.constant 3 : index
      %get3A_45 = arith.index_cast %mul3A_20 : i32 to index
      %get3A_46 = arith.constant 0 : index
      %get3A_47 = vector.load %arg1[%get3A_42, %get3A_43, %get3A_44, %get3A_45, %get3A_46] : memref<1x2x12x256x512xf32, #tpu.memory_space<vmem>>, vector<1x1x1x32x512xf32>
      %get3A_48 = vector.shape_cast %get3A_47 : vector<1x1x1x32x512xf32> to vector<32x512xf32>
      %get3A_49 = arith.constant 0 : index
      %get3A_50 = arith.constant 0 : index
      %get3A_51 = arith.constant 4 : index
      %get3A_52 = arith.index_cast %mul3A_20 : i32 to index
      %get3A_53 = arith.constant 0 : index
      %get3A_54 = vector.load %arg1[%get3A_49, %get3A_50, %get3A_51, %get3A_52, %get3A_53] : memref<1x2x12x256x512xf32, #tpu.memory_space<vmem>>, vector<1x1x1x32x512xf32>
      %get3A_55 = vector.shape_cast %get3A_54 : vector<1x1x1x32x512xf32> to vector<32x512xf32>
      %get3A_56 = arith.constant 0 : index
      %get3A_57 = arith.constant 0 : index
      %get3A_58 = arith.constant 5 : index
      %get3A_59 = arith.index_cast %mul3A_20 : i32 to index
      %get3A_60 = arith.constant 0 : index
      %get3A_61 = vector.load %arg1[%get3A_56, %get3A_57, %get3A_58, %get3A_59, %get3A_60] : memref<1x2x12x256x512xf32, #tpu.memory_space<vmem>>, vector<1x1x1x32x512xf32>
      %get3A_62 = vector.shape_cast %get3A_61 : vector<1x1x1x32x512xf32> to vector<32x512xf32>
      %get3A_63 = arith.constant 0 : index
      %get3A_64 = arith.constant 0 : index
      %get3A_65 = arith.constant 6 : index
      %get3A_66 = arith.index_cast %mul3A_20 : i32 to index
      %get3A_67 = arith.constant 0 : index
      %get3A_68 = vector.load %arg1[%get3A_63, %get3A_64, %get3A_65, %get3A_66, %get3A_67] : memref<1x2x12x256x512xf32, #tpu.memory_space<vmem>>, vector<1x1x1x32x512xf32>
      %get3A_69 = vector.shape_cast %get3A_68 : vector<1x1x1x32x512xf32> to vector<32x512xf32>
      %get3A_70 = arith.constant 0 : index
      %get3A_71 = arith.constant 0 : index
      %get3A_72 = arith.constant 7 : index
      %get3A_73 = arith.index_cast %mul3A_20 : i32 to index
      %get3A_74 = arith.constant 0 : index
      %get3A_75 = vector.load %arg1[%get3A_70, %get3A_71, %get3A_72, %get3A_73, %get3A_74] : memref<1x2x12x256x512xf32, #tpu.memory_space<vmem>>, vector<1x1x1x32x512xf32>
      %get3A_76 = vector.shape_cast %get3A_75 : vector<1x1x1x32x512xf32> to vector<32x512xf32>
      %get3A_77 = arith.constant 0 : index
      %get3A_78 = arith.constant 0 : index
      %get3A_79 = arith.constant 8 : index
      %get3A_80 = arith.index_cast %mul3A_20 : i32 to index
      %get3A_81 = arith.constant 0 : index
      %get3A_82 = vector.load %arg1[%get3A_77, %get3A_78, %get3A_79, %get3A_80, %get3A_81] : memref<1x2x12x256x512xf32, #tpu.memory_space<vmem>>, vector<1x1x1x32x512xf32>
      %get3A_83 = vector.shape_cast %get3A_82 : vector<1x1x1x32x512xf32> to vector<32x512xf32>
      %get3A_84 = arith.constant 0 : index
      %get3A_85 = arith.constant 0 : index
      %get3A_86 = arith.constant 9 : index
      %get3A_87 = arith.index_cast %mul3A_20 : i32 to index
      %get3A_88 = arith.constant 0 : index
      %get3A_89 = vector.load %arg1[%get3A_84, %get3A_85, %get3A_86, %get3A_87, %get3A_88] : memref<1x2x12x256x512xf32, #tpu.memory_space<vmem>>, vector<1x1x1x32x512xf32>
      %get3A_90 = vector.shape_cast %get3A_89 : vector<1x1x1x32x512xf32> to vector<32x512xf32>
      %get3A_91 = arith.constant 0 : index
      %get3A_92 = arith.constant 0 : index
      %get3A_93 = arith.constant 10 : index
      %get3A_94 = arith.index_cast %mul3A_20 : i32 to index
      %get3A_95 = arith.constant 0 : index
      %get3A_96 = vector.load %arg1[%get3A_91, %get3A_92, %get3A_93, %get3A_94, %get3A_95] : memref<1x2x12x256x512xf32, #tpu.memory_space<vmem>>, vector<1x1x1x32x512xf32>
      %get3A_97 = vector.shape_cast %get3A_96 : vector<1x1x1x32x512xf32> to vector<32x512xf32>
      %get3A_98 = arith.constant 0 : index
      %get3A_99 = arith.constant 0 : index
      %get3A_100 = arith.constant 11 : index
      %get3A_101 = arith.index_cast %mul3A_20 : i32 to index
      %get3A_102 = arith.constant 0 : index
      %get3A_103 = vector.load %arg1[%get3A_98, %get3A_99, %get3A_100, %get3A_101, %get3A_102] : memref<1x2x12x256x512xf32, #tpu.memory_space<vmem>>, vector<1x1x1x32x512xf32>
      %get3A_104 = vector.shape_cast %get3A_103 : vector<1x1x1x32x512xf32> to vector<32x512xf32>
      %get3A_105 = arith.constant 0 : index
      %get3A_106 = arith.constant 1 : index
      %get3A_107 = arith.constant 0 : index
      %get3A_108 = arith.index_cast %mul3A_20 : i32 to index
      %get3A_109 = arith.constant 0 : index
      %get3A_110 = vector.load %arg1[%get3A_105, %get3A_106, %get3A_107, %get3A_108, %get3A_109] : memref<1x2x12x256x512xf32, #tpu.memory_space<vmem>>, vector<1x1x1x32x512xf32>
      %get3A_111 = vector.shape_cast %get3A_110 : vector<1x1x1x32x512xf32> to vector<32x512xf32>
      %get3A_112 = arith.constant 0 : index
      %get3A_113 = arith.constant 1 : index
      %get3A_114 = arith.constant 1 : index
      %get3A_115 = arith.index_cast %mul3A_20 : i32 to index
      %get3A_116 = arith.constant 0 : index
      %get3A_117 = vector.load %arg1[%get3A_112, %get3A_113, %get3A_114, %get3A_115, %get3A_116] : memref<1x2x12x256x512xf32, #tpu.memory_space<vmem>>, vector<1x1x1x32x512xf32>
      %get3A_118 = vector.shape_cast %get3A_117 : vector<1x1x1x32x512xf32> to vector<32x512xf32>
      %get3A_119 = arith.constant 0 : index
      %get3A_120 = arith.constant 1 : index
      %get3A_121 = arith.constant 2 : index
      %get3A_122 = arith.index_cast %mul3A_20 : i32 to index
      %get3A_123 = arith.constant 0 : index
      %get3A_124 = vector.load %arg1[%get3A_119, %get3A_120, %get3A_121, %get3A_122, %get3A_123] : memref<1x2x12x256x512xf32, #tpu.memory_space<vmem>>, vector<1x1x1x32x512xf32>
      %get3A_125 = vector.shape_cast %get3A_124 : vector<1x1x1x32x512xf32> to vector<32x512xf32>
      %get3A_126 = arith.constant 0 : index
      %get3A_127 = arith.constant 1 : index
      %get3A_128 = arith.constant 3 : index
      %get3A_129 = arith.index_cast %mul3A_20 : i32 to index
      %get3A_130 = arith.constant 0 : index
      %get3A_131 = vector.load %arg1[%get3A_126, %get3A_127, %get3A_128, %get3A_129, %get3A_130] : memref<1x2x12x256x512xf32, #tpu.memory_space<vmem>>, vector<1x1x1x32x512xf32>
      %get3A_132 = vector.shape_cast %get3A_131 : vector<1x1x1x32x512xf32> to vector<32x512xf32>
      %get3A_133 = arith.constant 0 : index
      %get3A_134 = arith.constant 1 : index
      %get3A_135 = arith.constant 4 : index
      %get3A_136 = arith.index_cast %mul3A_20 : i32 to index
      %get3A_137 = arith.constant 0 : index
      %get3A_138 = vector.load %arg1[%get3A_133, %get3A_134, %get3A_135, %get3A_136, %get3A_137] : memref<1x2x12x256x512xf32, #tpu.memory_space<vmem>>, vector<1x1x1x32x512xf32>
      %get3A_139 = vector.shape_cast %get3A_138 : vector<1x1x1x32x512xf32> to vector<32x512xf32>
      %get3A_140 = arith.constant 0 : index
      %get3A_141 = arith.constant 1 : index
      %get3A_142 = arith.constant 5 : index
      %get3A_143 = arith.index_cast %mul3A_20 : i32 to index
      %get3A_144 = arith.constant 0 : index
      %get3A_145 = vector.load %arg1[%get3A_140, %get3A_141, %get3A_142, %get3A_143, %get3A_144] : memref<1x2x12x256x512xf32, #tpu.memory_space<vmem>>, vector<1x1x1x32x512xf32>
      %get3A_146 = vector.shape_cast %get3A_145 : vector<1x1x1x32x512xf32> to vector<32x512xf32>
      %get3A_147 = arith.constant 0 : index
      %get3A_148 = arith.constant 1 : index
      %get3A_149 = arith.constant 6 : index
      %get3A_150 = arith.index_cast %mul3A_20 : i32 to index
      %get3A_151 = arith.constant 0 : index
      %get3A_152 = vector.load %arg1[%get3A_147, %get3A_148, %get3A_149, %get3A_150, %get3A_151] : memref<1x2x12x256x512xf32, #tpu.memory_space<vmem>>, vector<1x1x1x32x512xf32>
      %get3A_153 = vector.shape_cast %get3A_152 : vector<1x1x1x32x512xf32> to vector<32x512xf32>
      %get3A_154 = arith.constant 0 : index
      %get3A_155 = arith.constant 1 : index
      %get3A_156 = arith.constant 7 : index
      %get3A_157 = arith.index_cast %mul3A_20 : i32 to index
      %get3A_158 = arith.constant 0 : index
      %get3A_159 = vector.load %arg1[%get3A_154, %get3A_155, %get3A_156, %get3A_157, %get3A_158] : memref<1x2x12x256x512xf32, #tpu.memory_space<vmem>>, vector<1x1x1x32x512xf32>
      %get3A_160 = vector.shape_cast %get3A_159 : vector<1x1x1x32x512xf32> to vector<32x512xf32>
      %get3A_161 = arith.constant 0 : index
      %get3A_162 = arith.constant 1 : index
      %get3A_163 = arith.constant 8 : index
      %get3A_164 = arith.index_cast %mul3A_20 : i32 to index
      %get3A_165 = arith.constant 0 : index
      %get3A_166 = vector.load %arg1[%get3A_161, %get3A_162, %get3A_163, %get3A_164, %get3A_165] : memref<1x2x12x256x512xf32, #tpu.memory_space<vmem>>, vector<1x1x1x32x512xf32>
      %get3A_167 = vector.shape_cast %get3A_166 : vector<1x1x1x32x512xf32> to vector<32x512xf32>
      %get3A_168 = arith.constant 0 : index
      %get3A_169 = arith.constant 1 : index
      %get3A_170 = arith.constant 9 : index
      %get3A_171 = arith.index_cast %mul3A_20 : i32 to index
      %get3A_172 = arith.constant 0 : index
      %get3A_173 = vector.load %arg1[%get3A_168, %get3A_169, %get3A_170, %get3A_171, %get3A_172] : memref<1x2x12x256x512xf32, #tpu.memory_space<vmem>>, vector<1x1x1x32x512xf32>
      %get3A_174 = vector.shape_cast %get3A_173 : vector<1x1x1x32x512xf32> to vector<32x512xf32>
      %get3A_175 = arith.constant 0 : index
      %get3A_176 = arith.constant 1 : index
      %get3A_177 = arith.constant 10 : index
      %get3A_178 = arith.index_cast %mul3A_20 : i32 to index
      %get3A_179 = arith.constant 0 : index
      %get3A_180 = vector.load %arg1[%get3A_175, %get3A_176, %get3A_177, %get3A_178, %get3A_179] : memref<1x2x12x256x512xf32, #tpu.memory_space<vmem>>, vector<1x1x1x32x512xf32>
      %get3A_181 = vector.shape_cast %get3A_180 : vector<1x1x1x32x512xf32> to vector<32x512xf32>
      %get3A_182 = arith.constant 0 : index
      %get3A_183 = arith.constant 1 : index
      %get3A_184 = arith.constant 11 : index
      %get3A_185 = arith.index_cast %mul3A_20 : i32 to index
      %get3A_186 = arith.constant 0 : index
      %get3A_187 = vector.load %arg1[%get3A_182, %get3A_183, %get3A_184, %get3A_185, %get3A_186] : memref<1x2x12x256x512xf32, #tpu.memory_space<vmem>>, vector<1x1x1x32x512xf32>
      %get3A_188 = vector.shape_cast %get3A_187 : vector<1x1x1x32x512xf32> to vector<32x512xf32>
      %broadcast_in_dim3A_189 = arith.constant 0.000000e+00 : f32
      %broadcast_in_dim3A_190 = vector.broadcast %broadcast_in_dim3A_189 : f32 to vector<32x512xf32>
      %broadcast_in_dim3A_191 = arith.constant -7.000000e+00 : f32
      %broadcast_in_dim3A_192 = vector.broadcast %broadcast_in_dim3A_191 : f32 to vector<32x512xf32>
      %sub3A = arith.subf %get3A_41, %get3A_34 : vector<32x512xf32>
      %lt3A = arith.cmpf olt, %sub3A, %broadcast_in_dim3A_192 : vector<32x512xf32>
      %select_n3A = arith.select %lt3A, %sub3A, %broadcast_in_dim3A_192 : vector<32x512xi1>, vector<32x512xf32>
      %jit3A = arith.constant 2.000000e+00 : f32
      %broadcast_in_dim3A_193 = vector.broadcast %jit3A : f32 to vector<32x512xf32>
      %select_n3A_194 = arith.select %lt3A, %broadcast_in_dim3A_193, %broadcast_in_dim3A_190 : vector<32x512xi1>, vector<32x512xf32>
      %sub3A_195 = arith.subf %get3A_48, %get3A_41 : vector<32x512xf32>
      %lt3A_196 = arith.cmpf olt, %sub3A_195, %select_n3A : vector<32x512xf32>
      %select_n3A_197 = arith.select %lt3A_196, %sub3A_195, %select_n3A : vector<32x512xi1>, vector<32x512xf32>
      %jit3A_198 = arith.constant 3.000000e+00 : f32
      %broadcast_in_dim3A_199 = vector.broadcast %jit3A_198 : f32 to vector<32x512xf32>
      %select_n3A_200 = arith.select %lt3A_196, %broadcast_in_dim3A_199, %select_n3A_194 : vector<32x512xi1>, vector<32x512xf32>
      %sub3A_201 = arith.subf %get3A_55, %get3A_48 : vector<32x512xf32>
      %lt3A_202 = arith.cmpf olt, %sub3A_201, %select_n3A_197 : vector<32x512xf32>
      %select_n3A_203 = arith.select %lt3A_202, %sub3A_201, %select_n3A_197 : vector<32x512xi1>, vector<32x512xf32>
      %jit3A_204 = arith.constant 4.000000e+00 : f32
      %broadcast_in_dim3A_205 = vector.broadcast %jit3A_204 : f32 to vector<32x512xf32>
      %select_n3A_206 = arith.select %lt3A_202, %broadcast_in_dim3A_205, %select_n3A_200 : vector<32x512xi1>, vector<32x512xf32>
      %sub3A_207 = arith.subf %get3A_62, %get3A_55 : vector<32x512xf32>
      %lt3A_208 = arith.cmpf olt, %sub3A_207, %select_n3A_203 : vector<32x512xf32>
      %select_n3A_209 = arith.select %lt3A_208, %sub3A_207, %select_n3A_203 : vector<32x512xi1>, vector<32x512xf32>
      %jit3A_210 = arith.constant 5.000000e+00 : f32
      %broadcast_in_dim3A_211 = vector.broadcast %jit3A_210 : f32 to vector<32x512xf32>
      %select_n3A_212 = arith.select %lt3A_208, %broadcast_in_dim3A_211, %select_n3A_206 : vector<32x512xi1>, vector<32x512xf32>
      %sub3A_213 = arith.subf %get3A_69, %get3A_62 : vector<32x512xf32>
      %lt3A_214 = arith.cmpf olt, %sub3A_213, %select_n3A_209 : vector<32x512xf32>
      %select_n3A_215 = arith.select %lt3A_214, %sub3A_213, %select_n3A_209 : vector<32x512xi1>, vector<32x512xf32>
      %jit3A_216 = arith.constant 6.000000e+00 : f32
      %broadcast_in_dim3A_217 = vector.broadcast %jit3A_216 : f32 to vector<32x512xf32>
      %select_n3A_218 = arith.select %lt3A_214, %broadcast_in_dim3A_217, %select_n3A_212 : vector<32x512xi1>, vector<32x512xf32>
      %sub3A_219 = arith.subf %get3A_76, %get3A_69 : vector<32x512xf32>
      %lt3A_220 = arith.cmpf olt, %sub3A_219, %select_n3A_215 : vector<32x512xf32>
      %select_n3A_221 = arith.select %lt3A_220, %sub3A_219, %select_n3A_215 : vector<32x512xi1>, vector<32x512xf32>
      %jit3A_222 = arith.constant 7.000000e+00 : f32
      %broadcast_in_dim3A_223 = vector.broadcast %jit3A_222 : f32 to vector<32x512xf32>
      %select_n3A_224 = arith.select %lt3A_220, %broadcast_in_dim3A_223, %select_n3A_218 : vector<32x512xi1>, vector<32x512xf32>
      %sub3A_225 = arith.subf %get3A_83, %get3A_76 : vector<32x512xf32>
      %lt3A_226 = arith.cmpf olt, %sub3A_225, %select_n3A_221 : vector<32x512xf32>
      %select_n3A_227 = arith.select %lt3A_226, %sub3A_225, %select_n3A_221 : vector<32x512xi1>, vector<32x512xf32>
      %jit3A_228 = arith.constant 8.000000e+00 : f32
      %broadcast_in_dim3A_229 = vector.broadcast %jit3A_228 : f32 to vector<32x512xf32>
      %select_n3A_230 = arith.select %lt3A_226, %broadcast_in_dim3A_229, %select_n3A_224 : vector<32x512xi1>, vector<32x512xf32>
      %sub3A_231 = arith.subf %get3A_90, %get3A_83 : vector<32x512xf32>
      %lt3A_232 = arith.cmpf olt, %sub3A_231, %select_n3A_227 : vector<32x512xf32>
      %select_n3A_233 = arith.select %lt3A_232, %sub3A_231, %select_n3A_227 : vector<32x512xi1>, vector<32x512xf32>
      %jit3A_234 = arith.constant 9.000000e+00 : f32
      %broadcast_in_dim3A_235 = vector.broadcast %jit3A_234 : f32 to vector<32x512xf32>
      %select_n3A_236 = arith.select %lt3A_232, %broadcast_in_dim3A_235, %select_n3A_230 : vector<32x512xi1>, vector<32x512xf32>
      %sub3A_237 = arith.subf %get3A_97, %get3A_90 : vector<32x512xf32>
      %lt3A_238 = arith.cmpf olt, %sub3A_237, %select_n3A_233 : vector<32x512xf32>
      %jit3A_239 = arith.constant 1.000000e+01 : f32
      %broadcast_in_dim3A_240 = vector.broadcast %jit3A_239 : f32 to vector<32x512xf32>
      %select_n3A_241 = arith.select %lt3A_238, %broadcast_in_dim3A_240, %select_n3A_236 : vector<32x512xi1>, vector<32x512xf32>
      %gt3A = arith.constant 0.000000e+00 : f32
      %gt3A_242 = vector.broadcast %gt3A : f32 to vector<32x512xf32>
      %gt3A_243 = arith.cmpf ogt, %select_n3A_241, %gt3A_242 : vector<32x512xf32>
      %gt3A_244 = arith.constant 1.000000e+00 : f32
      %gt3A_245 = vector.broadcast %gt3A_244 : f32 to vector<32x512xf32>
      %gt3A_246 = arith.cmpf ogt, %select_n3A_241, %gt3A_245 : vector<32x512xf32>
      %gt3A_247 = arith.constant 2.000000e+00 : f32
      %gt3A_248 = vector.broadcast %gt3A_247 : f32 to vector<32x512xf32>
      %gt3A_249 = arith.cmpf ogt, %select_n3A_241, %gt3A_248 : vector<32x512xf32>
      %gt3A_250 = arith.constant 3.000000e+00 : f32
      %gt3A_251 = vector.broadcast %gt3A_250 : f32 to vector<32x512xf32>
      %gt3A_252 = arith.cmpf ogt, %select_n3A_241, %gt3A_251 : vector<32x512xf32>
      %gt3A_253 = arith.constant 4.000000e+00 : f32
      %gt3A_254 = vector.broadcast %gt3A_253 : f32 to vector<32x512xf32>
      %gt3A_255 = arith.cmpf ogt, %select_n3A_241, %gt3A_254 : vector<32x512xf32>
      %gt3A_256 = arith.constant 5.000000e+00 : f32
      %gt3A_257 = vector.broadcast %gt3A_256 : f32 to vector<32x512xf32>
      %gt3A_258 = arith.cmpf ogt, %select_n3A_241, %gt3A_257 : vector<32x512xf32>
      %gt3A_259 = arith.constant 6.000000e+00 : f32
      %gt3A_260 = vector.broadcast %gt3A_259 : f32 to vector<32x512xf32>
      %gt3A_261 = arith.cmpf ogt, %select_n3A_241, %gt3A_260 : vector<32x512xf32>
      %gt3A_262 = arith.constant 7.000000e+00 : f32
      %gt3A_263 = vector.broadcast %gt3A_262 : f32 to vector<32x512xf32>
      %gt3A_264 = arith.cmpf ogt, %select_n3A_241, %gt3A_263 : vector<32x512xf32>
      %gt3A_265 = arith.constant 8.000000e+00 : f32
      %gt3A_266 = vector.broadcast %gt3A_265 : f32 to vector<32x512xf32>
      %gt3A_267 = arith.cmpf ogt, %select_n3A_241, %gt3A_266 : vector<32x512xf32>
      %gt3A_268 = arith.constant 9.000000e+00 : f32
      %gt3A_269 = vector.broadcast %gt3A_268 : f32 to vector<32x512xf32>
      %gt3A_270 = arith.cmpf ogt, %select_n3A_241, %gt3A_269 : vector<32x512xf32>
      %mul3A_271 = arith.constant 1.000000e+00 : f32
      %mul3A_272 = vector.broadcast %mul3A_271 : f32 to vector<32x512xf32>
      %mul3A_273 = arith.mulf %mul3A_272, %get3A_34 : vector<32x512xf32>
      %mul3A_274 = arith.constant 2.000000e+00 : f32
      %mul3A_275 = vector.broadcast %mul3A_274 : f32 to vector<32x512xf32>
      %mul3A_276 = arith.mulf %mul3A_275, %get3A_41 : vector<32x512xf32>
      %mul3A_277 = arith.constant 3.000000e+00 : f32
      %mul3A_278 = vector.broadcast %mul3A_277 : f32 to vector<32x512xf32>
      %mul3A_279 = arith.mulf %mul3A_278, %get3A_48 : vector<32x512xf32>
      %mul3A_280 = arith.constant 4.000000e+00 : f32
      %mul3A_281 = vector.broadcast %mul3A_280 : f32 to vector<32x512xf32>
      %mul3A_282 = arith.mulf %mul3A_281, %get3A_55 : vector<32x512xf32>
      %mul3A_283 = arith.constant 5.000000e+00 : f32
      %mul3A_284 = vector.broadcast %mul3A_283 : f32 to vector<32x512xf32>
      %mul3A_285 = arith.mulf %mul3A_284, %get3A_62 : vector<32x512xf32>
      %mul3A_286 = arith.constant 6.000000e+00 : f32
      %mul3A_287 = vector.broadcast %mul3A_286 : f32 to vector<32x512xf32>
      %mul3A_288 = arith.mulf %mul3A_287, %get3A_69 : vector<32x512xf32>
      %mul3A_289 = arith.constant 7.000000e+00 : f32
      %mul3A_290 = vector.broadcast %mul3A_289 : f32 to vector<32x512xf32>
      %mul3A_291 = arith.mulf %mul3A_290, %get3A_76 : vector<32x512xf32>
      %mul3A_292 = arith.constant 8.000000e+00 : f32
      %mul3A_293 = vector.broadcast %mul3A_292 : f32 to vector<32x512xf32>
      %mul3A_294 = arith.mulf %mul3A_293, %get3A_83 : vector<32x512xf32>
      %mul3A_295 = arith.constant 9.000000e+00 : f32
      %mul3A_296 = vector.broadcast %mul3A_295 : f32 to vector<32x512xf32>
      %mul3A_297 = arith.mulf %mul3A_296, %get3A_90 : vector<32x512xf32>
      %mul3A_298 = arith.constant 1.000000e+01 : f32
      %mul3A_299 = vector.broadcast %mul3A_298 : f32 to vector<32x512xf32>
      %mul3A_300 = arith.mulf %mul3A_299, %get3A_97 : vector<32x512xf32>
      %mul3A_301 = arith.constant 1.100000e+01 : f32
      %mul3A_302 = vector.broadcast %mul3A_301 : f32 to vector<32x512xf32>
      %mul3A_303 = arith.mulf %mul3A_302, %get3A_104 : vector<32x512xf32>
      %add3A_304 = arith.addf %get3A_27, %get3A_34 : vector<32x512xf32>
      %add3A_305 = arith.addf %add3A_304, %get3A_41 : vector<32x512xf32>
      %add3A_306 = arith.addf %add3A_305, %get3A_48 : vector<32x512xf32>
      %add3A_307 = arith.addf %add3A_306, %get3A_55 : vector<32x512xf32>
      %add3A_308 = arith.addf %add3A_307, %get3A_62 : vector<32x512xf32>
      %add3A_309 = arith.addf %add3A_308, %get3A_69 : vector<32x512xf32>
      %add3A_310 = arith.addf %add3A_309, %get3A_76 : vector<32x512xf32>
      %add3A_311 = arith.addf %add3A_310, %get3A_83 : vector<32x512xf32>
      %add3A_312 = arith.addf %add3A_311, %get3A_90 : vector<32x512xf32>
      %add3A_313 = arith.addf %add3A_312, %get3A_97 : vector<32x512xf32>
      %add3A_314 = arith.addf %add3A_313, %get3A_104 : vector<32x512xf32>
      %add3A_315 = arith.addf %mul3A_273, %mul3A_276 : vector<32x512xf32>
      %add3A_316 = arith.addf %add3A_315, %mul3A_279 : vector<32x512xf32>
      %add3A_317 = arith.addf %add3A_316, %mul3A_282 : vector<32x512xf32>
      %add3A_318 = arith.addf %add3A_317, %mul3A_285 : vector<32x512xf32>
      %add3A_319 = arith.addf %add3A_318, %mul3A_288 : vector<32x512xf32>
      %add3A_320 = arith.addf %add3A_319, %mul3A_291 : vector<32x512xf32>
      %add3A_321 = arith.addf %add3A_320, %mul3A_294 : vector<32x512xf32>
      %add3A_322 = arith.addf %add3A_321, %mul3A_297 : vector<32x512xf32>
      %add3A_323 = arith.addf %add3A_322, %mul3A_300 : vector<32x512xf32>
      %add3A_324 = arith.addf %add3A_323, %mul3A_303 : vector<32x512xf32>
      %jit3A_325 = arith.constant 0.000000e+00 : f32
      %broadcast_in_dim3A_326 = vector.broadcast %jit3A_325 : f32 to vector<32x512xf32>
      %select_n3A_327 = arith.select %gt3A_243, %get3A_27, %broadcast_in_dim3A_326 : vector<32x512xi1>, vector<32x512xf32>
      %jit3A_328 = arith.constant 0.000000e+00 : f32
      %broadcast_in_dim3A_329 = vector.broadcast %jit3A_328 : f32 to vector<32x512xf32>
      %select_n3A_330 = arith.select %gt3A_246, %get3A_34, %broadcast_in_dim3A_329 : vector<32x512xi1>, vector<32x512xf32>
      %add3A_331 = arith.addf %select_n3A_327, %select_n3A_330 : vector<32x512xf32>
      %jit3A_332 = arith.constant 0.000000e+00 : f32
      %broadcast_in_dim3A_333 = vector.broadcast %jit3A_332 : f32 to vector<32x512xf32>
      %select_n3A_334 = arith.select %gt3A_249, %get3A_41, %broadcast_in_dim3A_333 : vector<32x512xi1>, vector<32x512xf32>
      %add3A_335 = arith.addf %add3A_331, %select_n3A_334 : vector<32x512xf32>
      %jit3A_336 = arith.constant 0.000000e+00 : f32
      %broadcast_in_dim3A_337 = vector.broadcast %jit3A_336 : f32 to vector<32x512xf32>
      %select_n3A_338 = arith.select %gt3A_252, %get3A_48, %broadcast_in_dim3A_337 : vector<32x512xi1>, vector<32x512xf32>
      %add3A_339 = arith.addf %add3A_335, %select_n3A_338 : vector<32x512xf32>
      %jit3A_340 = arith.constant 0.000000e+00 : f32
      %broadcast_in_dim3A_341 = vector.broadcast %jit3A_340 : f32 to vector<32x512xf32>
      %select_n3A_342 = arith.select %gt3A_255, %get3A_55, %broadcast_in_dim3A_341 : vector<32x512xi1>, vector<32x512xf32>
      %add3A_343 = arith.addf %add3A_339, %select_n3A_342 : vector<32x512xf32>
      %jit3A_344 = arith.constant 0.000000e+00 : f32
      %broadcast_in_dim3A_345 = vector.broadcast %jit3A_344 : f32 to vector<32x512xf32>
      %select_n3A_346 = arith.select %gt3A_258, %get3A_62, %broadcast_in_dim3A_345 : vector<32x512xi1>, vector<32x512xf32>
      %add3A_347 = arith.addf %add3A_343, %select_n3A_346 : vector<32x512xf32>
      %jit3A_348 = arith.constant 0.000000e+00 : f32
      %broadcast_in_dim3A_349 = vector.broadcast %jit3A_348 : f32 to vector<32x512xf32>
      %select_n3A_350 = arith.select %gt3A_261, %get3A_69, %broadcast_in_dim3A_349 : vector<32x512xi1>, vector<32x512xf32>
      %add3A_351 = arith.addf %add3A_347, %select_n3A_350 : vector<32x512xf32>
      %jit3A_352 = arith.constant 0.000000e+00 : f32
      %broadcast_in_dim3A_353 = vector.broadcast %jit3A_352 : f32 to vector<32x512xf32>
      %select_n3A_354 = arith.select %gt3A_264, %get3A_76, %broadcast_in_dim3A_353 : vector<32x512xi1>, vector<32x512xf32>
      %add3A_355 = arith.addf %add3A_351, %select_n3A_354 : vector<32x512xf32>
      %jit3A_356 = arith.constant 0.000000e+00 : f32
      %broadcast_in_dim3A_357 = vector.broadcast %jit3A_356 : f32 to vector<32x512xf32>
      %select_n3A_358 = arith.select %gt3A_267, %get3A_83, %broadcast_in_dim3A_357 : vector<32x512xi1>, vector<32x512xf32>
      %add3A_359 = arith.addf %add3A_355, %select_n3A_358 : vector<32x512xf32>
      %jit3A_360 = arith.constant 0.000000e+00 : f32
      %broadcast_in_dim3A_361 = vector.broadcast %jit3A_360 : f32 to vector<32x512xf32>
      %select_n3A_362 = arith.select %gt3A_270, %get3A_90, %broadcast_in_dim3A_361 : vector<32x512xi1>, vector<32x512xf32>
      %add3A_363 = arith.addf %add3A_359, %select_n3A_362 : vector<32x512xf32>
      %jit3A_364 = arith.constant 0.000000e+00 : f32
      %broadcast_in_dim3A_365 = vector.broadcast %jit3A_364 : f32 to vector<32x512xf32>
      %select_n3A_366 = arith.select %gt3A_246, %mul3A_273, %broadcast_in_dim3A_365 : vector<32x512xi1>, vector<32x512xf32>
      %jit3A_367 = arith.constant 0.000000e+00 : f32
      %broadcast_in_dim3A_368 = vector.broadcast %jit3A_367 : f32 to vector<32x512xf32>
      %select_n3A_369 = arith.select %gt3A_249, %mul3A_276, %broadcast_in_dim3A_368 : vector<32x512xi1>, vector<32x512xf32>
      %add3A_370 = arith.addf %select_n3A_366, %select_n3A_369 : vector<32x512xf32>
      %jit3A_371 = arith.constant 0.000000e+00 : f32
      %broadcast_in_dim3A_372 = vector.broadcast %jit3A_371 : f32 to vector<32x512xf32>
      %select_n3A_373 = arith.select %gt3A_252, %mul3A_279, %broadcast_in_dim3A_372 : vector<32x512xi1>, vector<32x512xf32>
      %add3A_374 = arith.addf %add3A_370, %select_n3A_373 : vector<32x512xf32>
      %jit3A_375 = arith.constant 0.000000e+00 : f32
      %broadcast_in_dim3A_376 = vector.broadcast %jit3A_375 : f32 to vector<32x512xf32>
      %select_n3A_377 = arith.select %gt3A_255, %mul3A_282, %broadcast_in_dim3A_376 : vector<32x512xi1>, vector<32x512xf32>
      %add3A_378 = arith.addf %add3A_374, %select_n3A_377 : vector<32x512xf32>
      %jit3A_379 = arith.constant 0.000000e+00 : f32
      %broadcast_in_dim3A_380 = vector.broadcast %jit3A_379 : f32 to vector<32x512xf32>
      %select_n3A_381 = arith.select %gt3A_258, %mul3A_285, %broadcast_in_dim3A_380 : vector<32x512xi1>, vector<32x512xf32>
      %add3A_382 = arith.addf %add3A_378, %select_n3A_381 : vector<32x512xf32>
      %jit3A_383 = arith.constant 0.000000e+00 : f32
      %broadcast_in_dim3A_384 = vector.broadcast %jit3A_383 : f32 to vector<32x512xf32>
      %select_n3A_385 = arith.select %gt3A_261, %mul3A_288, %broadcast_in_dim3A_384 : vector<32x512xi1>, vector<32x512xf32>
      %add3A_386 = arith.addf %add3A_382, %select_n3A_385 : vector<32x512xf32>
      %jit3A_387 = arith.constant 0.000000e+00 : f32
      %broadcast_in_dim3A_388 = vector.broadcast %jit3A_387 : f32 to vector<32x512xf32>
      %select_n3A_389 = arith.select %gt3A_264, %mul3A_291, %broadcast_in_dim3A_388 : vector<32x512xi1>, vector<32x512xf32>
      %add3A_390 = arith.addf %add3A_386, %select_n3A_389 : vector<32x512xf32>
      %jit3A_391 = arith.constant 0.000000e+00 : f32
      %broadcast_in_dim3A_392 = vector.broadcast %jit3A_391 : f32 to vector<32x512xf32>
      %select_n3A_393 = arith.select %gt3A_267, %mul3A_294, %broadcast_in_dim3A_392 : vector<32x512xi1>, vector<32x512xf32>
      %add3A_394 = arith.addf %add3A_390, %select_n3A_393 : vector<32x512xf32>
      %jit3A_395 = arith.constant 0.000000e+00 : f32
      %broadcast_in_dim3A_396 = vector.broadcast %jit3A_395 : f32 to vector<32x512xf32>
      %select_n3A_397 = arith.select %gt3A_270, %mul3A_297, %broadcast_in_dim3A_396 : vector<32x512xi1>, vector<32x512xf32>
      %add3A_398 = arith.addf %add3A_394, %select_n3A_397 : vector<32x512xf32>
      %max3A = arith.constant 2.000000e+00 : f32
      %max3A_399 = vector.broadcast %max3A : f32 to vector<32x512xf32>
      %max3A_400 = arith.maximumf %select_n3A_241, %max3A_399 : vector<32x512xf32>
      %sub3A_401 = arith.constant 1.000000e+00 : f32
      %sub3A_402 = vector.broadcast %sub3A_401 : f32 to vector<32x512xf32>
      %sub3A_403 = arith.subf %max3A_400, %sub3A_402 : vector<32x512xf32>
      %mul3A_404 = arith.constant 5.000000e-01 : f32
      %mul3A_405 = vector.broadcast %mul3A_404 : f32 to vector<32x512xf32>
      %mul3A_406 = arith.mulf %sub3A_403, %mul3A_405 : vector<32x512xf32>
      %mul3A_407 = arith.mulf %max3A_400, %max3A_400 : vector<32x512xf32>
      %sub3A_408 = arith.constant 1.000000e+00 : f32
      %sub3A_409 = vector.broadcast %sub3A_408 : f32 to vector<32x512xf32>
      %sub3A_410 = arith.subf %mul3A_407, %sub3A_409 : vector<32x512xf32>
      %mul3A_411 = arith.mulf %max3A_400, %sub3A_410 : vector<32x512xf32>
      %mul3A_412 = arith.constant 0.0833333358 : f32
      %mul3A_413 = vector.broadcast %mul3A_412 : f32 to vector<32x512xf32>
      %mul3A_414 = arith.mulf %mul3A_411, %mul3A_413 : vector<32x512xf32>
      %mul3A_415 = arith.mulf %mul3A_406, %add3A_363 : vector<32x512xf32>
      %sub3A_416 = arith.subf %add3A_398, %mul3A_415 : vector<32x512xf32>
      %div3A = arith.divf %sub3A_416, %mul3A_414 : vector<32x512xf32>
      %div3A_417 = arith.divf %add3A_363, %max3A_400 : vector<32x512xf32>
      %mul3A_418 = arith.mulf %div3A, %mul3A_406 : vector<32x512xf32>
      %sub3A_419 = arith.subf %div3A_417, %mul3A_418 : vector<32x512xf32>
      %jit3A_420 = arith.constant 0.000000e+00 : f32
      %jit3A_421 = arith.constant 1.000000e+02 : f32
      %max3A_422 = vector.broadcast %jit3A_420 : f32 to vector<32x512xf32>
      %max3A_423 = arith.maximumf %max3A_422, %sub3A_419 : vector<32x512xf32>
      %min3A = vector.broadcast %jit3A_421 : f32 to vector<32x512xf32>
      %min3A_424 = arith.minimumf %min3A, %max3A_423 : vector<32x512xf32>
      %jit3A_425 = arith.constant 0.000000e+00 : f32
      %jit3A_426 = arith.constant 2.000000e+00 : f32
      %max3A_427 = vector.broadcast %jit3A_425 : f32 to vector<32x512xf32>
      %max3A_428 = arith.maximumf %max3A_427, %div3A : vector<32x512xf32>
      %min3A_429 = vector.broadcast %jit3A_426 : f32 to vector<32x512xf32>
      %min3A_430 = arith.minimumf %min3A_429, %max3A_428 : vector<32x512xf32>
      %sub3A_431 = arith.constant 1.200000e+01 : f32
      %sub3A_432 = vector.broadcast %sub3A_431 : f32 to vector<32x512xf32>
      %sub3A_433 = arith.subf %sub3A_432, %select_n3A_241 : vector<32x512xf32>
      %sub3A_434 = arith.subf %add3A_314, %add3A_363 : vector<32x512xf32>
      %sub3A_435 = arith.subf %add3A_324, %add3A_398 : vector<32x512xf32>
      %mul3A_436 = arith.mulf %select_n3A_241, %sub3A_434 : vector<32x512xf32>
      %sub3A_437 = arith.subf %sub3A_435, %mul3A_436 : vector<32x512xf32>
      %sub3A_438 = arith.constant 1.000000e+00 : f32
      %sub3A_439 = vector.broadcast %sub3A_438 : f32 to vector<32x512xf32>
      %sub3A_440 = arith.subf %sub3A_433, %sub3A_439 : vector<32x512xf32>
      %mul3A_441 = arith.constant 5.000000e-01 : f32
      %mul3A_442 = vector.broadcast %mul3A_441 : f32 to vector<32x512xf32>
      %mul3A_443 = arith.mulf %sub3A_440, %mul3A_442 : vector<32x512xf32>
      %mul3A_444 = arith.mulf %sub3A_433, %sub3A_433 : vector<32x512xf32>
      %sub3A_445 = arith.constant 1.000000e+00 : f32
      %sub3A_446 = vector.broadcast %sub3A_445 : f32 to vector<32x512xf32>
      %sub3A_447 = arith.subf %mul3A_444, %sub3A_446 : vector<32x512xf32>
      %mul3A_448 = arith.mulf %sub3A_433, %sub3A_447 : vector<32x512xf32>
      %mul3A_449 = arith.constant 0.0833333358 : f32
      %mul3A_450 = vector.broadcast %mul3A_449 : f32 to vector<32x512xf32>
      %mul3A_451 = arith.mulf %mul3A_448, %mul3A_450 : vector<32x512xf32>
      %mul3A_452 = arith.mulf %mul3A_443, %sub3A_434 : vector<32x512xf32>
      %sub3A_453 = arith.subf %sub3A_437, %mul3A_452 : vector<32x512xf32>
      %div3A_454 = arith.divf %sub3A_453, %mul3A_451 : vector<32x512xf32>
      %div3A_455 = arith.divf %sub3A_434, %sub3A_433 : vector<32x512xf32>
      %mul3A_456 = arith.mulf %div3A_454, %mul3A_443 : vector<32x512xf32>
      %sub3A_457 = arith.subf %div3A_455, %mul3A_456 : vector<32x512xf32>
      %jit3A_458 = arith.constant 0.000000e+00 : f32
      %jit3A_459 = arith.constant 1.000000e+02 : f32
      %max3A_460 = vector.broadcast %jit3A_458 : f32 to vector<32x512xf32>
      %max3A_461 = arith.maximumf %max3A_460, %sub3A_457 : vector<32x512xf32>
      %min3A_462 = vector.broadcast %jit3A_459 : f32 to vector<32x512xf32>
      %min3A_463 = arith.minimumf %min3A_462, %max3A_461 : vector<32x512xf32>
      %jit3A_464 = arith.constant 0.000000e+00 : f32
      %jit3A_465 = arith.constant 2.000000e+00 : f32
      %max3A_466 = vector.broadcast %jit3A_464 : f32 to vector<32x512xf32>
      %max3A_467 = arith.maximumf %max3A_466, %div3A_454 : vector<32x512xf32>
      %min3A_468 = vector.broadcast %jit3A_465 : f32 to vector<32x512xf32>
      %min3A_469 = arith.minimumf %min3A_468, %max3A_467 : vector<32x512xf32>
      %mul3A_470 = arith.mulf %min3A_469, %select_n3A_241 : vector<32x512xf32>
      %sub3A_471 = arith.subf %min3A_463, %mul3A_470 : vector<32x512xf32>
      %select_n3A_472 = arith.select %gt3A_243, %min3A_424, %sub3A_471 : vector<32x512xi1>, vector<32x512xf32>
      %sub3A_473 = arith.subf %select_n3A_472, %get3A_111 : vector<32x512xf32>
      %mul3A_474 = arith.mulf %sub3A_473, %sub3A_473 : vector<32x512xf32>
      %add3A_475 = arith.addf %broadcast_in_dim3A_190, %mul3A_474 : vector<32x512xf32>
      %select_n3A_476 = arith.select %gt3A_246, %min3A_430, %min3A_469 : vector<32x512xi1>, vector<32x512xf32>
      %select_n3A_477 = arith.select %gt3A_246, %min3A_424, %sub3A_471 : vector<32x512xi1>, vector<32x512xf32>
      %mul3A_478 = arith.constant 1.000000e+00 : f32
      %mul3A_479 = vector.broadcast %mul3A_478 : f32 to vector<32x512xf32>
      %mul3A_480 = arith.mulf %select_n3A_476, %mul3A_479 : vector<32x512xf32>
      %add3A_481 = arith.addf %mul3A_480, %select_n3A_477 : vector<32x512xf32>
      %sub3A_482 = arith.subf %add3A_481, %get3A_118 : vector<32x512xf32>
      %mul3A_483 = arith.mulf %sub3A_482, %sub3A_482 : vector<32x512xf32>
      %add3A_484 = arith.addf %add3A_475, %mul3A_483 : vector<32x512xf32>
      %select_n3A_485 = arith.select %gt3A_249, %min3A_430, %min3A_469 : vector<32x512xi1>, vector<32x512xf32>
      %select_n3A_486 = arith.select %gt3A_249, %min3A_424, %sub3A_471 : vector<32x512xi1>, vector<32x512xf32>
      %mul3A_487 = arith.constant 2.000000e+00 : f32
      %mul3A_488 = vector.broadcast %mul3A_487 : f32 to vector<32x512xf32>
      %mul3A_489 = arith.mulf %select_n3A_485, %mul3A_488 : vector<32x512xf32>
      %add3A_490 = arith.addf %mul3A_489, %select_n3A_486 : vector<32x512xf32>
      %sub3A_491 = arith.subf %add3A_490, %get3A_125 : vector<32x512xf32>
      %mul3A_492 = arith.mulf %sub3A_491, %sub3A_491 : vector<32x512xf32>
      %add3A_493 = arith.addf %add3A_484, %mul3A_492 : vector<32x512xf32>
      %select_n3A_494 = arith.select %gt3A_252, %min3A_430, %min3A_469 : vector<32x512xi1>, vector<32x512xf32>
      %select_n3A_495 = arith.select %gt3A_252, %min3A_424, %sub3A_471 : vector<32x512xi1>, vector<32x512xf32>
      %mul3A_496 = arith.constant 3.000000e+00 : f32
      %mul3A_497 = vector.broadcast %mul3A_496 : f32 to vector<32x512xf32>
      %mul3A_498 = arith.mulf %select_n3A_494, %mul3A_497 : vector<32x512xf32>
      %add3A_499 = arith.addf %mul3A_498, %select_n3A_495 : vector<32x512xf32>
      %sub3A_500 = arith.subf %add3A_499, %get3A_132 : vector<32x512xf32>
      %mul3A_501 = arith.mulf %sub3A_500, %sub3A_500 : vector<32x512xf32>
      %add3A_502 = arith.addf %add3A_493, %mul3A_501 : vector<32x512xf32>
      %select_n3A_503 = arith.select %gt3A_255, %min3A_430, %min3A_469 : vector<32x512xi1>, vector<32x512xf32>
      %select_n3A_504 = arith.select %gt3A_255, %min3A_424, %sub3A_471 : vector<32x512xi1>, vector<32x512xf32>
      %mul3A_505 = arith.constant 4.000000e+00 : f32
      %mul3A_506 = vector.broadcast %mul3A_505 : f32 to vector<32x512xf32>
      %mul3A_507 = arith.mulf %select_n3A_503, %mul3A_506 : vector<32x512xf32>
      %add3A_508 = arith.addf %mul3A_507, %select_n3A_504 : vector<32x512xf32>
      %sub3A_509 = arith.subf %add3A_508, %get3A_139 : vector<32x512xf32>
      %mul3A_510 = arith.mulf %sub3A_509, %sub3A_509 : vector<32x512xf32>
      %add3A_511 = arith.addf %add3A_502, %mul3A_510 : vector<32x512xf32>
      %select_n3A_512 = arith.select %gt3A_258, %min3A_430, %min3A_469 : vector<32x512xi1>, vector<32x512xf32>
      %select_n3A_513 = arith.select %gt3A_258, %min3A_424, %sub3A_471 : vector<32x512xi1>, vector<32x512xf32>
      %mul3A_514 = arith.constant 5.000000e+00 : f32
      %mul3A_515 = vector.broadcast %mul3A_514 : f32 to vector<32x512xf32>
      %mul3A_516 = arith.mulf %select_n3A_512, %mul3A_515 : vector<32x512xf32>
      %add3A_517 = arith.addf %mul3A_516, %select_n3A_513 : vector<32x512xf32>
      %sub3A_518 = arith.subf %add3A_517, %get3A_146 : vector<32x512xf32>
      %mul3A_519 = arith.mulf %sub3A_518, %sub3A_518 : vector<32x512xf32>
      %add3A_520 = arith.addf %add3A_511, %mul3A_519 : vector<32x512xf32>
      %select_n3A_521 = arith.select %gt3A_261, %min3A_430, %min3A_469 : vector<32x512xi1>, vector<32x512xf32>
      %select_n3A_522 = arith.select %gt3A_261, %min3A_424, %sub3A_471 : vector<32x512xi1>, vector<32x512xf32>
      %mul3A_523 = arith.constant 6.000000e+00 : f32
      %mul3A_524 = vector.broadcast %mul3A_523 : f32 to vector<32x512xf32>
      %mul3A_525 = arith.mulf %select_n3A_521, %mul3A_524 : vector<32x512xf32>
      %add3A_526 = arith.addf %mul3A_525, %select_n3A_522 : vector<32x512xf32>
      %sub3A_527 = arith.subf %add3A_526, %get3A_153 : vector<32x512xf32>
      %mul3A_528 = arith.mulf %sub3A_527, %sub3A_527 : vector<32x512xf32>
      %add3A_529 = arith.addf %add3A_520, %mul3A_528 : vector<32x512xf32>
      %select_n3A_530 = arith.select %gt3A_264, %min3A_430, %min3A_469 : vector<32x512xi1>, vector<32x512xf32>
      %select_n3A_531 = arith.select %gt3A_264, %min3A_424, %sub3A_471 : vector<32x512xi1>, vector<32x512xf32>
      %mul3A_532 = arith.constant 7.000000e+00 : f32
      %mul3A_533 = vector.broadcast %mul3A_532 : f32 to vector<32x512xf32>
      %mul3A_534 = arith.mulf %select_n3A_530, %mul3A_533 : vector<32x512xf32>
      %add3A_535 = arith.addf %mul3A_534, %select_n3A_531 : vector<32x512xf32>
      %sub3A_536 = arith.subf %add3A_535, %get3A_160 : vector<32x512xf32>
      %mul3A_537 = arith.mulf %sub3A_536, %sub3A_536 : vector<32x512xf32>
      %add3A_538 = arith.addf %add3A_529, %mul3A_537 : vector<32x512xf32>
      %select_n3A_539 = arith.select %gt3A_267, %min3A_430, %min3A_469 : vector<32x512xi1>, vector<32x512xf32>
      %select_n3A_540 = arith.select %gt3A_267, %min3A_424, %sub3A_471 : vector<32x512xi1>, vector<32x512xf32>
      %mul3A_541 = arith.constant 8.000000e+00 : f32
      %mul3A_542 = vector.broadcast %mul3A_541 : f32 to vector<32x512xf32>
      %mul3A_543 = arith.mulf %select_n3A_539, %mul3A_542 : vector<32x512xf32>
      %add3A_544 = arith.addf %mul3A_543, %select_n3A_540 : vector<32x512xf32>
      %sub3A_545 = arith.subf %add3A_544, %get3A_167 : vector<32x512xf32>
      %mul3A_546 = arith.mulf %sub3A_545, %sub3A_545 : vector<32x512xf32>
      %add3A_547 = arith.addf %add3A_538, %mul3A_546 : vector<32x512xf32>
      %select_n3A_548 = arith.select %gt3A_270, %min3A_430, %min3A_469 : vector<32x512xi1>, vector<32x512xf32>
      %select_n3A_549 = arith.select %gt3A_270, %min3A_424, %sub3A_471 : vector<32x512xi1>, vector<32x512xf32>
      %mul3A_550 = arith.constant 9.000000e+00 : f32
      %mul3A_551 = vector.broadcast %mul3A_550 : f32 to vector<32x512xf32>
      %mul3A_552 = arith.mulf %select_n3A_548, %mul3A_551 : vector<32x512xf32>
      %add3A_553 = arith.addf %mul3A_552, %select_n3A_549 : vector<32x512xf32>
      %sub3A_554 = arith.subf %add3A_553, %get3A_174 : vector<32x512xf32>
      %mul3A_555 = arith.mulf %sub3A_554, %sub3A_554 : vector<32x512xf32>
      %add3A_556 = arith.addf %add3A_547, %mul3A_555 : vector<32x512xf32>
      %mul3A_557 = arith.constant 1.000000e+01 : f32
      %mul3A_558 = vector.broadcast %mul3A_557 : f32 to vector<32x512xf32>
      %mul3A_559 = arith.mulf %min3A_469, %mul3A_558 : vector<32x512xf32>
      %add3A_560 = arith.addf %mul3A_559, %sub3A_471 : vector<32x512xf32>
      %sub3A_561 = arith.subf %add3A_560, %get3A_181 : vector<32x512xf32>
      %mul3A_562 = arith.mulf %sub3A_561, %sub3A_561 : vector<32x512xf32>
      %add3A_563 = arith.addf %add3A_556, %mul3A_562 : vector<32x512xf32>
      %mul3A_564 = arith.constant 1.100000e+01 : f32
      %mul3A_565 = vector.broadcast %mul3A_564 : f32 to vector<32x512xf32>
      %mul3A_566 = arith.mulf %min3A_469, %mul3A_565 : vector<32x512xf32>
      %add3A_567 = arith.addf %mul3A_566, %sub3A_471 : vector<32x512xf32>
      %sub3A_568 = arith.subf %add3A_567, %get3A_188 : vector<32x512xf32>
      %mul3A_569 = arith.mulf %sub3A_568, %sub3A_568 : vector<32x512xf32>
      %add3A_570 = arith.addf %add3A_563, %mul3A_569 : vector<32x512xf32>
      %add3A_571 = arith.addf %scan3A_18, %add3A_570 : vector<32x512xf32>
      scf.yield %add3A_571 : vector<32x512xf32>
    }
    %scan3A_5 = arith.constant 8 : i32
    %reduce_sum3A = vector.shape_cast %scan3A_4 : vector<32x512xf32> to vector<1x32x512xf32>
    %reduce_sum3A_6 = arith.constant dense<0.000000e+00> : vector<1xf32>
    %reduce_sum3A_7 = vector.multi_reduction <add>, %reduce_sum3A, %reduce_sum3A_6 [1, 2] : vector<1x32x512xf32> to vector<1xf32>
    %reduce_sum3A_8 = vector.shape_cast %reduce_sum3A_7 : vector<1xf32> to vector<1x1x1xf32>
    %reduce_sum3A_9 = vector.extract %reduce_sum3A_8[0, 0, 0] : f32 from vector<1x1x1xf32>
    %mul3A = arith.constant 7.9472862E-8 : f32
    %mul3A_10 = arith.mulf %reduce_sum3A_9, %mul3A : f32
    %eq3A = arith.constant 0 : i32
    %eq3A_11 = arith.cmpi eq, %arg0, %eq3A : i32
    %convert_element_type3A = arith.extui %eq3A_11 : i1 to i32
    %cond3A = arith.constant 0 : i32
    %cond3A_12 = arith.cmpi ne, %convert_element_type3A, %cond3A : i32
    scf.if %cond3A_12 {
      %swap3A_17 = arith.constant 0.000000e+00 : f32
      %swap3A_18 = arith.constant 0 : index
      %swap3A_19 = arith.constant 0 : index
      %swap3A_20 = memref.load %arg2[%swap3A_18, %swap3A_19] : memref<1x1xf32, #tpu.memory_space<smem>>
      memref.store %swap3A_17, %arg2[%swap3A_18, %swap3A_19] : memref<1x1xf32, #tpu.memory_space<smem>>
    } else {
    }
    %get3A = arith.constant 0 : index
    %get3A_13 = arith.constant 0 : index
    %get3A_14 = memref.load %arg2[%get3A, %get3A_13] : memref<1x1xf32, #tpu.memory_space<smem>>
    %add3A = arith.addf %get3A_14, %mul3A_10 : f32
    %swap3A = arith.constant 0 : index
    %swap3A_15 = arith.constant 0 : index
    %swap3A_16 = memref.load %arg2[%swap3A, %swap3A_15] : memref<1x1xf32, #tpu.memory_space<smem>>
    memref.store %add3A, %arg2[%swap3A, %swap3A_15] : memref<1x1xf32, #tpu.memory_space<smem>>
    return
  }
  func.func @transform_0(%arg0: i32) -> (i32, i32, i32, i32, i32) {
    %jit3A = arith.constant 2 : i32
    %div3A = arith.divsi %arg0, %jit3A : i32
    %sign3A = arith.constant 0 : i32
    %sign3A_0 = arith.cmpi sgt, %arg0, %sign3A : i32
    %sign3A_1 = arith.extui %sign3A_0 : i1 to i32
    %sign3A_2 = arith.constant 0 : i32
    %sign3A_3 = arith.cmpi slt, %arg0, %sign3A_2 : i32
    %sign3A_4 = arith.extui %sign3A_3 : i1 to i32
    %sign3A_5 = arith.subi %sign3A_1, %sign3A_4 : i32
    %sign3A_6 = arith.constant 0 : i32
    %sign3A_7 = arith.cmpi sgt, %jit3A, %sign3A_6 : i32
    %sign3A_8 = arith.extui %sign3A_7 : i1 to i32
    %sign3A_9 = arith.constant 0 : i32
    %sign3A_10 = arith.cmpi slt, %jit3A, %sign3A_9 : i32
    %sign3A_11 = arith.extui %sign3A_10 : i1 to i32
    %sign3A_12 = arith.subi %sign3A_8, %sign3A_11 : i32
    %ne3A = arith.cmpi ne, %sign3A_5, %sign3A_12 : i32
    %rem3A = arith.remsi %arg0, %jit3A : i32
    %ne3A_13 = arith.constant 0 : i32
    %ne3A_14 = arith.cmpi ne, %rem3A, %ne3A_13 : i32
    %and3A = arith.andi %ne3A, %ne3A_14 : i1
    %sub3A = arith.constant 1 : i32
    %sub3A_15 = arith.subi %div3A, %sub3A : i32
    %select_n3A = arith.select %and3A, %sub3A_15, %div3A : i32
    %add3A = arith.constant 1 : i32
    %add3A_16 = arith.addi %add3A, %select_n3A : i32
    %jit3A_17 = arith.constant 2 : i32
    %eq3A = arith.constant 0 : i32
    %eq3A_18 = arith.cmpi eq, %jit3A_17, %eq3A : i32
    %jit3A_19 = arith.constant 1 : i32
    %select_n3A_20 = arith.select %eq3A_18, %jit3A_19, %jit3A_17 : i32
    %rem3A_21 = arith.remsi %arg0, %select_n3A_20 : i32
    %ne3A_22 = arith.constant 0 : i32
    %ne3A_23 = arith.cmpi ne, %rem3A_21, %ne3A_22 : i32
    %lt3A = arith.constant 0 : i32
    %lt3A_24 = arith.cmpi slt, %rem3A_21, %lt3A : i32
    %lt3A_25 = arith.constant 0 : i32
    %lt3A_26 = arith.cmpi slt, %select_n3A_20, %lt3A_25 : i32
    %ne3A_27 = arith.xori %lt3A_24, %lt3A_26 : i1
    %and3A_28 = arith.andi %ne3A_27, %ne3A_23 : i1
    %add3A_29 = arith.addi %rem3A_21, %select_n3A_20 : i32
    %select_n3A_30 = arith.select %and3A_28, %add3A_29, %rem3A_21 : i32
    %c0_i32 = arith.constant 0 : i32
    %c0_i32_31 = arith.constant 0 : i32
    %c0_i32_32 = arith.constant 0 : i32
    %c0_i32_33 = arith.constant 0 : i32
    return %add3A_16, %c0_i32, %c0_i32_31, %select_n3A_30, %c0_i32_32 : i32, i32, i32, i32, i32
  }
  func.func @transform_1(%arg0: i32) -> (i32, i32) {
    %c0_i32 = arith.constant 0 : i32
    %c0_i32_0 = arith.constant 0 : i32
    %c0_i32_1 = arith.constant 0 : i32
    return %c0_i32, %c0_i32_0 : i32, i32
  }
}

</mosaic_0001>

<sc_bundles>
// kernel: kernel.4.cloned.1.call-start
scs
__scs_entry_jumppad:
0x0: {  	(pc) =	sbr.rel $0x88, $3  }
0x1: {  	(tag) =	ssettag $0x0;
	lr =	simm.s32 $0x1  }
0x2: {  	[smem:$0x3FA0] =	sst lr;
	_ =	strace $0xD0000000  }
0x3: {  	_ = 	snop  }
0x4: {  	_ = 	snop  }
0x5: {  	_ = 	snop  }
0x6: {  	_ = 	snop  }
0x7: {  	_ = 	snop  }
__scs_overlays_trampoline_lowered:
0x8: {  	[smem:$0x3FAF] =	sst s0  }
0x9: {  	[smem:$0x3FB0] =	sst s1  }
0xa: {  	[smem:$0x3FB1] =	sst s2  }
0xb: {  	[smem:$0x3FB2] =	sst s3  }
0xc: {  	[smem:$0x3FB3] =	sst s4  }
0xd: {  	[smem:$0x3FB4] =	sst s5  }
0xe: {  	[smem:$0x3FB5] =	sst s6  }
0xf: {  	[smem:$0x3FB6] =	sst s7  }
0x10: {  	[smem:$0x3FB7] =	sst s8  }
0x11: {  	[smem:$0x3FB8] =	sst s9;
	s0 =	simm.s32 @!p0 $0x0  }
0x12: {  	s1 =	sld [smem:$0x3F9E];
	s0 =	simm.s32 @p0 $0x1  }
0x13: {  	[smem:$0x3FB9] =	sst s0;
	s0 =	simm.s32 @!p1 $0x0  }
0x14: {  	s2 =	sld [smem:$0x3F9D];
	s0 =	simm.s32 @p1 $0x1  }
0x15: {  	[smem:$0x3FBA] =	sst s0;
	s0 =	simm.s32 @!p2 $0x0  }
0x16: {  	s3 =	sld [smem:$0x3FDB];
	s0 =	simm.s32 @p2 $0x1  }
0x17: {  	s4 =	simm.s32 $0x1BF5;
	[smem:$0x3FBC] =	sst s0  }
0x18: {  	s0 =	sld [smem:$0x3F9F];
	_ =	swait.ge [sflag:s4], $0x0  }
0x19: {  	s7 =	sld [smem:$0x3FA0]  }
0x1a: {  	s8 =	sadd.s32 $0xFFFFE003, lr  }
0x1b: {  	s9 =	sadd.s32 $0xFFFFFEF7, lr;
	s5 =	simm.s32 $0xFFFFFFFF;
	p2 =	slt.u32 s8, $0xFFFFF086  }
0x1c: {  	p1 =	slt.u32 s9, $0xF7A;
	s5 =	simm.s32 @!p2 $0x0  }
0x1d: {  	s5 =	simm.s32 @p1 $0x1;
	p0 =	seq.s32 s7, s2  }
0x1e: {  	s7 =	smul.u32 @!p0 $0xF7A, s2;
	p2 =	seq.s32 @!p0 s5, $0x0  }
0x1f: {  	s9 =	smul.u32 $0xF7A, s1;
	s8 =	simm.s32 @!p0 $0x1BF5;
	p2 =	por !p2, p0  }
0x20: {  	[sflag:s8] =	ssyncset.s32 @!p0 $0xFFFFF086;
	s6 =	sadd.s32 @!p0 s3, s7;
	s7 =	simm.s32 @!p0 $0x108  }
0x21: {  	s3 =	sadd.s32 s3, s9;
	s6 =	sadd.s32 @!p0 $0x88, s6;
	s7 =	simm.s32 @p2 $0x1082  }
0x22: {  	[simem:s7], [sflag:s8] =	dma.local @!p0 [hbm:s6], $0xF7A  }
0x23: {  	s9 =	sor.u32 $0xD0000000, s2;
	s6 =	simm.s32 $0x108;
	_ =	swait.ge @!p0 [sflag:s8], $0x0  }
0x24: {  	s3 =	sadd.s32 $0x88, s3;
	s6 =	simm.s32 @!p1 $0x1082;
	[sflag:s4] =	ssyncset.s32 $0xFFFFF086  }
0x25: {  	[simem:s6], [sflag:s4] =	dma.local [hbm:s3], $0xF7A  }
0x26: {  	[smem:$0x3FA0] =	sst s1;
	(tag) =	ssettag s2;
	_ =	strace s9  }
0x27: {  	s1 =	sld [smem:$0x3FB0]  }
0x28: {  	s2 =	sld [smem:$0x3FB1]  }
0x29: {  	s4 =	sld [smem:$0x3FB3]  }
0x2a: {  	p0 =	seq.s32 s5, $0x0;
	s5 =	sld [smem:$0x3FB4]  }
0x2b: {  	s6 =	sld [smem:$0x3FB5]  }
0x2c: {  	s7 =	sld [smem:$0x3FB6]  }
0x2d: {  	s3 =	simm.s32 $0x108;
	s8 =	sld [smem:$0x3FB7]  }
0x2e: {  	s3 =	simm.s32 @!p0 $0x1082;
	s9 =	sld [smem:$0x3FB8]  }
0x2f: {  	lr =	sadd.s32 s0, s3;
	s0 =	sld [smem:$0x3FAF]  }
0x30: {  	s3 =	sld [smem:$0x3FB2]  }
0x31: {  	[smem:$0x3FBB] =	sst s10  }
0x32: {  	s10 =	sld [smem:$0x3FB9];
	_ =	sdelay $0x3  }
0x33: {  	p0 =	seq.s32 s10, $0x1;
	s10 =	sld [smem:$0x3FBB];
	_ =	sdelay $0x3  }
0x34: {  	[smem:$0x3FBB] =	sst s10  }
0x35: {  	s10 =	sld [smem:$0x3FBA];
	_ =	sdelay $0x3  }
0x36: {  	p1 =	seq.s32 s10, $0x1;
	s10 =	sld [smem:$0x3FBB];
	_ =	sdelay $0x3  }
0x37: {  	[smem:$0x3FBB] =	sst s10  }
0x38: {  	s10 =	sld [smem:$0x3FBC]  }
0x39: {  	_ = 	snop;
	(pc) =	sbr.ind lr, $3  }
0x3a: {  	_ = 	snop  }
0x3b: {  	_ = 	snop  }
0x3c: {  	p2 =	seq.s32 s10, $0x1;
	s10 =	sld [smem:$0x3FBB]  }
0x3d: {  	_ =	shalt  }
0x3e: {  	_ =	shalt  }
0x3f: {  	_ =	shalt  }
0x40: {  	_ =	shalt  }
0x41: {  	_ =	shalt  }
0x42: {  	_ =	shalt  }
0x43: {  	_ =	shalt  }
0x44: {  	_ =	shalt  }
0x45: {  	_ =	shalt  }
0x46: {  	_ =	shalt  }
0x47: {  	_ =	shalt  }
0x48: {  	_ =	shalt  }
0x49: {  	_ =	shalt  }
0x4a: {  	_ =	shalt  }
0x4b: {  	_ =	shalt  }
0x4c: {  	_ =	shalt  }
0x4d: {  	_ =	shalt  }
0x4e: {  	_ =	shalt  }
0x4f: {  	_ =	shalt  }
0x50: {  	_ =	shalt  }
0x51: {  	_ =	shalt  }
0x52: {  	_ =	shalt  }
0x53: {  	_ =	shalt  }
0x54: {  	_ =	shalt  }
0x55: {  	_ =	shalt  }
0x56: {  	_ =	shalt  }
0x57: {  	_ =	shalt  }
0x58: {  	_ =	shalt  }
0x59: {  	_ =	shalt  }
0x5a: {  	_ =	shalt  }
0x5b: {  	_ =	shalt  }
0x5c: {  	_ =	shalt  }
0x5d: {  	_ =	shalt  }
0x5e: {  	_ =	shalt  }
0x5f: {  	_ =	shalt  }
0x60: {  	_ =	shalt  }
0x61: {  	_ =	shalt  }
0x62: {  	_ =	shalt  }
0x63: {  	_ =	shalt  }
0x64: {  	_ =	shalt  }
0x65: {  	_ =	shalt  }
0x66: {  	_ =	shalt  }
0x67: {  	_ =	shalt  }
0x68: {  	_ =	shalt  }
0x69: {  	_ =	shalt  }
0x6a: {  	_ =	shalt  }
0x6b: {  	_ =	shalt  }
0x6c: {  	_ =	shalt  }
0x6d: {  	_ =	shalt  }
0x6e: {  	_ =	shalt  }
0x6f: {  	_ =	shalt  }
0x70: {  	_ =	shalt  }
0x71: {  	_ =	shalt  }
0x72: {  	_ =	shalt  }
0x73: {  	_ =	shalt  }
0x74: {  	_ =	shalt  }
0x75: {  	_ =	shalt  }
0x76: {  	_ =	shalt  }
0x77: {  	_ =	shalt  }
0x78: {  	_ =	shalt  }
0x79: {  	_ =	shalt  }
0x7a: {  	_ =	shalt  }
0x7b: {  	_ =	shalt  }
0x7c: {  	_ =	shalt  }
0x7d: {  	_ =	shalt  }
0x7e: {  	_ =	shalt  }
0x7f: {  	_ =	shalt  }
0x80: {  	_ =	shalt  }
0x81: {  	_ =	shalt  }
0x82: {  	_ =	shalt  }
0x83: {  	_ =	shalt  }
0x84: {  	_ =	shalt  }
0x85: {  	_ =	shalt  }
0x86: {  	_ =	shalt  }
0x87: {  	_ =	shalt  }
.Lfunc_end0:
.L_simem_size_0:
called_computation_lowered:
.L_overlay_start_0:
0x88: {  	s2 =	sld [smem:$0x3FD9]  }
0x89: {  	s3 =	sld [smem:$0x3FFE];
	_ =	sdelay $0x1  }
0x8a: {  	s1 =	srdreg.scid  }
0x8b: {  	s0 =	sand.u32 $0x1, s1  }
0x8c: {  	s17 =	sshll.u32 s0, $0xA;
	s2 =	sadd.s32 s3, s2  }
0x8d: {  	s2 =	sadd.s32 s2, s17  }
0x8e: {  	[smem:$0x3FC7] =	sst s2  }
0x8f: {  	_ = 	snop  }
0x90: {  	s2 =	sld [smem:$0x3FC9];
	(tm) =	ssettm $0x1  }
0x91: {  	s18 =	sld [smem:$0x3FFB];
	_ =	sdelay $0x3  }
0x92: {  	_ =	strace s18  }
0x93: {  	s3 =	sld [smem:$0x3FFC];
	_ =	sdelay $0x3  }
0x94: {  	_ =	strace s3  }
0x95: {  	s3 =	sld [smem:$0x3FFD];
	_ =	sdelay $0x3  }
0x96: {  	_ =	strace s3  }
0x97: {  	_ =	strace $0x8FFFFFFF  }
0x98: {  	s19 =	sld [smem:$0x3FDB];
	_ =	sdelay $0x1  }
0x99: {  	s4 =	simm.s32 $_scs_section_size  }
0x9a: {  	s5 =	simm.s32 $_size__tile_overlayer_lowered;
	s6 =	simm.s32 $_tile_overlayer_lowered  }
0x9b: {  	s22 =	simm.s32 $0x1BFF;
	s21 =	sshll.u32 s6, $0x1;
	s3 =	sadd.s32 s4, s19  }
0x9c: {  	s7 =	simm.s32 $0x0;
	s20 =	sshll.u32 s5, $0x1;
	s5 =	sadd.s32 s21, s3  }
0x9d: {  	[timem:s7], [sflag:s22] =	dma.local [hbm:s5], s20  }
0x9e: {  	_ =	swait.ge [sflag:s22], s20  }
0x9f: {  	s4 =	ssub.s32 $0x0, s20;
	[sflag:s22] =	ssyncset.done $0x0  }
0xa0: {  	[sflag:s22] =	ssyncadd.s32 s4;
	_ =	sdelay $0x1  }
0xa1: {  	s23 =	simm.s32 $0x1B8B  }
0xa2: {  	_ =	swait.ge [sflag:s23], $0x1  }
0xa3: {  	[sflag:s23] =	ssyncset.done $0x0  }
0xa4: {  	s25 =	simm.s32 $0x1B8E;
	s24 =	sld [smem:$0x3FFE];
	[sflag:s23] =	ssyncadd.s32 $0xFFFFFFFF  }
0xa5: {  	s26 =	simm.s32 $execute0_lowered;
	[smem:$0x3FD2] =	sst s25  }
0xa6: {  	s5 =	sshll.u32 s26, $0x1;
	_ =	strace $0x80000046;
	[dreg:$0x1] =	wrdreg $0xFFFFFFFF  }
0xa7: {  	s28 =	simm.s32 $_size_execute0_lowered;
	s3 =	sadd.s32 s3, s5;
	[dreg:$0x0] =	wrdreg $0x0  }
0xa8: {  	s5 =	sshll.u32 s28, $0x1;
	[dreg:$0x2] =	wrdreg s3  }
0xa9: {  	[dreg:$0x3] =	wrdreg s5  }
0xaa: {  	[dreg:$0x4] =	wrdreg $0xC0  }
0xab: {  	_ =	task [dreg:s7], $0x5FFFF  }
0xac: {  	[dreg:$0x1] =	wrdreg $0xFFFFFFFF  }
0xad: {  	[dreg:$0x0] =	wrdreg $0x60  }
0xae: {  	[dreg:$0x2] =	wrdreg s2  }
0xaf: {  	[dreg:$0x3] =	wrdreg s24  }
0xb0: {  	[dreg:$0x4] =	wrdreg $0x9  }
0xb1: {  	_ =	task.clear_ibuf [dreg:s7], $0x5FFFF;
	_ =	strace $0x90000046  }
0xb2: {  	s29 =	simm.s32 $0x9;
	_ =	strace $0x8000004C  }
0xb3: {  	_ =	swait.ge [sflag:s29], $0x1  }
0xb4: {  	[sflag:s29] =	ssyncadd.s32 $0xFFFFFFFF  }
0xb5: {  	_ =	strace $0x9000004C  }
0xb6: {  	_ =	sfence  }
0xb7: {  	s30 =	sld [smem:$0x0];
	_ =	sdelay $0x2  }
0xb8: {  	s31 =	sshll.u32 s1, $0xD;
	s1 =	sshrl.u32 s1, $0x2  }
0xb9: {  	s3 =	sand.u32 $0x4000, s31;
	s1 =	sadd.s32 s1, s30  }
0xba: {  	s0 =	sor.u32 s3, s0;
	s1 =	sshll.u32 s1, $0x11  }
0xbb: {  	s0 =	sor.u32 s1, s0  }
0xbc: {  	s0 =	sadd.s32 $0x8F2B, s0  }
0xbd: {  	[sflag:s0] =	ssyncadd.remote.s32 $0x1  }
0xbe: {  	_ =	sfence.sel $0xFFFF  }
0xbf: {  	[dreg:$0x0] =	wrdreg $0xFFFFFFFF;
	(pc) =	sbr.abs _section_cstart, $3  }
0xc0: {  	[dreg:$0x1] =	wrdreg $0xFFFFFFFF  }
0xc1: {  	_ =	task.clear_ibuf [dreg:s7], $0x2FFFF;
	_ =	strace $0x9FFFFFFF  }
0xc2: {  	(tm) =	ssettm $0x7FFFFFFF  }
0xc3: {  	_ =	shalt  }
tec
execute0_lowered:
.L_overlay_start_1:
0x0: {  	(tag) =	ssettag $0x1  }
0x1: {  	s1 =	rddreg [dreg:$0x0]  }
0x2: {  	s4 =	rddreg [dreg:$0x1]  }
0x3: {  	s0 =	rddreg [dreg:$0x2]  }
0x4: {  	s2 =	simm.s32 $0x0;
	s3 =	srdreg.scid;
	s11 =	simm.s32 $0x1  }
0x5: {  	s12 =	simm.s32 $0x0;
	[smem:$0x7FF] =	sst s2;
	s5 =	sand.u32 $0x1, s3  }
0x6: {  	s3 =	stileid.u32;
	_ =	strace $0x80000047;
	s6 =	ssub.s32 $0x2, s5  }
0x7: {  	s8 =	sshll.u32 s5, $0x4;
	s31 =	sshll.u32 s3, $0x4;
	s10 =	sshll.u32 s5, $0x8  }
0x8: {  	s7 =	sshrl.u32 s6, $0x1;
	s30 =	sor.u32 s3, s8;
	s8 =	sadd.s32 s4, s31  }
0x9: {  	s7 =	ssub.s32 s6, s7;
	s9 =	sshll.u32 s30, $0xA;
	s5 =	sshll.u32 s30, $0xD  }
0xa: {  	s6 =	sadd.s32 s10, s8;
	s8 =	simm.s32 $0x400;
	s10 =	simm.s32 $0x80  }
0xb: {  	v0 =	vimm.f32 $0.0e+00;
	s4 =	sadd.s32 s1, s9;
	s7 =	smax.u32 s7, $0x1;
	s9 =	simm.s32 $0x40000  }
.LBB2_1:
0xc: {  	[tilespmem:$0x0] =	vst v0;
	s13 =	simm.s32 $0x0  }
0xd: {  	s15 =	simm.s32 $0x0;
	s14 =	simm.s32 $0x0;
	_ =	strace $0x80000048  }
0xe: {  	[tilespmem:s10], [sflag:$0x1] =	stream.strided.gather [hbm4b:s4+s8], $0x6000, s9, s8, $0x200038;
	[tilespmem:$0xC080] =	vst v63  }
0xf: {  	s16 =	simm.s32 $0x1;
	s17 =	simm.s32 $0x0;
	_ =	strace $0x90000048  }
.LBB2_2:
0x10: {  	s18 =	smov.u32 s13;
	s13 =	sadd.s32 $0x1, s13  }
0x11: {  	s19 =	simm.s32 $0x1;
	p0 =	seq.s32 s13, $0x4  }
0x12: {  	s19 =	simm.s32 @!p0 $0x0  }
0x13: {  	s20 =	smov.u32 s15;
	s15 =	sadd.s32 s19, s15  }
0x14: {  	p1 =	seq.s32 s15, $0x2  }
0x15: {  	s13 =	simm.s32 @p0 $0x0;
	s15 =	simm.s32 @p1 $0x0  }
0x16: {  	p5 =	sne.s32 s18, s13;
	p4 =	sne.s32 s20, s15  }
0x17: {  	p6 =	sne.s32 s17, $0x7;
	p0 =	por p5, p4  }
0x18: {  	p1 =	por !p6, !p0  }
0x19: {  	p1 =	por !p1, !p1  }
0x1a: {  	s18 =	sand.u32 @p1 $0x1, s16;
	s19 =	sshll.u32 @p1 s13, $0xA  }
0x1b: {  	s21 =	sshll.u32 @p1 s15, $0xC;
	s20 =	smul.u32 @p1 $0x18000, s18;
	s19 =	sadd.s32 @p1 s5, s19  }
0x1c: {  	_ =	strace @p1 $0x80000049;
	s22 =	simm.s32 @p1 $0x40000;
	s19 =	sadd.s32 @p1 s21, s19  }
0x1d: {  	s18 =	sadd.s32 @p1 $0x1, s18;
	s20 =	sshrl.u32 @p1 s20, $0x2;
	s19 =	sshrl.u32 @p1 s19, $0x3  }
0x1e: {  	s21 =	simm.s32 @p1 $0x400;
	s20 =	sor.u32 @p1 $0x80, s20;
	s19 =	sadd.s32 @p1 s1, s19  }
0x1f: {  	[tilespmem:s20], [sflag:s18] =	stream.strided.gather @p1 [hbm4b:s19+s21], $0x6000, s22, s21, $0x200038;
	[tilespmem:$0xC080] =	vst v63  }
0x20: {  	s30 =	sand.u32 $0x1, s14;
	_ =	strace @p1 $0x90000049  }
0x21: {  	s31 =	sadd.s32 $0x1, s30;
	_ =	strace $0x8000004A  }
0x22: {  	_ =	swait.ge [sflag:s31], $0x6000  }
0x23: {  	[sflag:s31] =	ssyncset.done $0x0  }
0x24: {  	[sflag:s31] =	ssyncadd.s32 $0xFFFFA000  }
0x25: {  	_ =	strace $0x9000004A  }
0x26: {  	p2 =	seq.s32 s30, $0x1;
	s18 =	simm.s32 $0x6080;
	_ =	strace $0x8000004B  }
0x27: {  	s19 =	simm.s32 $0x0;
	s18 =	simm.s32 @!p2 $0x80;
	v1 =	vld [tilespmem:$0x0]  }
.LBB2_3:
0x28: {  	v2 =	vld [tilespmem:s18+$0x400]  }
0x29: {  	v3 =	vld [tilespmem:s18+$0x800];
	_ =	sdelay $0x1  }
0x2a: {  	v4 =	vld [tilespmem:s18+$0xC00]  }
0x2b: {  	v5 =	vld [tilespmem:s18+$0x1000]  }
0x2c: {  	v7 =	vld [tilespmem:s18+$0x1400]  }
0x2d: {  	v10 =	vld [tilespmem:s18+$0x1800];
	v6 =	vsub.f32 v3, v2;
	_ =	sdelay $0x1  }
0x2e: {  	v8 =	vld [tilespmem:s18+$0x1C00];
	v9 =	vsub.f32 v4, v3;
	v11 =	vadd.f32 v3, v3;
	vm0 =	vlt.f32 v6, $-7.000000000e+00  }
0x2f: {  	v12 =	vsub.f32 v5, v4;
	v14 =	vmul.f32 $3.000000000e+00, v4;
	v6 =	vnsel vm0, $0xC0E00000, v6  }
0x30: {  	v40 =	vld [tilespmem:s18+$0x0];
	v16 =	vsub.f32 v7, v5;
	v17 =	vmul.f32 $4.000000000e+00, v5;
	vm1 =	vlt.f32 v9, v6  }
0x31: {  	v19 =	vmul.f32 $5.000000000e+00, v7;
	v20 =	vsub.f32 v10, v7;
	v6 =	vsel vm1, v9, v6  }
0x32: {  	v13 =	vld [tilespmem:s18+$0x2400];
	v18 =	vadd.f32 v11, v2;
	v15 =	vsel vm0, $0x40000000, v0;
	vm0 =	vlt.f32 v12, v6  }
0x33: {  	v21 =	vsub.f32 v8, v10;
	v9 =	vld [tilespmem:s18+$0x2000];
	v15 =	vsel vm1, $0x40400000, v15;
	v6 =	vsel vm0, v12, v6  }
0x34: {  	v39 =	vadd.f32 v14, v18;
	v15 =	vsel vm0, $0x40800000, v15;
	vm0 =	vlt.f32 v16, v6  }
0x35: {  	v22 =	vmul.f32 $6.000000000e+00, v10;
	v28 =	vadd.f32 v2, v40;
	v6 =	vsel vm0, v16, v6  }
0x36: {  	v24 =	vmul.f32 $7.000000000e+00, v8;
	v12 =	vld [tilespmem:s18+$0x2800];
	v16 =	vadd.f32 v17, v39;
	vm1 =	vlt.f32 v20, v6  }
0x37: {  	v27 =	vmul.f32 $9.000000000e+00, v13;
	v42 =	vadd.f32 v3, v28;
	v6 =	vsel vm1, v20, v6  }
0x38: {  	v41 =	vsub.f32 v9, v8;
	v16 =	vadd.f32 v19, v16;
	vm2 =	vlt.f32 v21, v6  }
0x39: {  	v15 =	vsel vm0, $0x40A00000, v15;
	v23 =	vsub.f32 v13, v9;
	v6 =	vsel vm2, v21, v6  }
0x3a: {  	v26 =	vmul.f32 $8.000000000e+00, v9;
	v16 =	vadd.f32 v22, v16;
	vm0 =	vlt.f32 v41, v6  }
0x3b: {  	v15 =	vsel vm1, $0x40C00000, v15;
	v25 =	vsub.f32 v12, v13;
	v6 =	vsel vm0, v41, v6  }
0x3c: {  	v15 =	vsel vm2, $0x40E00000, v15;
	v16 =	vadd.f32 v24, v16;
	vm1 =	vlt.f32 v23, v6  }
0x3d: {  	v43 =	vadd.f32 v4, v42;
	v15 =	vsel vm0, $0x41000000, v15;
	v6 =	vsel vm1, v23, v6  }
0x3e: {  	v16 =	vadd.f32 v26, v16;
	v15 =	vsel vm1, $0x41100000, v15;
	vm0 =	vlt.f32 v25, v6  }
0x3f: {  	v6 =	vsel vm0, $0x41200000, v15  }
0x40: {  	v15 =	vadd.f32 v5, v43;
	v16 =	vadd.f32 v27, v16;
	vm1 =	vgt.f32 v6, $0.0e+00  }
0x41: {  	vm5 =	vgt.f32 v6, $1.000000000e+00;
	vm4 =	vgt.f32 v6, $2.000000000e+00;
	vm0 =	vgt.f32 v6, $7.000000000e+00  }
0x42: {  	v44 =	vmax.f32 v6, $2.000000000e+00;
	vm7 =	vgt.f32 v6, $8.000000000e+00;
	vm3 =	vgt.f32 v6, $3.000000000e+00  }
0x43: {  	vm8 =	vgt.f32 v6, $9.000000000e+00;
	vm2 =	vgt.f32 v6, $6.000000000e+00;
	v15 =	vadd.f32 v7, v15  }
0x44: {  	vm6 =	vgt.f32 v6, $4.000000000e+00;
	vm9 =	vgt.f32 v6, $5.000000000e+00;
	v46 =	vsub.f32 $1.200000000e+01, v6  }
0x45: {  	v18 =	vnsel vm1, $0x0, v40;
	v2 =	vnsel vm5, $0x0, v2;
	v15 =	vadd.f32 v10, v15  }
0x46: {  	v3 =	vnsel vm4, $0x0, v3;
	v45 =	vmul.f32 v44, v44;
	v18 =	vadd.f32 v2, v18  }
0x47: {  	v11 =	vnsel vm4, $0x0, v11;
	v22 =	vnsel vm2, $0x0, v22;
	v15 =	vadd.f32 v8, v15  }
0x48: {  	v5 =	vnsel vm6, $0x0, v5;
	v4 =	vnsel vm3, $0x0, v4;
	v3 =	vadd.f32 v18, v3  }
0x49: {  	v47 =	vld [tilespmem:s18+$0x2C00];
	v7 =	vnsel vm9, $0x0, v7;
	v2 =	vadd.f32 v11, v2;
	v15 =	vadd.f32 v9, v15  }
0x4a: {  	v14 =	vnsel vm3, $0x0, v14;
	v21 =	vadd.f32 $-1.000000000e+00, v45;
	v3 =	vadd.f32 v3, v4  }
0x4b: {  	v11 =	vnsel vm6, $0x0, v17;
	v2 =	vadd.f32 v2, v14;
	v15 =	vadd.f32 v13, v15  }
0x4c: {  	v14 =	vmul.f32 v46, v46;
	v8 =	vnsel vm0, $0x0, v8;
	v3 =	vadd.f32 v3, v5  }
0x4d: {  	v4 =	vnsel vm2, $0x0, v10;
	v2 =	vadd.f32 v2, v11;
	v10 =	vadd.f32 v12, v15  }
0x4e: {  	v11 =	vadd.f32 $-1.000000000e+00, v14;
	v14 =	vmul.f32 $1.100000000e+01, v47;
	v3 =	vadd.f32 v3, v7  }
0x4f: {  	v9 =	vnsel vm7, $0x0, v9;
	v7 =	vadd.f32 v47, v10;
	v10 =	vnsel vm9, $0x0, v19  }
0x50: {  	v11 =	vmul.f32 v11, v46;
	v3 =	vadd.f32 v3, v4;
	v2 =	vadd.f32 v2, v10  }
0x51: {  	v5 =	vadd.f32 $-1.000000000e+00, v44;
	v15 =	vmul.f32 v21, v44;
	v12 =	vmul.f32 $1.000000000e+01, v12  }
0x52: {  	s20 =	sadd.s32 $0x10, s18;
	v11 =	vmul.f32 $8.333333580e-02, v11;
	v3 =	vadd.f32 v3, v8;
	v2 =	vadd.f32 v2, v22  }
0x53: {  	v29 =	vld [tilespmem:s20+$0x1800];
	v4 =	vnsel vm0, $0x0, v24;
	v10 =	vmul.f32 $8.333333580e-02, v15;
	v8 =	vadd.f32 v12, v16  }
0x54: {  	v5 =	vmul.f32 $5.000000000e-01, v5;
	v3 =	vadd.f32 v3, v9;
	v2 =	vadd.f32 v2, v4  }
0x55: {  	v57 =	vld [tilespmem:s20+$0x1C00];
	v12 =	vnsel vm8, $0x0, v13;
	(erf) = vrcp.f32 v10;
	v4 =	vnsel vm7, $0x0, v26  }
0x56: {  	v32 =	vld [tilespmem:s20+$0x2000];
	(erf) = vrcp.f32 v44;
	v3 =	vadd.f32 v3, v12;
	v2 =	vadd.f32 v2, v4  }
0x57: {  	v20 =	vld [tilespmem:s20+$0x1000];
	v9 =	vadd.f32 $-1.000000000e+00, v46;
	(erf) = vrcp.f32 v11;
	v4 =	vnsel vm8, $0x0, v27  }
0x58: {  	v35 =	vmul.f32 $6.000000000e+00, v29;
	v2 =	vadd.f32 v2, v4;
	v4 =	vsub.f32 v7, v3  }
0x59: {  	v24 =	vld [tilespmem:s20+$0x1400];
	v8 =	vadd.f32 v14, v8;
	(erf) = vrcp.f32 v46;
	v10 =	vmul.f32 v3, v5  }
0x5a: {  	v63 =	vsub.f32 v57, v29;
	v19 =	vld [tilespmem:s20+$0xC00];
	v7 =	vmul.f32 $5.000000000e-01, v9;
	v9 =	vmul.f32 v4, v6  }
0x5b: {  	v37 =	vmul.f32 $7.000000000e+00, v57;
	v42 =	vsub.f32 v32, v57;
	v13 =	vld [tilespmem:s20+$0x400];
	v8 =	vsub.f32 v8, v2  }
0x5c: {  	v60 =	vmul.f32 $4.000000000e+00, v20;
	vm12 =	vmmov vm7;
	v15 =	vld [tilespmem:s20+$0x800];
	v2 =	vsub.f32 v2, v10  }
0x5d: {  	vm11 =	vmmov vm8;
	v11 =	vmul.f32 v4, v7;
	v8 =	vsub.f32 v8, v9  }
0x5e: {  	vm10 =	vmmov vm9;
	v40 =	vmul.f32 $8.000000000e+00, v32;
	v30 =	vsub.f32 v24, v20;
	v9 =	vpop (erf)  }
0x5f: {  	v33 =	vmul.f32 $5.000000000e+00, v24;
	v34 =	vsub.f32 v29, v24;
	v8 =	vsub.f32 v8, v11;
	v10 =	vpop (erf)  }
0x60: {  	v56 =	vsub.f32 v20, v19;
	v58 =	vmul.f32 $3.000000000e+00, v19;
	v9 =	vmul.f32 v2, v9;
	v2 =	vpop (erf)  }
0x61: {  	v53 =	vsub.f32 v15, v13;
	v54 =	vadd.f32 v15, v15;
	v8 =	vmul.f32 v8, v2  }
0x62: {  	v55 =	vsub.f32 v19, v15;
	v3 =	vmul.f32 v3, v10;
	v10 =	vpop (erf);
	v5 =	vmul.f32 v9, v5  }
0x63: {  	v9 =	vmax.f32 v9, $0.0e+00;
	v4 =	vmul.f32 v4, v10;
	v7 =	vmul.f32 v8, v7  }
0x64: {  	v31 =	vadd.f32 v54, v13;
	v10 =	vmin.f32 v9, $2.000000000e+00;
	v8 =	vmax.f32 v8, $0.0e+00  }
0x65: {  	v5 =	vsub.f32 v3, v5;
	v3 =	vmin.f32 v8, $2.000000000e+00;
	v4 =	vsub.f32 v4, v7  }
0x66: {  	v7 =	vmul.f32 v3, v6;
	v8 =	vsel vm6, v10, v3;
	v11 =	vsel vm5, v10, v3  }
0x67: {  	v12 =	vsel vm4, v10, v3;
	v14 =	vsel vm9, v10, v3;
	v5 =	vmax.f32 v5, $0.0e+00  }
0x68: {  	v49 =	vsel vm0, v10, v3;
	v50 =	vsel vm2, v10, v3;
	v9 =	vsel vm12, v10, v3  }
0x69: {  	v52 =	vsel vm11, v10, v3;
	v10 =	vsel vm3, v10, v3;
	v4 =	vmax.f32 v4, $0.0e+00  }
0x6a: {  	v6 =	vmin.f32 v5, $1.000000000e+02;
	v8 =	vmul.f32 $4.000000000e+00, v8;
	v4 =	vmin.f32 v4, $1.000000000e+02  }
0x6b: {  	v5 =	vmul.f32 $5.000000000e+00, v14;
	v10 =	vmul.f32 $3.000000000e+00, v10;
	v4 =	vsub.f32 v4, v7  }
0x6c: {  	v45 =	vld [tilespmem:s20+$0x0];
	v2 =	vimm.f32 $0.0e+00;
	v17 =	vmul.f32 $7.000000000e+00, v49;
	v18 =	vmul.f32 $6.000000000e+00, v50  }
0x6d: {  	v9 =	vmul.f32 $8.000000000e+00, v9;
	v7 =	vadd.f32 v12, v12;
	v12 =	vsel vm5, v6, v4  }
0x6e: {  	v48 =	vld [tilespmem:s18+$0x3400];
	v51 =	vsel vm6, v6, v4;
	vm5 =	vlt.f32 v53, $-7.000000000e+00;
	v38 =	vsel vm3, v6, v4  }
0x6f: {  	v14 =	vld [tilespmem:s18+$0x4000];
	v43 =	vsel vm2, v6, v4;
	v50 =	vsel vm0, v6, v4;
	v11 =	vadd.f32 v12, v11  }
0x70: {  	v21 =	vadd.f32 v51, v8;
	v23 =	vnsel vm5, $0xC0E00000, v53;
	v12 =	vmul.f32 $9.000000000e+00, v52  }
0x71: {  	v59 =	vsel vm5, $0x40000000, v0;
	v38 =	vadd.f32 v38, v10;
	v10 =	vadd.f32 v13, v45  }
0x72: {  	v18 =	vadd.f32 v43, v18;
	v17 =	vadd.f32 v50, v17;
	v43 =	vsel vm12, v6, v4  }
0x73: {  	v8 =	vsub.f32 v11, v48;
	v11 =	vsel vm4, v6, v4;
	vm4 =	vlt.f32 v55, v23  }
0x74: {  	v62 =	vld [tilespmem:s20+$0x2800];
	v9 =	vadd.f32 v43, v9;
	v14 =	vsub.f32 v21, v14;
	v16 =	vsel vm4, v55, v23  }
0x75: {  	v53 =	vld [tilespmem:s20+$0x2C00];
	v10 =	vadd.f32 v15, v10;
	v11 =	vadd.f32 v11, v7;
	vm5 =	vlt.f32 v56, v16  }
0x76: {  	v7 =	vmul.f32 v14, v14;
	v14 =	vadd.f32 v58, v31;
	v16 =	vsel vm5, v56, v16  }
0x77: {  	v21 =	vld [tilespmem:s20+$0x2400];
	v28 =	vsel vm4, $0x40400000, v59;
	v47 =	vadd.f32 v19, v10;
	vm4 =	vlt.f32 v30, v16  }
0x78: {  	v8 =	vmul.f32 v8, v8;
	v14 =	vadd.f32 v60, v14;
	v16 =	vsel vm4, v30, v16  }
0x79: {  	v61 =	vsel vm5, $0x40800000, v28;
	v28 =	vmul.f32 $1.000000000e+01, v62;
	vm5 =	vlt.f32 v34, v16  }
0x7a: {  	v59 =	vmul.f32 $1.100000000e+01, v53;
	v14 =	vadd.f32 v33, v14;
	v16 =	vsel vm5, v34, v16  }
0x7b: {  	v49 =	vadd.f32 v20, v47;
	v34 =	vsel vm1, v6, v4;
	vm1 =	vlt.f32 v63, v16  }
0x7c: {  	v36 =	vsub.f32 v21, v32;
	v14 =	vadd.f32 v35, v14;
	v16 =	vsel vm1, v63, v16  }
0x7d: {  	v46 =	vld [tilespmem:s18+$0x4800];
	v39 =	vsub.f32 v62, v21;
	v26 =	vsel vm4, $0x40A00000, v61;
	vm3 =	vlt.f32 v42, v16  }
0x7e: {  	v26 =	vsel vm5, $0x40C00000, v26;
	v14 =	vadd.f32 v37, v14;
	v16 =	vsel vm3, v42, v16  }
0x7f: {  	v41 =	vmul.f32 $9.000000000e+00, v21;
	v26 =	vsel vm1, $0x40E00000, v26;
	vm1 =	vlt.f32 v36, v16  }
0x80: {  	v26 =	vsel vm3, $0x41000000, v26;
	v14 =	vadd.f32 v40, v14;
	v16 =	vsel vm1, v36, v16  }
0x81: {  	v10 =	vsel vm1, $0x41100000, v26;
	v26 =	vadd.f32 v24, v49;
	vm1 =	vlt.f32 v39, v16  }
0x82: {  	v48 =	vadd.f32 v41, v14;
	v14 =	vsub.f32 v18, v46;
	v46 =	vsel vm11, v6, v4  }
0x83: {  	v6 =	vsel vm10, v6, v4;
	v10 =	vsel vm1, $0x41200000, v10;
	v26 =	vadd.f32 v29, v26  }
0x84: {  	v12 =	vadd.f32 v46, v12;
	v5 =	vadd.f32 v6, v5;
	vm2 =	vgt.f32 v10, $0.0e+00  }
0x85: {  	vm5 =	vgt.f32 v10, $1.000000000e+00;
	vm4 =	vgt.f32 v10, $2.000000000e+00;
	vm0 =	vgt.f32 v10, $7.000000000e+00  }
0x86: {  	v31 =	vmax.f32 v10, $2.000000000e+00;
	vm7 =	vgt.f32 v10, $8.000000000e+00;
	vm3 =	vgt.f32 v10, $3.000000000e+00  }
0x87: {  	vm8 =	vgt.f32 v10, $9.000000000e+00;
	vm1 =	vgt.f32 v10, $6.000000000e+00;
	vm6 =	vgt.f32 v10, $4.000000000e+00  }
0x88: {  	v47 =	vld [tilespmem:s18+$0x5400];
	vm9 =	vgt.f32 v10, $5.000000000e+00;
	v42 =	vsub.f32 $1.200000000e+01, v10;
	v16 =	vadd.f32 v28, v48  }
0x89: {  	v14 =	vmul.f32 v14, v14;
	v51 =	vnsel vm2, $0x0, v45;
	v13 =	vnsel vm5, $0x0, v13  }
0x8a: {  	v15 =	vnsel vm4, $0x0, v15;
	v26 =	vadd.f32 v57, v26;
	v52 =	vmul.f32 v31, v31  }
0x8b: {  	v25 =	vnsel vm4, $0x0, v54;
	v35 =	vnsel vm1, $0x0, v35;
	v20 =	vnsel vm6, $0x0, v20  }
0x8c: {  	v49 =	vld [tilespmem:s18+$0x3000];
	v19 =	vnsel vm3, $0x0, v19;
	v24 =	vnsel vm9, $0x0, v24;
	v27 =	vnsel vm3, $0x0, v58  }
0x8d: {  	v29 =	vnsel vm1, $0x0, v29;
	v55 =	vadd.f32 $-1.000000000e+00, v31;
	v12 =	vsub.f32 v12, v47  }
0x8e: {  	v63 =	vld [tilespmem:s18+$0x3C00];
	v22 =	vnsel vm0, $0x0, v57;
	v30 =	vadd.f32 v13, v51;
	v13 =	vadd.f32 v25, v13  }
0x8f: {  	v57 =	vnsel vm6, $0x0, v60;
	v16 =	vadd.f32 v59, v16;
	v50 =	vadd.f32 $-1.000000000e+00, v42  }
0x90: {  	v58 =	vnsel vm0, $0x0, v37;
	v60 =	vld [tilespmem:s18+$0x4C00];
	v26 =	vadd.f32 v32, v26;
	v15 =	vadd.f32 v30, v15  }
0x91: {  	v36 =	vadd.f32 $-1.000000000e+00, v52;
	v48 =	vmul.f32 $5.000000000e-01, v55;
	v55 =	vsub.f32 v34, v49  }
0x92: {  	v61 =	vnsel vm9, $0x0, v33;
	v13 =	vadd.f32 v13, v27;
	v15 =	vadd.f32 v15, v19  }
0x93: {  	v26 =	vadd.f32 v21, v26;
	v56 =	vmul.f32 v36, v31;
	v36 =	vsub.f32 v38, v63  }
0x94: {  	v45 =	vld [tilespmem:s18+$0x5000];
	v52 =	vmul.f32 $5.000000000e-01, v50;
	v13 =	vadd.f32 v13, v57;
	v15 =	vadd.f32 v15, v20  }
0x95: {  	v17 =	vsub.f32 v17, v60;
	v54 =	vadd.f32 v62, v26;
	v62 =	vnsel vm7, $0x0, v40  }
0x96: {  	v40 =	vnsel vm8, $0x0, v41;
	v41 =	vmul.f32 v42, v42;
	v15 =	vadd.f32 v15, v24  }
0x97: {  	v30 =	vmul.f32 $8.333333580e-02, v56;
	v13 =	vadd.f32 v13, v61;
	v25 =	vadd.f32 v53, v54  }
0x98: {  	v21 =	vnsel vm8, $0x0, v21;
	v44 =	vadd.f32 $-1.000000000e+00, v41;
	v53 =	vld [tilespmem:s18+$0x3800];
	v15 =	vadd.f32 v15, v29  }
0x99: {  	v9 =	vsub.f32 v9, v45;
	v54 =	vmul.f32 $1.100000000e+01, v3;
	(erf) = vrcp.f32 v30  }
0x9a: {  	v56 =	vld [tilespmem:s18+$0x4400];
	v13 =	vadd.f32 v13, v35;
	v20 =	vmul.f32 v44, v42;
	v15 =	vadd.f32 v15, v22  }
0x9b: {  	v26 =	vnsel vm7, $0x0, v32;
	v3 =	vmul.f32 $1.000000000e+01, v3;
	(erf) = vrcp.f32 v31  }
0x9c: {  	v13 =	vadd.f32 v13, v58;
	v51 =	vmul.f32 $8.333333580e-02, v20;
	v6 =	vadd.f32 v15, v26  }
0x9d: {  	v3 =	vadd.f32 v4, v3;
	v11 =	vsub.f32 v11, v53;
	v15 =	vmul.f32 v55, v55  }
0x9e: {  	v13 =	vadd.f32 v13, v62;
	(erf) = vrcp.f32 v51;
	v21 =	vadd.f32 v6, v21  }
0x9f: {  	v5 =	vsub.f32 v5, v56;
	v11 =	vmul.f32 v11, v11;
	v6 =	vadd.f32 v8, v15  }
0xa0: {  	v13 =	vadd.f32 v13, v40;
	(erf) = vrcp.f32 v42;
	v15 =	vld [tilespmem:s18+$0x5800];
	v58 =	vsub.f32 v25, v21  }
0xa1: {  	v57 =	vmul.f32 v21, v48;
	v6 =	vadd.f32 v6, v11;
	v11 =	vmul.f32 v36, v36  }
0xa2: {  	v4 =	vadd.f32 v4, v54;
	v8 =	vsub.f32 v16, v13;
	v59 =	vmul.f32 v58, v10  }
0xa3: {  	v62 =	vld [tilespmem:s18+$0x5C00];
	v5 =	vmul.f32 v5, v5;
	v13 =	vsub.f32 v13, v57;
	v11 =	vadd.f32 v6, v11  }
0xa4: {  	v61 =	vpop (erf);
	v60 =	vmul.f32 v58, v52;
	v6 =	vmul.f32 v12, v12;
	v8 =	vsub.f32 v8, v59  }
0xa5: {  	v12 =	vpop (erf);
	v3 =	vsub.f32 v3, v15;
	v15 =	vmul.f32 v13, v61;
	v11 =	vadd.f32 v11, v7  }
0xa6: {  	v12 =	vmul.f32 v21, v12;
	v13 =	vmul.f32 v9, v9;
	v8 =	vsub.f32 v8, v60  }
0xa7: {  	v9 =	vpop (erf);
	v7 =	vmul.f32 v3, v3;
	v3 =	vmul.f32 v15, v48;
	v11 =	vadd.f32 v11, v5  }
0xa8: {  	v63 =	vmul.f32 v17, v17;
	v4 =	vsub.f32 v4, v62;
	v8 =	vmul.f32 v8, v9  }
0xa9: {  	v9 =	vpop (erf);
	v5 =	vsub.f32 v12, v3;
	v11 =	vadd.f32 v11, v14;
	v3 =	vmax.f32 v15, $0.0e+00  }
0xaa: {  	v12 =	vmul.f32 v58, v9;
	v15 =	vmul.f32 v8, v52;
	v8 =	vmax.f32 v8, $0.0e+00  }
0xab: {  	v9 =	vmin.f32 v3, $2.000000000e+00;
	v14 =	vadd.f32 v11, v63;
	v3 =	vmin.f32 v8, $2.000000000e+00  }
0xac: {  	s21 =	simm.s32 $0x10;
	s22 =	sadd.s32 $0x10, s20;
	v8 =	vsub.f32 v12, v15;
	v10 =	vmul.f32 v3, v10;
	v11 =	vsel vm6, v9, v3  }
.LBB2_4:
0xad: {  	v12 =	vsel vm5, v9, v3;
	v19 =	vsel vm4, v9, v3;
	v20 =	vsel vm9, v9, v3  }
0xae: {  	v15 =	vld [tilespmem:s22+$0x400];
	s21 =	sadd.s32 $0x10, s21;
	vm12 =	vmmov vm7;
	vm11 =	vmmov vm8;
	vm10 =	vmmov vm9  }
0xaf: {  	v5 =	vmax.f32 v5, $0.0e+00;
	v27 =	vmul.f32 v4, v4;
	v18 =	vld [tilespmem:s22+$0x800];
	p2 =	slt.u32 s21, $0x70;
	v16 =	vmax.f32 v8, $0.0e+00  }
0xb0: {  	v23 =	vsel vm0, v9, v3;
	v8 =	vmin.f32 v5, $1.000000000e+02;
	v21 =	vld [tilespmem:s20+$0x3400];
	v4 =	vmin.f32 v16, $1.000000000e+02  }
0xb1: {  	v28 =	vsel vm1, v9, v3;
	v17 =	vld [tilespmem:s22+$0x1000];
	v4 =	vsub.f32 v4, v10;
	v10 =	vsel vm12, v9, v3  }
0xb2: {  	v11 =	vmul.f32 $4.000000000e+00, v11;
	v29 =	vadd.f32 v19, v19;
	v5 =	vmul.f32 $5.000000000e+00, v20;
	v16 =	vld [tilespmem:s22+$0xC00]  }
0xb3: {  	v26 =	vsel vm11, v9, v3;
	v20 =	vld [tilespmem:s20+$0x4000];
	v22 =	vsel vm5, v8, v4;
	v24 =	vsel vm6, v8, v4  }
0xb4: {  	v9 =	vsel vm3, v9, v3;
	v19 =	vld [tilespmem:s22+$0x1400];
	v30 =	vsub.f32 v18, v15;
	v12 =	vadd.f32 v22, v12  }
0xb5: {  	v31 =	vmul.f32 $3.000000000e+00, v9;
	v25 =	vadd.f32 v18, v18;
	v22 =	vadd.f32 v24, v11  }
0xb6: {  	vm5 =	vlt.f32 v30, $-7.000000000e+00;
	v9 =	vsub.f32 v12, v21;
	v12 =	vsel vm4, v8, v4  }
0xb7: {  	v11 =	vmul.f32 $9.000000000e+00, v26;
	v30 =	vnsel vm5, $0xC0E00000, v30;
	v32 =	vsub.f32 v17, v16  }
0xb8: {  	v13 =	vadd.f32 v14, v13;
	v33 =	vsub.f32 v16, v18;
	v26 =	vmul.f32 $3.000000000e+00, v16;
	v24 =	vld [tilespmem:s22+$0x1C00]  }
0xb9: {  	v14 =	vsel vm5, $0x40000000, v0;
	v35 =	vsub.f32 v22, v20;
	v34 =	vsub.f32 v19, v17  }
0xba: {  	v21 =	vmul.f32 $4.000000000e+00, v17;
	v37 =	vadd.f32 v25, v15;
	vm4 =	vlt.f32 v33, v30;
	v36 =	vld [tilespmem:s22+$0x1800]  }
0xbb: {  	v13 =	vadd.f32 v13, v6;
	v30 =	vsel vm4, v33, v30;
	v14 =	vsel vm4, $0x40400000, v14;
	v20 =	vld [tilespmem:s22+$0x2400]  }
0xbc: {  	v6 =	vadd.f32 v12, v29;
	v22 =	vmul.f32 $5.000000000e+00, v19;
	vm4 =	vlt.f32 v32, v30;
	v33 =	vld [tilespmem:s22+$0x2000]  }
0xbd: {  	v13 =	vadd.f32 v13, v7;
	v12 =	vsel vm4, v32, v30;
	v14 =	vsel vm4, $0x40800000, v14  }
0xbe: {  	v23 =	vmul.f32 $7.000000000e+00, v23;
	v7 =	vmul.f32 v35, v35;
	vm4 =	vlt.f32 v34, v12;
	v29 =	vld [tilespmem:s22+$0x2800]  }
0xbf: {  	v32 =	vadd.f32 v26, v37;
	v12 =	vsel vm4, v34, v12;
	v30 =	vsub.f32 v24, v36  }
0xc0: {  	v13 =	vadd.f32 v13, v27;
	v35 =	vsub.f32 v36, v19;
	v37 =	vmul.f32 $6.000000000e+00, v36;
	v34 =	vld [tilespmem:s22+$0x0]  }
0xc1: {  	v39 =	vmul.f32 $7.000000000e+00, v24;
	v27 =	vadd.f32 v21, v32;
	v38 =	vsub.f32 v20, v33  }
0xc2: {  	v2 =	vadd.f32 v13, v2;
	v32 =	vsel vm3, v8, v4;
	vm5 =	vlt.f32 v35, v12  }
0xc3: {  	v42 =	vadd.f32 v22, v27;
	v41 =	vmul.f32 $8.000000000e+00, v33;
	v40 =	vsub.f32 v29, v20  }
0xc4: {  	v13 =	vsel vm2, v8, v4;
	v27 =	vadd.f32 v32, v31;
	v12 =	vsel vm5, v35, v12  }
0xc5: {  	v31 =	vmul.f32 $9.000000000e+00, v20;
	v35 =	vadd.f32 v37, v42;
	v32 =	vadd.f32 v15, v34  }
0xc6: {  	v28 =	vmul.f32 $6.000000000e+00, v28;
	v42 =	vsub.f32 v33, v24;
	vm2 =	vlt.f32 v30, v12  }
0xc7: {  	v12 =	vsel vm2, v30, v12;
	v30 =	vadd.f32 v18, v32;
	v32 =	vadd.f32 v39, v35  }
0xc8: {  	v43 =	vsel vm1, v8, v4;
	v14 =	vsel vm4, $0x40A00000, v14;
	vm3 =	vlt.f32 v42, v12;
	v35 =	vld [tilespmem:s20+$0x4800]  }
0xc9: {  	v14 =	vsel vm5, $0x40C00000, v14;
	v12 =	vsel vm3, v42, v12;
	v32 =	vadd.f32 v41, v32  }
0xca: {  	v28 =	vadd.f32 v43, v28;
	v14 =	vsel vm2, $0x40E00000, v14;
	vm1 =	vlt.f32 v38, v12  }
0xcb: {  	v14 =	vsel vm3, $0x41000000, v14;
	v12 =	vsel vm1, v38, v12;
	v30 =	vadd.f32 v16, v30  }
0xcc: {  	v14 =	vsel vm1, $0x41100000, v14;
	vm1 =	vlt.f32 v40, v12;
	v32 =	vadd.f32 v31, v32  }
0xcd: {  	v12 =	vsel vm1, $0x41200000, v14;
	v30 =	vadd.f32 v17, v30;
	v14 =	vsub.f32 v28, v35  }
0xce: {  	vm2 =	vgt.f32 v12, $0.0e+00;
	vm5 =	vgt.f32 v12, $1.000000000e+00;
	v28 =	vsel vm0, v8, v4  }
0xcf: {  	vm4 =	vgt.f32 v12, $2.000000000e+00;
	v34 =	vnsel vm2, $0x0, v34;
	v30 =	vadd.f32 v19, v30  }
0xd0: {  	v15 =	vnsel vm5, $0x0, v15;
	vm0 =	vgt.f32 v12, $7.000000000e+00;
	v35 =	vmax.f32 v12, $2.000000000e+00  }
0xd1: {  	vm7 =	vgt.f32 v12, $8.000000000e+00;
	v18 =	vnsel vm4, $0x0, v18;
	v30 =	vadd.f32 v36, v30  }
0xd2: {  	vm3 =	vgt.f32 v12, $3.000000000e+00;
	vm8 =	vgt.f32 v12, $9.000000000e+00;
	v34 =	vadd.f32 v15, v34  }
0xd3: {  	vm1 =	vgt.f32 v12, $6.000000000e+00;
	v38 =	vmul.f32 v35, v35;
	v30 =	vadd.f32 v24, v30  }
0xd4: {  	vm6 =	vgt.f32 v12, $4.000000000e+00;
	v25 =	vnsel vm4, $0x0, v25;
	v37 =	vnsel vm1, $0x0, v37  }
0xd5: {  	v17 =	vnsel vm6, $0x0, v17;
	v38 =	vadd.f32 $-1.000000000e+00, v38;
	v30 =	vadd.f32 v33, v30  }
0xd6: {  	vm9 =	vgt.f32 v12, $5.000000000e+00;
	v42 =	vsub.f32 $1.200000000e+01, v12;
	v16 =	vnsel vm3, $0x0, v16;
	v40 =	vld [tilespmem:s22+$0x2C00]  }
0xd7: {  	v26 =	vnsel vm3, $0x0, v26;
	v19 =	vnsel vm9, $0x0, v19;
	v30 =	vadd.f32 v20, v30  }
0xd8: {  	v15 =	vadd.f32 v25, v15;
	v36 =	vnsel vm1, $0x0, v36;
	v24 =	vnsel vm0, $0x0, v24  }
0xd9: {  	v18 =	vadd.f32 v34, v18;
	v25 =	vadd.f32 v29, v30;
	v30 =	vnsel vm7, $0x0, v33  }
0xda: {  	v15 =	vadd.f32 v15, v26;
	v26 =	vadd.f32 $-1.000000000e+00, v35;
	v33 =	vmul.f32 v38, v35  }
0xdb: {  	v16 =	vadd.f32 v18, v16;
	v29 =	vmul.f32 $1.000000000e+01, v29;
	v25 =	vadd.f32 v40, v25  }
0xdc: {  	v18 =	vnsel vm6, $0x0, v21;
	v21 =	vnsel vm0, $0x0, v39;
	v33 =	vmul.f32 $8.333333580e-02, v33  }
0xdd: {  	v15 =	vadd.f32 v15, v18;
	v29 =	vadd.f32 v29, v32;
	v34 =	vmul.f32 $1.100000000e+01, v40;
	v18 =	vld [tilespmem:s20+$0x4C00]  }
0xde: {  	v22 =	vnsel vm9, $0x0, v22;
	v20 =	vnsel vm8, $0x0, v20;
	v32 =	vnsel vm7, $0x0, v41;
	v38 =	vld [tilespmem:s20+$0x3C00]  }
0xdf: {  	v31 =	vnsel vm8, $0x0, v31;
	v29 =	vadd.f32 v34, v29;
	v34 =	vmul.f32 v42, v42  }
0xe0: {  	v16 =	vadd.f32 v16, v17;
	v17 =	vadd.f32 v28, v23;
	v23 =	vsel vm12, v8, v4  }
0xe1: {  	v15 =	vadd.f32 v15, v22;
	v22 =	vadd.f32 $-1.000000000e+00, v34;
	v34 =	vsel vm11, v8, v4;
	v28 =	vld [tilespmem:s20+$0x5000]  }
0xe2: {  	v10 =	vmul.f32 $8.000000000e+00, v10;
	v16 =	vadd.f32 v16, v19;
	v19 =	vld [tilespmem:s20+$0x5400];
	v17 =	vsub.f32 v17, v18  }
0xe3: {  	v22 =	vmul.f32 v22, v42;
	v18 =	vmul.f32 $5.000000000e-01, v26;
	v26 =	vld [tilespmem:s20+$0x3000];
	v27 =	vsub.f32 v27, v38  }
0xe4: {  	v10 =	vadd.f32 v23, v10;
	v8 =	vsel vm10, v8, v4;
	v38 =	vadd.f32 $-1.000000000e+00, v42  }
0xe5: {  	v15 =	vadd.f32 v15, v37;
	v11 =	vadd.f32 v34, v11;
	v22 =	vmul.f32 $8.333333580e-02, v22  }
0xe6: {  	v16 =	vadd.f32 v16, v36;
	v23 =	vmul.f32 $5.000000000e-01, v38;
	v34 =	vld [tilespmem:s20+$0x3800];
	v10 =	vsub.f32 v10, v28  }
0xe7: {  	v15 =	vadd.f32 v15, v21;
	v11 =	vsub.f32 v11, v19;
	v19 =	vmul.f32 $1.100000000e+01, v3  }
0xe8: {  	v16 =	vadd.f32 v16, v24;
	(erf) = vrcp.f32 v33;
	v13 =	vsub.f32 v13, v26  }
0xe9: {  	v15 =	vadd.f32 v15, v32;
	v5 =	vadd.f32 v8, v5;
	(erf) = vrcp.f32 v35;
	v21 =	vld [tilespmem:s20+$0x4400]  }
0xea: {  	v9 =	vmul.f32 v9, v9;
	v8 =	vadd.f32 v16, v30;
	v13 =	vmul.f32 v13, v13  }
0xeb: {  	v15 =	vadd.f32 v15, v31;
	v3 =	vmul.f32 $1.000000000e+01, v3;
	v6 =	vsub.f32 v6, v34  }
0xec: {  	v8 =	vadd.f32 v8, v20;
	(erf) = vrcp.f32 v22;
	v9 =	vadd.f32 v9, v13  }
0xed: {  	v13 =	vsub.f32 v29, v15;
	(erf) = vrcp.f32 v42;
	v16 =	vld [tilespmem:s20+$0x5800];
	v6 =	vmul.f32 v6, v6  }
0xee: {  	v20 =	vmul.f32 v8, v18;
	v22 =	vsub.f32 v25, v8;
	v5 =	vsub.f32 v5, v21  }
0xef: {  	v3 =	vadd.f32 v4, v3;
	v6 =	vadd.f32 v9, v6;
	v9 =	vmul.f32 v27, v27  }
0xf0: {  	v4 =	vadd.f32 v4, v19;
	v21 =	vmul.f32 v22, v12;
	v24 =	vmul.f32 v22, v23  }
0xf1: {  	v15 =	vsub.f32 v15, v20;
	v19 =	vpop (erf);
	v20 =	vld [tilespmem:s20+$0x5C00];
	v9 =	vadd.f32 v6, v9;
	v6 =	vmul.f32 v11, v11;
	s20 =	smov.u32 s22  }
0xf2: {  	v5 =	vmul.f32 v5, v5;
	v11 =	vsub.f32 v13, v21;
	v13 =	vpop (erf);
	v3 =	vsub.f32 v3, v16  }
0xf3: {  	v15 =	vmul.f32 v15, v19;
	v8 =	vmul.f32 v8, v13;
	v9 =	vadd.f32 v9, v7  }
0xf4: {  	v16 =	vsub.f32 v11, v24;
	v13 =	vmul.f32 v10, v10;
	v7 =	vmul.f32 v3, v3  }
0xf5: {  	v14 =	vmul.f32 v14, v14;
	v3 =	vmul.f32 v15, v18;
	v10 =	vpop (erf);
	v9 =	vadd.f32 v9, v5  }
.Ltmp0:
0xf6: {  	v10 =	vmul.f32 v16, v10;
	v11 =	vpop (erf);
	v16 =	vmul.f32 v17, v17;
	v4 =	vsub.f32 v4, v20;
	(pc) =	sbr.rel @p2 .LBB2_4-.Ltmp0, $4  }
0xf7: {  	v5 =	vsub.f32 v8, v3;
	v8 =	vmul.f32 v22, v11;
	v11 =	vadd.f32 v9, v14  }
0xf8: {  	v3 =	vmax.f32 v15, $0.0e+00;
	v15 =	vmul.f32 v10, v23;
	v10 =	vmax.f32 v10, $0.0e+00  }
0xf9: {  	v9 =	vmin.f32 v3, $2.000000000e+00;
	v3 =	vmin.f32 v10, $2.000000000e+00;
	v14 =	vadd.f32 v11, v16  }
0xfa: {  	s22 =	sadd.s32 $0x10, s22;
	v8 =	vsub.f32 v8, v15;
	v10 =	vmul.f32 v3, v12;
	v11 =	vsel vm6, v9, v3  }
0xfb: {  	v12 =	vsel vm5, v9, v3;
	v15 =	vsel vm4, v9, v3  }
0xfc: {  	v16 =	vsel vm9, v9, v3;
	vm10 =	vmmov vm7;
	v8 =	vmax.f32 v8, $0.0e+00  }
0xfd: {  	v5 =	vmax.f32 v5, $0.0e+00;
	v17 =	vld [tilespmem:s20+$0x3400];
	vm14 =	vmmov vm8;
	v8 =	vmin.f32 v8, $1.000000000e+02  }
0xfe: {  	vm15 =	vmmov vm9;
	v31 =	vld [tilespmem:s20+$0x3000];
	v18 =	vsel vm0, v9, v3;
	v8 =	vsub.f32 v8, v10  }
0xff: {  	v11 =	vmul.f32 $4.000000000e+00, v11;
	v32 =	vsel vm3, v9, v3;
	v5 =	vmin.f32 v5, $1.000000000e+02  }
0x100: {  	v21 =	vld [tilespmem:s20+$0x3800];
	v36 =	vsel vm1, v9, v3;
	v15 =	vadd.f32 v15, v15;
	v19 =	vsel vm5, v5, v8  }
0x101: {  	v37 =	vsel vm10, v9, v3;
	v33 =	vsel vm4, v5, v8;
	v12 =	vadd.f32 v19, v12  }
0x102: {  	v23 =	vld [tilespmem:s20+$0x3C00];
	v34 =	vsel vm2, v5, v8;
	v19 =	vmul.f32 $3.000000000e+00, v32;
	v15 =	vadd.f32 v33, v15  }
0x103: {  	v35 =	vsel vm3, v5, v8;
	v10 =	vsub.f32 v34, v31;
	v12 =	vsub.f32 v12, v17  }
0x104: {  	v22 =	vld [tilespmem:s20+$0x4000];
	v16 =	vmul.f32 $5.000000000e+00, v16;
	v20 =	vsel vm6, v5, v8;
	v17 =	vadd.f32 v35, v19  }
0x105: {  	v39 =	vld [tilespmem:s20+$0x4400];
	v10 =	vmul.f32 v10, v10;
	v15 =	vsub.f32 v15, v21;
	v12 =	vmul.f32 v12, v12  }
0x106: {  	v38 =	vsel vm14, v9, v3;
	v44 =	vsel vm15, v5, v8;
	v11 =	vadd.f32 v20, v11  }
0x107: {  	v17 =	vsub.f32 v17, v23;
	v41 =	vmul.f32 v15, v15;
	v10 =	vadd.f32 v12, v10  }
0x108: {  	v40 =	vld [tilespmem:s20+$0x4800];
	v42 =	vmul.f32 $6.000000000e+00, v36;
	v46 =	vmul.f32 $7.000000000e+00, v18;
	v16 =	vadd.f32 v44, v16  }
0x109: {  	v11 =	vsub.f32 v11, v22;
	v45 =	vmul.f32 v17, v17;
	v10 =	vadd.f32 v10, v41  }
0x10a: {  	v47 =	vld [tilespmem:s20+$0x4C00];
	v43 =	vsel vm1, v5, v8;
	v48 =	vsel vm0, v5, v8;
	v16 =	vsub.f32 v16, v39  }
0x10b: {  	v11 =	vmul.f32 v11, v11;
	v15 =	vadd.f32 v43, v42;
	v10 =	vadd.f32 v10, v45  }
0x10c: {  	v49 =	vld [tilespmem:s20+$0x5000];
	v52 =	vmul.f32 $8.000000000e+00, v37;
	v53 =	vsel vm10, v5, v8;
	v51 =	vadd.f32 v48, v46  }
0x10d: {  	v16 =	vmul.f32 v16, v16;
	v50 =	vsub.f32 v15, v40;
	v10 =	vadd.f32 v10, v11  }
0x10e: {  	v54 =	vld [tilespmem:s20+$0x5400];
	v9 =	vmul.f32 $9.000000000e+00, v38;
	v5 =	vsel vm14, v5, v8;
	v55 =	vadd.f32 v53, v52  }
0x10f: {  	v15 =	vsub.f32 v51, v47;
	v12 =	vmul.f32 v50, v50;
	v10 =	vadd.f32 v10, v16  }
0x110: {  	v57 =	vld [tilespmem:s20+$0x5800];
	v58 =	vmul.f32 $1.000000000e+01, v3;
	v5 =	vadd.f32 v5, v9  }
0x111: {  	v56 =	vsub.f32 v55, v49;
	v15 =	vmul.f32 v15, v15;
	v10 =	vadd.f32 v10, v12  }
0x112: {  	v59 =	vadd.f32 v14, v13;
	v60 =	vld [tilespmem:s20+$0x5C00];
	v3 =	vmul.f32 $1.100000000e+01, v3;
	v61 =	vadd.f32 v8, v58  }
0x113: {  	v5 =	vsub.f32 v5, v54;
	v9 =	vmul.f32 v56, v56;
	v10 =	vadd.f32 v10, v15  }
0x114: {  	v6 =	vadd.f32 v59, v6;
	v3 =	vadd.f32 v8, v3  }
0x115: {  	v62 =	vsub.f32 v61, v57;
	v5 =	vmul.f32 v5, v5;
	v9 =	vadd.f32 v10, v9  }
0x116: {  	v4 =	vmul.f32 v4, v4;
	v6 =	vadd.f32 v6, v7  }
0x117: {  	v3 =	vsub.f32 v3, v60;
	v63 =	vmul.f32 v62, v62;
	v5 =	vadd.f32 v9, v5;
	_ =	sdelay $0x1  }
0x118: {  	v4 =	vadd.f32 v6, v4;
	v3 =	vmul.f32 v3, v3;
	v5 =	vadd.f32 v5, v63;
	_ =	sdelay $0x1  }
0x119: {  	s19 =	sadd.s32 $0x1, s19;
	v2 =	vadd.f32 v4, v2;
	v3 =	vadd.f32 v5, v3  }
0x11a: {  	p2 =	sne.s32 s19, $0x8  }
.Ltmp1:
0x11b: {  	v2 =	vadd.f32 v3, v2;
	(pc) =	sbr.rel @p2 .LBB2_3-.Ltmp1, $3  }
0x11c: {  	_ = 	snop  }
0x11d: {  	v1 =	vadd.f32 v1, v2;
	_ =	sdelay $0x1  }
0x11e: {  	s18 =	sadd.s32 $0x80, s18;
	[tilespmem:$0x0] =	vst v1  }
0x11f: {  	p2 =	seq.s32 s17, $0x7  }
0x120: {  	s19 =	simm.s32 $0x1;
	s17 =	sadd.s32 $0x1, s17;
	p0 =	por p2, p0  }
0x121: {  	s19 =	simm.s32 @!p0 $0x0;
	p0 =	sne.s32 s17, $0x8  }
.Ltmp2:
0x122: {  	_ = 	snop;
	(pc) =	sbr.rel @p0 .LBB2_2-.Ltmp2, $4  }
0x123: {  	_ = 	snop  }
0x124: {  	s18 =	simm.s32 $0x1  }
0x125: {  	s18 =	simm.s32 @!p1 $0x0  }
0x126: {  	_ =	strace $0x9000004B;
	s16 =	sadd.s32 s18, s16;
	s14 =	sadd.s32 s19, s14  }
0x127: {  	s12 =	sadd.s32 $0x1, s12  }
0x128: {  	p0 =	sne.s32 s12, s7  }
.Ltmp3:
0x129: {  	_ = 	snop;
	(pc) =	sbr.rel @p0 .LBB2_1-.Ltmp3, $4  }
0x12a: {  	[hbm4b:s6+s2] =	stream.linear.scatter [tilespmem:s2], [sflag:$0x1], $0x80, $0x38;
	[tilespmem:$0xC080] =	vst v63  }
0x12b: {  	_ =	swait.ge [sflag:s11], $0x80  }
0x12c: {  	[sflag:s11] =	ssyncset.done $0x0  }
0x12d: {  	[sflag:s11] =	ssyncadd.s32 $0xFFFFFF80  }
0x12e: {  	_ =	sfence.sel $0x180000  }
0x12f: {  	[bflag:$0x0] =	sbarrier.arrive $0xFFFF  }
0x130: {  	p0 =	sne.s32 s3, $0x0;
	_ =	strace $0x90000047  }
0x131: {  	s0 =	sadd.s32 @!p0 $0x100000, s0;
	[bflag:$0x2] =	sbarrier.arrive $0xFFFF  }
0x132: {  	[sflag:s0] =	ssyncadd.tile.s32 @!p0 $0x1;
	_ =	shalt  }
.Lfunc_end2:
_tile_overlayer_lowered:
.L_overlay_start_2:
0x133: {  	(tag) =	ssettag $0x2  }
0x134: {  	s0 =	rddreg [dreg:$0x0];
	s2 =	stileid.u32  }
0x135: {  	s1 =	rddreg [dreg:$0x1];
	p0 =	sne.s32 s2, $0x0  }
0x136: {  	s3 =	rddreg [dreg:$0x2];
	[bflag:$0x3] =	sbarrier.arrive $0xFFFF;
	s2 =	simm.s32 @!p0 $0x1C01  }
0x137: {  	[timem:s3], [sflag:s2] =	dma.local @!p0 [hbm:s0], s1  }
0x138: {  	s0 =	simm.s32 @!p0 $0x1  }
0x139: {  	_ =	swait.ge @!p0 [sflag:s0], s1  }
0x13a: {  	s1 =	ssub.s32 @!p0 $0x0, s1;
	[sflag:s0] =	ssyncset.done @!p0 $0x0  }
0x13b: {  	[sflag:s0] =	ssyncadd.s32 @!p0 s1  }
0x13c: {  	[bflag:$0x3] =	sbarrier.arrive $0xFFFF  }
0x13d: {  	_ =	shalt  }

</sc_bundles>
